<compile_context>
chip_gen: v7x
topology: tpu7x:2x2x1
jax: 0.10.2.dev20260603
libtpu: 0.0.44.dev20260713+nightly
codegen_flags: <defaults>
</compile_context>

<pallas_src>
import jax
import jax.numpy as jnp
from jax import lax
from jax.experimental import pallas as pl
from jax.experimental.pallas import tpu as pltpu
from jax.experimental.pallas import tpu_sc as plsc

_B = 256
_N = 100000
_C = 1024
_NC = 2
_NS = 16
_NW = _NC * _NS
_CT = _N // _NW
_LABPAD = 3200
_PADLAB = 1000
_SCAN_ITERS = _LABPAD // 16
_BATCH = 128
_MCOL = 3328


def _popcnt(m):
    return plsc.all_reduce_population_count(m)[0]


def _nca_sc_body(xt_ref, idx_ref, lab1_ref, lab2_ref, out_ref,
                 idx_v, y_v, head_v, next_v, lab_v, mcol_v, mhead_v,
                 buf0_v, buf1_v, pacc16_v, pacc_v, tmp16_v, own16_v,
                 ownbuf_v, shared_p, sem, sem0, sem1, sem2, sem3):
    sid = lax.axis_index("s")
    cid = lax.axis_index("c")
    wid = cid * _NS + sid
    lanes = lax.iota(jnp.int32, 16)
    zero16 = jnp.zeros((16,), jnp.int32)
    zf16 = jnp.zeros((16,), jnp.float32)

    lab2_dma = pltpu.async_copy(lab2_ref.at[wid], lab_v, sem2)
    pltpu.sync_copy(idx_ref, idx_v)

    @pl.when(cid == 0)
    def _():
        pltpu.async_copy(xt_ref.at[idx_v.at[pl.ds(sid * 16, 16)]],
                         ownbuf_v, sem3)
    for j in range(_B // 128):
        pltpu.async_copy(lab1_ref.at[idx_v.at[pl.ds(j * 128, 128)]],
                         y_v.at[pl.ds(j * 128, 128)], sem).wait()

    def z_head(k, c):
        head_v[pl.ds(k * 16, 16)] = zero16
        return c
    lax.fori_loop(0, _C // 16, z_head, 0)

    lane0 = lanes == 0

    def chain(k, c):
        y16 = y_v[pl.ds(k * 16, 16)]
        for l in range(16):
            i = k * 16 + l
            yi = jnp.full((16,), y16[l], jnp.int32)
            hv = plsc.load_gather(head_v, [yi])
            plsc.store_scatter(next_v, [jnp.full((16,), i, jnp.int32)], hv,
                               mask=lane0)
            plsc.store_scatter(head_v, [yi],
                               jnp.full((16,), i + 1, jnp.int32), mask=lane0)
        return c
    lax.fori_loop(0, _B // 16, chain, 0)

    lab2_dma.wait()
    base = wid * _CT

    def scan1(k, mptr):
        loc = k * 16 + lanes
        valid = loc < _CT
        lab16 = lab_v[pl.ds(k * 16, 16)]
        h16 = plsc.load_gather(head_v, [lab16])
        m = (h16 > 0) & valid
        plsc.store_compressed(mcol_v.at[pl.ds(mptr, 16)], base + loc, mask=m)
        plsc.store_compressed(mhead_v.at[pl.ds(mptr, 16)], h16, mask=m)
        return mptr + _popcnt(m)
    mcount = lax.fori_loop(0, _SCAN_ITERS, scan1, jnp.int32(0))

    def z_tail(k, c):
        mcol_v[pl.ds(mcount + k * 16, 16)] = wid * _BATCH + k * 16 + lanes
        return c
    lax.fori_loop(0, _BATCH // 16, z_tail, 0)

    def z_p16(k, c):
        pacc16_v[pl.ds(k * 16, 16)] = zf16
        return c
    lax.fori_loop(0, (16 * _B) // 16, z_p16, 0)

    nb = (mcount + _BATCH - 1) // _BATCH

    def fire(b, buf, bsem):
        pltpu.async_copy(
            xt_ref.at[mcol_v.at[pl.ds(b * _BATCH, _BATCH)]], buf, bsem)

    def wait(b, buf, bsem):
        pltpu.make_async_copy(
            xt_ref.at[mcol_v.at[pl.ds(b * _BATCH, _BATCH)]], buf,
            bsem).wait()

    def process(b, buf):
        for v in range(_BATCH // 16):
            pos = b * _BATCH + v * 16 + lanes
            valid = pos < mcount
            mh16 = mhead_v[pl.ds(b * _BATCH + v * 16, 16)]
            cur0 = jnp.where(valid, mh16, 0)
            c_loc = v * 16 + lanes

            def w_cond(cur):
                return _popcnt(cur > 0) > 0

            def w_body(cur):
                m = cur > 0
                r = jnp.where(m, cur - 1, 0)
                val = plsc.load_gather(buf, [c_loc, r], mask=m)
                e = jnp.exp(jnp.where(m, val, 0.0))
                plsc.addupdate_scatter(pacc16_v, [lanes * _B + r], e, mask=m)
                return jnp.where(m, plsc.load_gather(next_v, [r]), 0)

            lax.while_loop(w_cond, w_body, cur0)

    @pl.when(nb > 0)
    def _():
        fire(jnp.int32(0), buf0_v, sem0)

    def pair_cond(b):
        return b < nb

    def pair_body(b):
        @pl.when(b + 1 < nb)
        def _():
            fire(b + 1, buf1_v, sem1)
        wait(b, buf0_v, sem0)
        process(b, buf0_v)

        @pl.when(b + 2 < nb)
        def _():
            fire(b + 2, buf0_v, sem0)

        @pl.when(b + 1 < nb)
        def _():
            wait(b + 1, buf1_v, sem1)
            process(b + 1, buf1_v)
        return b + 2

    lax.while_loop(pair_cond, pair_body, jnp.int32(0))

    def red16(k, c):
        acc = zf16
        for l in range(16):
            acc = acc + pacc16_v[pl.ds(l * _B + k * 16, 16)]
        pacc_v[pl.ds(k * 16, 16)] = acc
        return c
    lax.fori_loop(0, _B // 16, red16, 0)

    @pl.when(cid == 0)
    def _():
        pltpu.make_async_copy(xt_ref.at[idx_v.at[pl.ds(sid * 16, 16)]],
                              ownbuf_v, sem3).wait()
        own = plsc.load_gather(ownbuf_v, [lanes, sid * 16 + lanes])
        pacc_v[pl.ds(sid * 16, 16)] = (pacc_v[pl.ds(sid * 16, 16)]
                                       - jnp.exp(own))
    pltpu.sync_copy(pacc_v, shared_p.at[sid])
    plsc.subcore_barrier()

    acc = zf16
    for w in range(_NS):
        pltpu.sync_copy(shared_p.at[w, pl.ds(sid * 16, 16)], tmp16_v)
        acc = acc + tmp16_v[pl.ds(0, 16)]
    own16_v[pl.ds(0, 16)] = acc
    pltpu.sync_copy(own16_v, out_ref.at[pl.ds(cid * _B + sid * 16, 16)])


def kernel(x, features, indexes, labels):
    del features
    xt = x.T
    idx32 = indexes.astype(jnp.int32)
    lab32 = labels.astype(jnp.int32)
    lab2 = jnp.full((_NW, _LABPAD), _PADLAB, jnp.int32)
    lab2 = lab2.at[:, :_CT].set(lab32.reshape(_NW, _CT))

    mesh = plsc.VectorSubcoreMesh(core_axis_name="c", subcore_axis_name="s")
    fn = pl.kernel(
        _nca_sc_body,
        out_type=jax.ShapeDtypeStruct((_NC * _B,), jnp.float32),
        mesh=mesh,
        compiler_params=pltpu.CompilerParams(needs_layout_passes=False),
        scratch_types=[
            pltpu.VMEM((_B,), jnp.int32),
            pltpu.VMEM((_B,), jnp.int32),
            pltpu.VMEM((_C,), jnp.int32),
            pltpu.VMEM((_B,), jnp.int32),
            pltpu.VMEM((_LABPAD,), jnp.int32),
            pltpu.VMEM((_MCOL,), jnp.int32),
            pltpu.VMEM((_MCOL,), jnp.int32),
            pltpu.VMEM((_BATCH, _B), jnp.float32),
            pltpu.VMEM((_BATCH, _B), jnp.float32),
            pltpu.VMEM((16 * _B,), jnp.float32),
            pltpu.VMEM((_B,), jnp.float32),
            pltpu.VMEM((16,), jnp.float32),
            pltpu.VMEM((16,), jnp.float32),
            pltpu.VMEM((16, _B), jnp.float32),
            pltpu.VMEM_SHARED((_NS, _B), jnp.float32),
            pltpu.SemaphoreType.DMA,
            pltpu.SemaphoreType.DMA,
            pltpu.SemaphoreType.DMA,
            pltpu.SemaphoreType.DMA,
            pltpu.SemaphoreType.DMA,
        ],
    )
    partial = fn(xt, idx32, lab32, lab2)
    return partial[:_B] + partial[_B:]

# --- scband reference (transcript-rebuilt; emitter-appended) ---
"""Pipeline reference for scband-nca-7541962571867 (READ-ONLY COPY).

The authoritative reference and input builder live on the scoring server;
editing this copy changes nothing except your own understanding.
"""

import jax, jax.numpy as jnp
import numpy as np

N_INSTANCES = 100000
NUM_CLASSES = 1000

def setup_inputs(seed: int = 0) -> dict:
    key = jax.random.key(seed)
    k1, k2, k3, k4 = jax.random.split(key, 4)
    x = jax.random.normal(k1, (256, N_INSTANCES), dtype=jnp.float32)
    features = jax.random.normal(k2, (256, 128), dtype=jnp.float32)
    indexes = jax.random.randint(k3, (256,), 0, N_INSTANCES, dtype=jnp.int64)
    labels = jax.random.randint(k4, (N_INSTANCES,), 0, NUM_CLASSES, dtype=jnp.int64)
    return {"x": x, "features": features, "indexes": indexes, "labels": labels}

def reference(x, features, indexes, labels):
    # exp = torch.exp(x)
    exp = jnp.exp(x)
    # y = labels[indexes].view(B, 1)
    y = jnp.take(labels, indexes, axis=0)[:, None]
    # same = y.repeat(1, n).eq_(labels)  (broadcast compare)
    same = (y == labels[None, :]).astype(jnp.float32)
    # exp.scatter_(1, indexes.view(-1,1), 0)  -> zero own-index column per row
    B = x.shape[0]
    exp = exp.at[jnp.arange(B), indexes].set(0.0)
    # p = (exp * same).sum(dim=1)
    p = jnp.sum(exp * same, axis=1)
    return p

if __name__ == "__main__":
    import jax
    _d = setup_inputs()
    print(jax.jit(kernel)(*tuple(_d.values())))

</pallas_src>

<mosaic_0001>
#map = affine_map<(d0, d1) -> (0, 0)>
#map1 = affine_map<(d0, d1) -> (0)>
module attributes {stable_mosaic.version = 14 : i64} {
  func.func @_nca_sc_body(%arg0: i32, %arg1: i32, %arg2: memref<100000x256xf32, #tpu.memory_space<hbm>>, %arg3: memref<256xi32, #tpu.memory_space<hbm>>, %arg4: memref<100000xi32, #tpu.memory_space<hbm>>, %arg5: memref<32x3200xi32, #tpu.memory_space<hbm>>, %arg6: memref<512xf32, #tpu.memory_space<hbm>>, %arg7: memref<256xi32, #tpu.memory_space<vmem>>, %arg8: memref<256xi32, #tpu.memory_space<vmem>>, %arg9: memref<1024xi32, #tpu.memory_space<vmem>>, %arg10: memref<256xi32, #tpu.memory_space<vmem>>, %arg11: memref<3200xi32, #tpu.memory_space<vmem>>, %arg12: memref<3328xi32, #tpu.memory_space<vmem>>, %arg13: memref<3328xi32, #tpu.memory_space<vmem>>, %arg14: memref<128x256xf32, #tpu.memory_space<vmem>>, %arg15: memref<128x256xf32, #tpu.memory_space<vmem>>, %arg16: memref<4096xf32, #tpu.memory_space<vmem>>, %arg17: memref<256xf32, #tpu.memory_space<vmem>>, %arg18: memref<16xf32, #tpu.memory_space<vmem>>, %arg19: memref<16xf32, #tpu.memory_space<vmem>>, %arg20: memref<16x256xf32, #tpu.memory_space<vmem>>, %arg21: memref<16x256xf32, #tpu.memory_space<vmem_shared>>, %arg22: memref<!tpu.dma_semaphore, #tpu.memory_space<semaphore_mem>>, %arg23: memref<!tpu.dma_semaphore, #tpu.memory_space<semaphore_mem>>, %arg24: memref<!tpu.dma_semaphore, #tpu.memory_space<semaphore_mem>>, %arg25: memref<!tpu.dma_semaphore, #tpu.memory_space<semaphore_mem>>, %arg26: memref<!tpu.dma_semaphore, #tpu.memory_space<semaphore_mem>>) attributes {dimension_semantics = [#tpu.dimension_semantics<core_parallel>, #tpu.dimension_semantics<subcore_parallel>], iteration_bounds = array<i64: 2, 16>, scalar_prefetch = 0 : i64, scratch_operands = 20 : i64, tpu.core_type = #tpu.core_type<sc_vector_subcore>, window_params = [{transform_indices = #map}, {transform_indices = #map1}, {transform_indices = #map1}, {transform_indices = #map}, {transform_indices = #map1}]} {
    %mul3A = arith.constant 16 : i32
    %mul3A_0 = arith.muli %arg0, %mul3A : i32
    %add3A = arith.addi %mul3A_0, %arg1 : i32
    %iota3A = tpu.iota {dimensions = array<i32: 0>} : vector<16xi32>
    %broadcast_in_dim3A = arith.constant 0 : i32
    %broadcast_in_dim3A_1 = vector.broadcast %broadcast_in_dim3A : i32 to vector<16xi32>
    %broadcast_in_dim3A_2 = arith.constant 0.000000e+00 : f32
    %broadcast_in_dim3A_3 = vector.broadcast %broadcast_in_dim3A_2 : f32 to vector<16xf32>
    %dma_start3A = arith.constant 0 : i32
    %dma_start3A_4 = tpu.memref_slice %arg5[%add3A, %dma_start3A] : memref<32x3200xi32, #tpu.memory_space<hbm>> -> memref<1x3200xi32, #tpu.memory_space<hbm>>
    %dma_start3A_5 = tpu.memref_squeeze %dma_start3A_4 : memref<1x3200xi32, #tpu.memory_space<hbm>> -> memref<3200xi32, #tpu.memory_space<hbm>>
    %dma_start3A_6 = arith.constant 0 : i32
    %dma_start3A_7 = tpu.memref_slice %arg5[%add3A, %dma_start3A_6] : memref<32x3200xi32, #tpu.memory_space<hbm>> -> memref<1x3200xi32, #tpu.memory_space<hbm>>
    %dma_start3A_8 = tpu.memref_squeeze %dma_start3A_7 : memref<1x3200xi32, #tpu.memory_space<hbm>> -> memref<3200xi32, #tpu.memory_space<hbm>>
    tpu.enqueue_dma source(%dma_start3A_8 : memref<3200xi32, #tpu.memory_space<hbm>>) target(%arg11 : memref<3200xi32, #tpu.memory_space<vmem>>) target_semaphore(%arg25 : memref<!tpu.dma_semaphore, #tpu.memory_space<semaphore_mem>>)
    "tpu.region"() ({
      %run_scoped3A_211 = tpu.sem_alloc : memref<!tpu.dma_semaphore, #tpu.memory_space<semaphore_mem>>
      tpu.enqueue_dma source(%arg3 : memref<256xi32, #tpu.memory_space<hbm>>) target(%arg7 : memref<256xi32, #tpu.memory_space<vmem>>) target_semaphore(%run_scoped3A_211 : memref<!tpu.dma_semaphore, #tpu.memory_space<semaphore_mem>>)
      tpu.wait_dma2 semaphore(%run_scoped3A_211 : memref<!tpu.dma_semaphore, #tpu.memory_space<semaphore_mem>>) src(%arg3 : memref<256xi32, #tpu.memory_space<hbm>>) dst(%arg7 : memref<256xi32, #tpu.memory_space<vmem>>)
      tpu.yield
    }) : () -> ()
    %eq3A = arith.constant 0 : i32
    %eq3A_9 = arith.cmpi eq, %arg0, %eq3A : i32
    %convert_element_type3A = arith.extui %eq3A_9 : i1 to i32
    %cond3A = arith.constant 0 : i32
    %cond3A_10 = arith.cmpi ne, %convert_element_type3A, %cond3A : i32
    scf.if %cond3A_10 {
      %mul3A_211 = arith.constant 16 : i32
      %mul3A_212 = arith.muli %arg1, %mul3A_211 : i32
      %dma_start3A_213 = tpu.memref_slice %arg7[%mul3A_212] : memref<256xi32, #tpu.memory_space<vmem>> -> memref<16xi32, #tpu.memory_space<vmem>>
      %dma_start3A_214 = arith.constant 0 : i32
      %dma_start3A_215 = arith.constant 0 : i32
      %dma_start3A_216 = tpu.memref_slice %arg2[%dma_start3A_214, %dma_start3A_215] : memref<100000x256xf32, #tpu.memory_space<hbm>> -> memref<100000x256xf32, #tpu.memory_space<hbm>>
      tpu.enqueue_indirect_dma source(%dma_start3A_216 : memref<100000x256xf32, #tpu.memory_space<hbm>>) target(%arg20 : memref<16x256xf32, #tpu.memory_space<vmem>>) offsets(%dma_start3A_213 : memref<16xi32, #tpu.memory_space<vmem>>) semaphore(%arg26 : memref<!tpu.dma_semaphore, #tpu.memory_space<semaphore_mem>>)
    } else {
    }
    %dma_start3A_11 = arith.constant 0 : i32
    %dma_start3A_12 = tpu.memref_slice %arg8[%dma_start3A_11] : memref<256xi32, #tpu.memory_space<vmem>> -> memref<128xi32, #tpu.memory_space<vmem>>
    %dma_start3A_13 = arith.constant 0 : i32
    %dma_start3A_14 = tpu.memref_slice %arg7[%dma_start3A_13] : memref<256xi32, #tpu.memory_space<vmem>> -> memref<128xi32, #tpu.memory_space<vmem>>
    %dma_start3A_15 = arith.constant 0 : i32
    %dma_start3A_16 = tpu.memref_slice %arg4[%dma_start3A_15] : memref<100000xi32, #tpu.memory_space<hbm>> -> memref<100000xi32, #tpu.memory_space<hbm>>
    tpu.enqueue_indirect_dma source(%dma_start3A_16 : memref<100000xi32, #tpu.memory_space<hbm>>) target(%dma_start3A_12 : memref<128xi32, #tpu.memory_space<vmem>>) offsets(%dma_start3A_14 : memref<128xi32, #tpu.memory_space<vmem>>) semaphore(%arg22 : memref<!tpu.dma_semaphore, #tpu.memory_space<semaphore_mem>>)
    %dma_wait3A = arith.constant 0 : i32
    %dma_wait3A_17 = tpu.memref_slice %arg8[%dma_wait3A] : memref<256xi32, #tpu.memory_space<vmem>> -> memref<128xi32, #tpu.memory_space<vmem>>
    %dma_wait3A_18 = arith.constant 0 : i32
    %dma_wait3A_19 = tpu.memref_slice %arg7[%dma_wait3A_18] : memref<256xi32, #tpu.memory_space<vmem>> -> memref<128xi32, #tpu.memory_space<vmem>>
    %dma_wait3A_20 = arith.constant 0 : i32
    %dma_wait3A_21 = tpu.memref_slice %arg4[%dma_wait3A_20] : memref<100000xi32, #tpu.memory_space<hbm>> -> memref<100000xi32, #tpu.memory_space<hbm>>
    tpu.wait_indirect_dma semaphore(%arg22 : memref<!tpu.dma_semaphore, #tpu.memory_space<semaphore_mem>>) src(%dma_wait3A_21 : memref<100000xi32, #tpu.memory_space<hbm>>) dst(%dma_wait3A_17 : memref<128xi32, #tpu.memory_space<vmem>>)
    %dma_start3A_22 = arith.constant 128 : i32
    %dma_start3A_23 = tpu.memref_slice %arg8[%dma_start3A_22] : memref<256xi32, #tpu.memory_space<vmem>> -> memref<128xi32, #tpu.memory_space<vmem>>
    %dma_start3A_24 = arith.constant 128 : i32
    %dma_start3A_25 = tpu.memref_slice %arg7[%dma_start3A_24] : memref<256xi32, #tpu.memory_space<vmem>> -> memref<128xi32, #tpu.memory_space<vmem>>
    %dma_start3A_26 = arith.constant 0 : i32
    %dma_start3A_27 = tpu.memref_slice %arg4[%dma_start3A_26] : memref<100000xi32, #tpu.memory_space<hbm>> -> memref<100000xi32, #tpu.memory_space<hbm>>
    tpu.enqueue_indirect_dma source(%dma_start3A_27 : memref<100000xi32, #tpu.memory_space<hbm>>) target(%dma_start3A_23 : memref<128xi32, #tpu.memory_space<vmem>>) offsets(%dma_start3A_25 : memref<128xi32, #tpu.memory_space<vmem>>) semaphore(%arg22 : memref<!tpu.dma_semaphore, #tpu.memory_space<semaphore_mem>>)
    %dma_wait3A_28 = arith.constant 128 : i32
    %dma_wait3A_29 = tpu.memref_slice %arg8[%dma_wait3A_28] : memref<256xi32, #tpu.memory_space<vmem>> -> memref<128xi32, #tpu.memory_space<vmem>>
    %dma_wait3A_30 = arith.constant 128 : i32
    %dma_wait3A_31 = tpu.memref_slice %arg7[%dma_wait3A_30] : memref<256xi32, #tpu.memory_space<vmem>> -> memref<128xi32, #tpu.memory_space<vmem>>
    %dma_wait3A_32 = arith.constant 0 : i32
    %dma_wait3A_33 = tpu.memref_slice %arg4[%dma_wait3A_32] : memref<100000xi32, #tpu.memory_space<hbm>> -> memref<100000xi32, #tpu.memory_space<hbm>>
    tpu.wait_indirect_dma semaphore(%arg22 : memref<!tpu.dma_semaphore, #tpu.memory_space<semaphore_mem>>) src(%dma_wait3A_33 : memref<100000xi32, #tpu.memory_space<hbm>>) dst(%dma_wait3A_29 : memref<128xi32, #tpu.memory_space<vmem>>)
    %scan3A = arith.constant 0 : i32
    %scan3A_34 = arith.constant 0 : i32
    %scan3A_35 = arith.constant 64 : i32
    %scan3A_36 = arith.addi %scan3A_34, %scan3A_35 : i32
    %scan3A_37 = arith.constant 1 : i32
    scf.for %scan3A_211 = %scan3A_34 to %scan3A_36 step %scan3A_37  : i32 {
      %mul3A_212 = arith.constant 16 : i32
      %mul3A_213 = arith.muli %scan3A_211, %mul3A_212 : i32
      %swap3A_214 = arith.index_cast %mul3A_213 : i32 to index
      %swap3A_215 = tpu.vector_load %arg9[%swap3A_214] {strides = array<i32>} : memref<1024xi32, #tpu.memory_space<vmem>>, vector<16xi32>,
      tpu.vector_store %arg9[%swap3A_214], %broadcast_in_dim3A_1 {strides = array<i32>} : memref<1024xi32, #tpu.memory_space<vmem>>, vector<16xi32>,
    }
    %scan3A_38 = arith.constant 64 : i32
    %eq3A_39 = arith.constant 0 : i32
    %eq3A_40 = vector.broadcast %eq3A_39 : i32 to vector<16xi32>
    %eq3A_41 = arith.cmpi eq, %iota3A, %eq3A_40 : vector<16xi32>
    %scan3A_42 = arith.constant 0 : i32
    %scan3A_43 = arith.constant 0 : i32
    %scan3A_44 = arith.constant 16 : i32
    %scan3A_45 = arith.addi %scan3A_43, %scan3A_44 : i32
    %scan3A_46 = arith.constant 1 : i32
    scf.for %scan3A_211 = %scan3A_43 to %scan3A_45 step %scan3A_46  : i32 {
      %mul3A_212 = arith.constant 16 : i32
      %mul3A_213 = arith.muli %scan3A_211, %mul3A_212 : i32
      %get3A_214 = arith.index_cast %mul3A_213 : i32 to index
      %get3A_215 = tpu.vector_load %arg8[%get3A_214] {strides = array<i32>} : memref<256xi32, #tpu.memory_space<vmem>>, vector<16xi32>,
      %mul3A_216 = arith.constant 16 : i32
      %mul3A_217 = arith.muli %scan3A_211, %mul3A_216 : i32
      %add3A_218 = arith.constant 0 : i32
      %add3A_219 = arith.addi %mul3A_217, %add3A_218 : i32
      %slice3A = vector.extract_strided_slice %get3A_215 {offsets = [0], sizes = [1], strides = [1]} : vector<16xi32> to vector<1xi32>
      %squeeze3A = vector.extract %slice3A[0] : i32 from vector<1xi32>
      %broadcast_in_dim3A_220 = vector.broadcast %squeeze3A : i32 to vector<16xi32>
      %gather3A = tpu.vector_load_idx %arg9[%broadcast_in_dim3A_220] : memref<1024xi32, #tpu.memory_space<vmem>>[vector<16xi32>], vector<16xi32>,
      %broadcast_in_dim3A_221 = vector.broadcast %add3A_219 : i32 to vector<16xi32>
      tpu.vector_store_idx %arg10[%broadcast_in_dim3A_221], %gather3A masked %eq3A_41 : memref<256xi32, #tpu.memory_space<vmem>>[vector<16xi32>], vector<16xi32>, vector<16xi1>
      %add3A_222 = arith.constant 1 : i32
      %add3A_223 = arith.addi %add3A_219, %add3A_222 : i32
      %broadcast_in_dim3A_224 = vector.broadcast %add3A_223 : i32 to vector<16xi32>
      tpu.vector_store_idx %arg9[%broadcast_in_dim3A_220], %broadcast_in_dim3A_224 masked %eq3A_41 : memref<1024xi32, #tpu.memory_space<vmem>>[vector<16xi32>], vector<16xi32>, vector<16xi1>
      %mul3A_225 = arith.constant 16 : i32
      %mul3A_226 = arith.muli %scan3A_211, %mul3A_225 : i32
      %add3A_227 = arith.constant 1 : i32
      %add3A_228 = arith.addi %mul3A_226, %add3A_227 : i32
      %slice3A_229 = vector.extract_strided_slice %get3A_215 {offsets = [1], sizes = [1], strides = [1]} : vector<16xi32> to vector<1xi32>
      %squeeze3A_230 = vector.extract %slice3A_229[0] : i32 from vector<1xi32>
      %broadcast_in_dim3A_231 = vector.broadcast %squeeze3A_230 : i32 to vector<16xi32>
      %gather3A_232 = tpu.vector_load_idx %arg9[%broadcast_in_dim3A_231] : memref<1024xi32, #tpu.memory_space<vmem>>[vector<16xi32>], vector<16xi32>,
      %broadcast_in_dim3A_233 = vector.broadcast %add3A_228 : i32 to vector<16xi32>
      tpu.vector_store_idx %arg10[%broadcast_in_dim3A_233], %gather3A_232 masked %eq3A_41 : memref<256xi32, #tpu.memory_space<vmem>>[vector<16xi32>], vector<16xi32>, vector<16xi1>
      %add3A_234 = arith.constant 1 : i32
      %add3A_235 = arith.addi %add3A_228, %add3A_234 : i32
      %broadcast_in_dim3A_236 = vector.broadcast %add3A_235 : i32 to vector<16xi32>
      tpu.vector_store_idx %arg9[%broadcast_in_dim3A_231], %broadcast_in_dim3A_236 masked %eq3A_41 : memref<1024xi32, #tpu.memory_space<vmem>>[vector<16xi32>], vector<16xi32>, vector<16xi1>
      %mul3A_237 = arith.constant 16 : i32
      %mul3A_238 = arith.muli %scan3A_211, %mul3A_237 : i32
      %add3A_239 = arith.constant 2 : i32
      %add3A_240 = arith.addi %mul3A_238, %add3A_239 : i32
      %slice3A_241 = vector.extract_strided_slice %get3A_215 {offsets = [2], sizes = [1], strides = [1]} : vector<16xi32> to vector<1xi32>
      %squeeze3A_242 = vector.extract %slice3A_241[0] : i32 from vector<1xi32>
      %broadcast_in_dim3A_243 = vector.broadcast %squeeze3A_242 : i32 to vector<16xi32>
      %gather3A_244 = tpu.vector_load_idx %arg9[%broadcast_in_dim3A_243] : memref<1024xi32, #tpu.memory_space<vmem>>[vector<16xi32>], vector<16xi32>,
      %broadcast_in_dim3A_245 = vector.broadcast %add3A_240 : i32 to vector<16xi32>
      tpu.vector_store_idx %arg10[%broadcast_in_dim3A_245], %gather3A_244 masked %eq3A_41 : memref<256xi32, #tpu.memory_space<vmem>>[vector<16xi32>], vector<16xi32>, vector<16xi1>
      %add3A_246 = arith.constant 1 : i32
      %add3A_247 = arith.addi %add3A_240, %add3A_246 : i32
      %broadcast_in_dim3A_248 = vector.broadcast %add3A_247 : i32 to vector<16xi32>
      tpu.vector_store_idx %arg9[%broadcast_in_dim3A_243], %broadcast_in_dim3A_248 masked %eq3A_41 : memref<1024xi32, #tpu.memory_space<vmem>>[vector<16xi32>], vector<16xi32>, vector<16xi1>
      %mul3A_249 = arith.constant 16 : i32
      %mul3A_250 = arith.muli %scan3A_211, %mul3A_249 : i32
      %add3A_251 = arith.constant 3 : i32
      %add3A_252 = arith.addi %mul3A_250, %add3A_251 : i32
      %slice3A_253 = vector.extract_strided_slice %get3A_215 {offsets = [3], sizes = [1], strides = [1]} : vector<16xi32> to vector<1xi32>
      %squeeze3A_254 = vector.extract %slice3A_253[0] : i32 from vector<1xi32>
      %broadcast_in_dim3A_255 = vector.broadcast %squeeze3A_254 : i32 to vector<16xi32>
      %gather3A_256 = tpu.vector_load_idx %arg9[%broadcast_in_dim3A_255] : memref<1024xi32, #tpu.memory_space<vmem>>[vector<16xi32>], vector<16xi32>,
      %broadcast_in_dim3A_257 = vector.broadcast %add3A_252 : i32 to vector<16xi32>
      tpu.vector_store_idx %arg10[%broadcast_in_dim3A_257], %gather3A_256 masked %eq3A_41 : memref<256xi32, #tpu.memory_space<vmem>>[vector<16xi32>], vector<16xi32>, vector<16xi1>
      %add3A_258 = arith.constant 1 : i32
      %add3A_259 = arith.addi %add3A_252, %add3A_258 : i32
      %broadcast_in_dim3A_260 = vector.broadcast %add3A_259 : i32 to vector<16xi32>
      tpu.vector_store_idx %arg9[%broadcast_in_dim3A_255], %broadcast_in_dim3A_260 masked %eq3A_41 : memref<1024xi32, #tpu.memory_space<vmem>>[vector<16xi32>], vector<16xi32>, vector<16xi1>
      %mul3A_261 = arith.constant 16 : i32
      %mul3A_262 = arith.muli %scan3A_211, %mul3A_261 : i32
      %add3A_263 = arith.constant 4 : i32
      %add3A_264 = arith.addi %mul3A_262, %add3A_263 : i32
      %slice3A_265 = vector.extract_strided_slice %get3A_215 {offsets = [4], sizes = [1], strides = [1]} : vector<16xi32> to vector<1xi32>
      %squeeze3A_266 = vector.extract %slice3A_265[0] : i32 from vector<1xi32>
      %broadcast_in_dim3A_267 = vector.broadcast %squeeze3A_266 : i32 to vector<16xi32>
      %gather3A_268 = tpu.vector_load_idx %arg9[%broadcast_in_dim3A_267] : memref<1024xi32, #tpu.memory_space<vmem>>[vector<16xi32>], vector<16xi32>,
      %broadcast_in_dim3A_269 = vector.broadcast %add3A_264 : i32 to vector<16xi32>
      tpu.vector_store_idx %arg10[%broadcast_in_dim3A_269], %gather3A_268 masked %eq3A_41 : memref<256xi32, #tpu.memory_space<vmem>>[vector<16xi32>], vector<16xi32>, vector<16xi1>
      %add3A_270 = arith.constant 1 : i32
      %add3A_271 = arith.addi %add3A_264, %add3A_270 : i32
      %broadcast_in_dim3A_272 = vector.broadcast %add3A_271 : i32 to vector<16xi32>
      tpu.vector_store_idx %arg9[%broadcast_in_dim3A_267], %broadcast_in_dim3A_272 masked %eq3A_41 : memref<1024xi32, #tpu.memory_space<vmem>>[vector<16xi32>], vector<16xi32>, vector<16xi1>
      %mul3A_273 = arith.constant 16 : i32
      %mul3A_274 = arith.muli %scan3A_211, %mul3A_273 : i32
      %add3A_275 = arith.constant 5 : i32
      %add3A_276 = arith.addi %mul3A_274, %add3A_275 : i32
      %slice3A_277 = vector.extract_strided_slice %get3A_215 {offsets = [5], sizes = [1], strides = [1]} : vector<16xi32> to vector<1xi32>
      %squeeze3A_278 = vector.extract %slice3A_277[0] : i32 from vector<1xi32>
      %broadcast_in_dim3A_279 = vector.broadcast %squeeze3A_278 : i32 to vector<16xi32>
      %gather3A_280 = tpu.vector_load_idx %arg9[%broadcast_in_dim3A_279] : memref<1024xi32, #tpu.memory_space<vmem>>[vector<16xi32>], vector<16xi32>,
      %broadcast_in_dim3A_281 = vector.broadcast %add3A_276 : i32 to vector<16xi32>
      tpu.vector_store_idx %arg10[%broadcast_in_dim3A_281], %gather3A_280 masked %eq3A_41 : memref<256xi32, #tpu.memory_space<vmem>>[vector<16xi32>], vector<16xi32>, vector<16xi1>
      %add3A_282 = arith.constant 1 : i32
      %add3A_283 = arith.addi %add3A_276, %add3A_282 : i32
      %broadcast_in_dim3A_284 = vector.broadcast %add3A_283 : i32 to vector<16xi32>
      tpu.vector_store_idx %arg9[%broadcast_in_dim3A_279], %broadcast_in_dim3A_284 masked %eq3A_41 : memref<1024xi32, #tpu.memory_space<vmem>>[vector<16xi32>], vector<16xi32>, vector<16xi1>
      %mul3A_285 = arith.constant 16 : i32
      %mul3A_286 = arith.muli %scan3A_211, %mul3A_285 : i32
      %add3A_287 = arith.constant 6 : i32
      %add3A_288 = arith.addi %mul3A_286, %add3A_287 : i32
      %slice3A_289 = vector.extract_strided_slice %get3A_215 {offsets = [6], sizes = [1], strides = [1]} : vector<16xi32> to vector<1xi32>
      %squeeze3A_290 = vector.extract %slice3A_289[0] : i32 from vector<1xi32>
      %broadcast_in_dim3A_291 = vector.broadcast %squeeze3A_290 : i32 to vector<16xi32>
      %gather3A_292 = tpu.vector_load_idx %arg9[%broadcast_in_dim3A_291] : memref<1024xi32, #tpu.memory_space<vmem>>[vector<16xi32>], vector<16xi32>,
      %broadcast_in_dim3A_293 = vector.broadcast %add3A_288 : i32 to vector<16xi32>
      tpu.vector_store_idx %arg10[%broadcast_in_dim3A_293], %gather3A_292 masked %eq3A_41 : memref<256xi32, #tpu.memory_space<vmem>>[vector<16xi32>], vector<16xi32>, vector<16xi1>
      %add3A_294 = arith.constant 1 : i32
      %add3A_295 = arith.addi %add3A_288, %add3A_294 : i32
      %broadcast_in_dim3A_296 = vector.broadcast %add3A_295 : i32 to vector<16xi32>
      tpu.vector_store_idx %arg9[%broadcast_in_dim3A_291], %broadcast_in_dim3A_296 masked %eq3A_41 : memref<1024xi32, #tpu.memory_space<vmem>>[vector<16xi32>], vector<16xi32>, vector<16xi1>
      %mul3A_297 = arith.constant 16 : i32
      %mul3A_298 = arith.muli %scan3A_211, %mul3A_297 : i32
      %add3A_299 = arith.constant 7 : i32
      %add3A_300 = arith.addi %mul3A_298, %add3A_299 : i32
      %slice3A_301 = vector.extract_strided_slice %get3A_215 {offsets = [7], sizes = [1], strides = [1]} : vector<16xi32> to vector<1xi32>
      %squeeze3A_302 = vector.extract %slice3A_301[0] : i32 from vector<1xi32>
      %broadcast_in_dim3A_303 = vector.broadcast %squeeze3A_302 : i32 to vector<16xi32>
      %gather3A_304 = tpu.vector_load_idx %arg9[%broadcast_in_dim3A_303] : memref<1024xi32, #tpu.memory_space<vmem>>[vector<16xi32>], vector<16xi32>,
      %broadcast_in_dim3A_305 = vector.broadcast %add3A_300 : i32 to vector<16xi32>
      tpu.vector_store_idx %arg10[%broadcast_in_dim3A_305], %gather3A_304 masked %eq3A_41 : memref<256xi32, #tpu.memory_space<vmem>>[vector<16xi32>], vector<16xi32>, vector<16xi1>
      %add3A_306 = arith.constant 1 : i32
      %add3A_307 = arith.addi %add3A_300, %add3A_306 : i32
      %broadcast_in_dim3A_308 = vector.broadcast %add3A_307 : i32 to vector<16xi32>
      tpu.vector_store_idx %arg9[%broadcast_in_dim3A_303], %broadcast_in_dim3A_308 masked %eq3A_41 : memref<1024xi32, #tpu.memory_space<vmem>>[vector<16xi32>], vector<16xi32>, vector<16xi1>
      %mul3A_309 = arith.constant 16 : i32
      %mul3A_310 = arith.muli %scan3A_211, %mul3A_309 : i32
      %add3A_311 = arith.constant 8 : i32
      %add3A_312 = arith.addi %mul3A_310, %add3A_311 : i32
      %slice3A_313 = vector.extract_strided_slice %get3A_215 {offsets = [8], sizes = [1], strides = [1]} : vector<16xi32> to vector<1xi32>
      %squeeze3A_314 = vector.extract %slice3A_313[0] : i32 from vector<1xi32>
      %broadcast_in_dim3A_315 = vector.broadcast %squeeze3A_314 : i32 to vector<16xi32>
      %gather3A_316 = tpu.vector_load_idx %arg9[%broadcast_in_dim3A_315] : memref<1024xi32, #tpu.memory_space<vmem>>[vector<16xi32>], vector<16xi32>,
      %broadcast_in_dim3A_317 = vector.broadcast %add3A_312 : i32 to vector<16xi32>
      tpu.vector_store_idx %arg10[%broadcast_in_dim3A_317], %gather3A_316 masked %eq3A_41 : memref<256xi32, #tpu.memory_space<vmem>>[vector<16xi32>], vector<16xi32>, vector<16xi1>
      %add3A_318 = arith.constant 1 : i32
      %add3A_319 = arith.addi %add3A_312, %add3A_318 : i32
      %broadcast_in_dim3A_320 = vector.broadcast %add3A_319 : i32 to vector<16xi32>
      tpu.vector_store_idx %arg9[%broadcast_in_dim3A_315], %broadcast_in_dim3A_320 masked %eq3A_41 : memref<1024xi32, #tpu.memory_space<vmem>>[vector<16xi32>], vector<16xi32>, vector<16xi1>
      %mul3A_321 = arith.constant 16 : i32
      %mul3A_322 = arith.muli %scan3A_211, %mul3A_321 : i32
      %add3A_323 = arith.constant 9 : i32
      %add3A_324 = arith.addi %mul3A_322, %add3A_323 : i32
      %slice3A_325 = vector.extract_strided_slice %get3A_215 {offsets = [9], sizes = [1], strides = [1]} : vector<16xi32> to vector<1xi32>
      %squeeze3A_326 = vector.extract %slice3A_325[0] : i32 from vector<1xi32>
      %broadcast_in_dim3A_327 = vector.broadcast %squeeze3A_326 : i32 to vector<16xi32>
      %gather3A_328 = tpu.vector_load_idx %arg9[%broadcast_in_dim3A_327] : memref<1024xi32, #tpu.memory_space<vmem>>[vector<16xi32>], vector<16xi32>,
      %broadcast_in_dim3A_329 = vector.broadcast %add3A_324 : i32 to vector<16xi32>
      tpu.vector_store_idx %arg10[%broadcast_in_dim3A_329], %gather3A_328 masked %eq3A_41 : memref<256xi32, #tpu.memory_space<vmem>>[vector<16xi32>], vector<16xi32>, vector<16xi1>
      %add3A_330 = arith.constant 1 : i32
      %add3A_331 = arith.addi %add3A_324, %add3A_330 : i32
      %broadcast_in_dim3A_332 = vector.broadcast %add3A_331 : i32 to vector<16xi32>
      tpu.vector_store_idx %arg9[%broadcast_in_dim3A_327], %broadcast_in_dim3A_332 masked %eq3A_41 : memref<1024xi32, #tpu.memory_space<vmem>>[vector<16xi32>], vector<16xi32>, vector<16xi1>
      %mul3A_333 = arith.constant 16 : i32
      %mul3A_334 = arith.muli %scan3A_211, %mul3A_333 : i32
      %add3A_335 = arith.constant 10 : i32
      %add3A_336 = arith.addi %mul3A_334, %add3A_335 : i32
      %slice3A_337 = vector.extract_strided_slice %get3A_215 {offsets = [10], sizes = [1], strides = [1]} : vector<16xi32> to vector<1xi32>
      %squeeze3A_338 = vector.extract %slice3A_337[0] : i32 from vector<1xi32>
      %broadcast_in_dim3A_339 = vector.broadcast %squeeze3A_338 : i32 to vector<16xi32>
      %gather3A_340 = tpu.vector_load_idx %arg9[%broadcast_in_dim3A_339] : memref<1024xi32, #tpu.memory_space<vmem>>[vector<16xi32>], vector<16xi32>,
      %broadcast_in_dim3A_341 = vector.broadcast %add3A_336 : i32 to vector<16xi32>
      tpu.vector_store_idx %arg10[%broadcast_in_dim3A_341], %gather3A_340 masked %eq3A_41 : memref<256xi32, #tpu.memory_space<vmem>>[vector<16xi32>], vector<16xi32>, vector<16xi1>
      %add3A_342 = arith.constant 1 : i32
      %add3A_343 = arith.addi %add3A_336, %add3A_342 : i32
      %broadcast_in_dim3A_344 = vector.broadcast %add3A_343 : i32 to vector<16xi32>
      tpu.vector_store_idx %arg9[%broadcast_in_dim3A_339], %broadcast_in_dim3A_344 masked %eq3A_41 : memref<1024xi32, #tpu.memory_space<vmem>>[vector<16xi32>], vector<16xi32>, vector<16xi1>
      %mul3A_345 = arith.constant 16 : i32
      %mul3A_346 = arith.muli %scan3A_211, %mul3A_345 : i32
      %add3A_347 = arith.constant 11 : i32
      %add3A_348 = arith.addi %mul3A_346, %add3A_347 : i32
      %slice3A_349 = vector.extract_strided_slice %get3A_215 {offsets = [11], sizes = [1], strides = [1]} : vector<16xi32> to vector<1xi32>
      %squeeze3A_350 = vector.extract %slice3A_349[0] : i32 from vector<1xi32>
      %broadcast_in_dim3A_351 = vector.broadcast %squeeze3A_350 : i32 to vector<16xi32>
      %gather3A_352 = tpu.vector_load_idx %arg9[%broadcast_in_dim3A_351] : memref<1024xi32, #tpu.memory_space<vmem>>[vector<16xi32>], vector<16xi32>,
      %broadcast_in_dim3A_353 = vector.broadcast %add3A_348 : i32 to vector<16xi32>
      tpu.vector_store_idx %arg10[%broadcast_in_dim3A_353], %gather3A_352 masked %eq3A_41 : memref<256xi32, #tpu.memory_space<vmem>>[vector<16xi32>], vector<16xi32>, vector<16xi1>
      %add3A_354 = arith.constant 1 : i32
      %add3A_355 = arith.addi %add3A_348, %add3A_354 : i32
      %broadcast_in_dim3A_356 = vector.broadcast %add3A_355 : i32 to vector<16xi32>
      tpu.vector_store_idx %arg9[%broadcast_in_dim3A_351], %broadcast_in_dim3A_356 masked %eq3A_41 : memref<1024xi32, #tpu.memory_space<vmem>>[vector<16xi32>], vector<16xi32>, vector<16xi1>
      %mul3A_357 = arith.constant 16 : i32
      %mul3A_358 = arith.muli %scan3A_211, %mul3A_357 : i32
      %add3A_359 = arith.constant 12 : i32
      %add3A_360 = arith.addi %mul3A_358, %add3A_359 : i32
      %slice3A_361 = vector.extract_strided_slice %get3A_215 {offsets = [12], sizes = [1], strides = [1]} : vector<16xi32> to vector<1xi32>
      %squeeze3A_362 = vector.extract %slice3A_361[0] : i32 from vector<1xi32>
      %broadcast_in_dim3A_363 = vector.broadcast %squeeze3A_362 : i32 to vector<16xi32>
      %gather3A_364 = tpu.vector_load_idx %arg9[%broadcast_in_dim3A_363] : memref<1024xi32, #tpu.memory_space<vmem>>[vector<16xi32>], vector<16xi32>,
      %broadcast_in_dim3A_365 = vector.broadcast %add3A_360 : i32 to vector<16xi32>
      tpu.vector_store_idx %arg10[%broadcast_in_dim3A_365], %gather3A_364 masked %eq3A_41 : memref<256xi32, #tpu.memory_space<vmem>>[vector<16xi32>], vector<16xi32>, vector<16xi1>
      %add3A_366 = arith.constant 1 : i32
      %add3A_367 = arith.addi %add3A_360, %add3A_366 : i32
      %broadcast_in_dim3A_368 = vector.broadcast %add3A_367 : i32 to vector<16xi32>
      tpu.vector_store_idx %arg9[%broadcast_in_dim3A_363], %broadcast_in_dim3A_368 masked %eq3A_41 : memref<1024xi32, #tpu.memory_space<vmem>>[vector<16xi32>], vector<16xi32>, vector<16xi1>
      %mul3A_369 = arith.constant 16 : i32
      %mul3A_370 = arith.muli %scan3A_211, %mul3A_369 : i32
      %add3A_371 = arith.constant 13 : i32
      %add3A_372 = arith.addi %mul3A_370, %add3A_371 : i32
      %slice3A_373 = vector.extract_strided_slice %get3A_215 {offsets = [13], sizes = [1], strides = [1]} : vector<16xi32> to vector<1xi32>
      %squeeze3A_374 = vector.extract %slice3A_373[0] : i32 from vector<1xi32>
      %broadcast_in_dim3A_375 = vector.broadcast %squeeze3A_374 : i32 to vector<16xi32>
      %gather3A_376 = tpu.vector_load_idx %arg9[%broadcast_in_dim3A_375] : memref<1024xi32, #tpu.memory_space<vmem>>[vector<16xi32>], vector<16xi32>,
      %broadcast_in_dim3A_377 = vector.broadcast %add3A_372 : i32 to vector<16xi32>
      tpu.vector_store_idx %arg10[%broadcast_in_dim3A_377], %gather3A_376 masked %eq3A_41 : memref<256xi32, #tpu.memory_space<vmem>>[vector<16xi32>], vector<16xi32>, vector<16xi1>
      %add3A_378 = arith.constant 1 : i32
      %add3A_379 = arith.addi %add3A_372, %add3A_378 : i32
      %broadcast_in_dim3A_380 = vector.broadcast %add3A_379 : i32 to vector<16xi32>
      tpu.vector_store_idx %arg9[%broadcast_in_dim3A_375], %broadcast_in_dim3A_380 masked %eq3A_41 : memref<1024xi32, #tpu.memory_space<vmem>>[vector<16xi32>], vector<16xi32>, vector<16xi1>
      %mul3A_381 = arith.constant 16 : i32
      %mul3A_382 = arith.muli %scan3A_211, %mul3A_381 : i32
      %add3A_383 = arith.constant 14 : i32
      %add3A_384 = arith.addi %mul3A_382, %add3A_383 : i32
      %slice3A_385 = vector.extract_strided_slice %get3A_215 {offsets = [14], sizes = [1], strides = [1]} : vector<16xi32> to vector<1xi32>
      %squeeze3A_386 = vector.extract %slice3A_385[0] : i32 from vector<1xi32>
      %broadcast_in_dim3A_387 = vector.broadcast %squeeze3A_386 : i32 to vector<16xi32>
      %gather3A_388 = tpu.vector_load_idx %arg9[%broadcast_in_dim3A_387] : memref<1024xi32, #tpu.memory_space<vmem>>[vector<16xi32>], vector<16xi32>,
      %broadcast_in_dim3A_389 = vector.broadcast %add3A_384 : i32 to vector<16xi32>
      tpu.vector_store_idx %arg10[%broadcast_in_dim3A_389], %gather3A_388 masked %eq3A_41 : memref<256xi32, #tpu.memory_space<vmem>>[vector<16xi32>], vector<16xi32>, vector<16xi1>
      %add3A_390 = arith.constant 1 : i32
      %add3A_391 = arith.addi %add3A_384, %add3A_390 : i32
      %broadcast_in_dim3A_392 = vector.broadcast %add3A_391 : i32 to vector<16xi32>
      tpu.vector_store_idx %arg9[%broadcast_in_dim3A_387], %broadcast_in_dim3A_392 masked %eq3A_41 : memref<1024xi32, #tpu.memory_space<vmem>>[vector<16xi32>], vector<16xi32>, vector<16xi1>
      %mul3A_393 = arith.constant 16 : i32
      %mul3A_394 = arith.muli %scan3A_211, %mul3A_393 : i32
      %add3A_395 = arith.constant 15 : i32
      %add3A_396 = arith.addi %mul3A_394, %add3A_395 : i32
      %slice3A_397 = vector.extract_strided_slice %get3A_215 {offsets = [15], sizes = [1], strides = [1]} : vector<16xi32> to vector<1xi32>
      %squeeze3A_398 = vector.extract %slice3A_397[0] : i32 from vector<1xi32>
      %broadcast_in_dim3A_399 = vector.broadcast %squeeze3A_398 : i32 to vector<16xi32>
      %gather3A_400 = tpu.vector_load_idx %arg9[%broadcast_in_dim3A_399] : memref<1024xi32, #tpu.memory_space<vmem>>[vector<16xi32>], vector<16xi32>,
      %broadcast_in_dim3A_401 = vector.broadcast %add3A_396 : i32 to vector<16xi32>
      tpu.vector_store_idx %arg10[%broadcast_in_dim3A_401], %gather3A_400 masked %eq3A_41 : memref<256xi32, #tpu.memory_space<vmem>>[vector<16xi32>], vector<16xi32>, vector<16xi1>
      %add3A_402 = arith.constant 1 : i32
      %add3A_403 = arith.addi %add3A_396, %add3A_402 : i32
      %broadcast_in_dim3A_404 = vector.broadcast %add3A_403 : i32 to vector<16xi32>
      tpu.vector_store_idx %arg9[%broadcast_in_dim3A_399], %broadcast_in_dim3A_404 masked %eq3A_41 : memref<1024xi32, #tpu.memory_space<vmem>>[vector<16xi32>], vector<16xi32>, vector<16xi1>
    }
    %scan3A_47 = arith.constant 16 : i32
    %dma_wait3A_48 = arith.constant 0 : i32
    %dma_wait3A_49 = tpu.memref_slice %arg5[%add3A, %dma_wait3A_48] : memref<32x3200xi32, #tpu.memory_space<hbm>> -> memref<1x3200xi32, #tpu.memory_space<hbm>>
    %dma_wait3A_50 = tpu.memref_squeeze %dma_wait3A_49 : memref<1x3200xi32, #tpu.memory_space<hbm>> -> memref<3200xi32, #tpu.memory_space<hbm>>
    %dma_wait3A_51 = arith.constant 0 : i32
    %dma_wait3A_52 = tpu.memref_slice %arg5[%add3A, %dma_wait3A_51] : memref<32x3200xi32, #tpu.memory_space<hbm>> -> memref<1x3200xi32, #tpu.memory_space<hbm>>
    %dma_wait3A_53 = tpu.memref_squeeze %dma_wait3A_52 : memref<1x3200xi32, #tpu.memory_space<hbm>> -> memref<3200xi32, #tpu.memory_space<hbm>>
    tpu.wait_dma2 semaphore(%arg25 : memref<!tpu.dma_semaphore, #tpu.memory_space<semaphore_mem>>) src(%dma_wait3A_53 : memref<3200xi32, #tpu.memory_space<hbm>>) dst(%arg11 : memref<3200xi32, #tpu.memory_space<vmem>>)
    %mul3A_54 = arith.constant 3125 : i32
    %mul3A_55 = arith.muli %add3A, %mul3A_54 : i32
    %scan3A_56 = arith.constant 0 : i32
    %scan3A_57 = arith.constant 0 : i32
    %scan3A_58 = arith.constant 200 : i32
    %scan3A_59 = arith.addi %scan3A_57, %scan3A_58 : i32
    %scan3A_60 = arith.constant 1 : i32
    %scan3A_61 = scf.for %scan3A_211 = %scan3A_57 to %scan3A_59 step %scan3A_60 iter_args(%scan3A_212 = %scan3A_56) -> (i32)  : i32 {
      %mul3A_213 = arith.constant 16 : i32
      %mul3A_214 = arith.muli %scan3A_211, %mul3A_213 : i32
      %add3A_215 = vector.broadcast %mul3A_214 : i32 to vector<16xi32>
      %add3A_216 = arith.addi %add3A_215, %iota3A : vector<16xi32>
      %lt3A = arith.constant 3125 : i32
      %lt3A_217 = vector.broadcast %lt3A : i32 to vector<16xi32>
      %lt3A_218 = arith.cmpi slt, %add3A_216, %lt3A_217 : vector<16xi32>
      %mul3A_219 = arith.constant 16 : i32
      %mul3A_220 = arith.muli %scan3A_211, %mul3A_219 : i32
      %get3A_221 = arith.index_cast %mul3A_220 : i32 to index
      %get3A_222 = tpu.vector_load %arg11[%get3A_221] {strides = array<i32>} : memref<3200xi32, #tpu.memory_space<vmem>>, vector<16xi32>,
      %gather3A = tpu.vector_load_idx %arg9[%get3A_222] : memref<1024xi32, #tpu.memory_space<vmem>>[vector<16xi32>], vector<16xi32>,
      %gt3A_223 = arith.constant 0 : i32
      %gt3A_224 = vector.broadcast %gt3A_223 : i32 to vector<16xi32>
      %gt3A_225 = arith.cmpi sgt, %gather3A, %gt3A_224 : vector<16xi32>
      %and3A_226 = arith.andi %gt3A_225, %lt3A_218 : vector<16xi1>
      %add3A_227 = vector.broadcast %mul3A_55 : i32 to vector<16xi32>
      %add3A_228 = arith.addi %add3A_227, %add3A_216 : vector<16xi32>
      %swap3A_229 = arith.index_cast %scan3A_212 : i32 to index
      %swap3A_230 = tpu.vector_load %arg12[%swap3A_229] masked %and3A_226 {strides = array<i32>} : memref<3328xi32, #tpu.memory_space<vmem>>, vector<16xi32>, vector<16xi1>
      tpu.vector_store %arg12[%swap3A_229], %add3A_228 masked %and3A_226 {strides = array<i32>} : memref<3328xi32, #tpu.memory_space<vmem>>, vector<16xi32>, vector<16xi1>
      %swap3A_231 = arith.index_cast %scan3A_212 : i32 to index
      %swap3A_232 = tpu.vector_load %arg13[%swap3A_231] masked %and3A_226 {strides = array<i32>} : memref<3328xi32, #tpu.memory_space<vmem>>, vector<16xi32>, vector<16xi1>
      tpu.vector_store %arg13[%swap3A_231], %gather3A masked %and3A_226 {strides = array<i32>} : memref<3328xi32, #tpu.memory_space<vmem>>, vector<16xi32>, vector<16xi1>
      %all_reduce_population_count3A = tpu.all_reduce %and3A_226 {dim = 0 : i64, kind = #tpu.reduction_kind<sum>} : vector<16xi1> -> vector<16xi32>
      %slice3A = vector.extract_strided_slice %all_reduce_population_count3A {offsets = [0], sizes = [1], strides = [1]} : vector<16xi32> to vector<1xi32>
      %squeeze3A = vector.extract %slice3A[0] : i32 from vector<1xi32>
      %add3A_233 = arith.addi %scan3A_212, %squeeze3A : i32
      scf.yield %add3A_233 : i32
    }
    %scan3A_62 = arith.constant 200 : i32
    %scan3A_63 = arith.constant 0 : i32
    %scan3A_64 = arith.constant 0 : i32
    %scan3A_65 = arith.constant 8 : i32
    %scan3A_66 = arith.addi %scan3A_64, %scan3A_65 : i32
    %scan3A_67 = arith.constant 1 : i32
    scf.for %scan3A_211 = %scan3A_64 to %scan3A_66 step %scan3A_67  : i32 {
      %mul3A_212 = arith.constant 128 : i32
      %mul3A_213 = arith.muli %add3A, %mul3A_212 : i32
      %mul3A_214 = arith.constant 16 : i32
      %mul3A_215 = arith.muli %scan3A_211, %mul3A_214 : i32
      %add3A_216 = arith.addi %mul3A_213, %mul3A_215 : i32
      %add3A_217 = vector.broadcast %add3A_216 : i32 to vector<16xi32>
      %add3A_218 = arith.addi %add3A_217, %iota3A : vector<16xi32>
      %mul3A_219 = arith.constant 16 : i32
      %mul3A_220 = arith.muli %scan3A_211, %mul3A_219 : i32
      %add3A_221 = arith.addi %scan3A_61, %mul3A_220 : i32
      %swap3A_222 = arith.index_cast %add3A_221 : i32 to index
      %swap3A_223 = tpu.vector_load %arg12[%swap3A_222] {strides = array<i32>} : memref<3328xi32, #tpu.memory_space<vmem>>, vector<16xi32>,
      tpu.vector_store %arg12[%swap3A_222], %add3A_218 {strides = array<i32>} : memref<3328xi32, #tpu.memory_space<vmem>>, vector<16xi32>,
    }
    %scan3A_68 = arith.constant 8 : i32
    %scan3A_69 = arith.constant 0 : i32
    %scan3A_70 = arith.constant 0 : i32
    %scan3A_71 = arith.constant 256 : i32
    %scan3A_72 = arith.addi %scan3A_70, %scan3A_71 : i32
    %scan3A_73 = arith.constant 1 : i32
    scf.for %scan3A_211 = %scan3A_70 to %scan3A_72 step %scan3A_73  : i32 {
      %mul3A_212 = arith.constant 16 : i32
      %mul3A_213 = arith.muli %scan3A_211, %mul3A_212 : i32
      %swap3A_214 = arith.index_cast %mul3A_213 : i32 to index
      %swap3A_215 = tpu.vector_load %arg16[%swap3A_214] {strides = array<i32>} : memref<4096xf32, #tpu.memory_space<vmem>>, vector<16xf32>,
      tpu.vector_store %arg16[%swap3A_214], %broadcast_in_dim3A_3 {strides = array<i32>} : memref<4096xf32, #tpu.memory_space<vmem>>, vector<16xf32>,
    }
    %scan3A_74 = arith.constant 256 : i32
    %add3A_75 = arith.constant 128 : i32
    %add3A_76 = arith.addi %scan3A_61, %add3A_75 : i32
    %sub3A = arith.constant 1 : i32
    %sub3A_77 = arith.subi %add3A_76, %sub3A : i32
    %jit3A = arith.constant 128 : i32
    %div3A = arith.divsi %sub3A_77, %jit3A : i32
    %sign3A = arith.constant 0 : i32
    %sign3A_78 = arith.cmpi sgt, %sub3A_77, %sign3A : i32
    %sign3A_79 = arith.extui %sign3A_78 : i1 to i32
    %sign3A_80 = arith.constant 0 : i32
    %sign3A_81 = arith.cmpi slt, %sub3A_77, %sign3A_80 : i32
    %sign3A_82 = arith.extui %sign3A_81 : i1 to i32
    %sign3A_83 = arith.subi %sign3A_79, %sign3A_82 : i32
    %sign3A_84 = arith.constant 0 : i32
    %sign3A_85 = arith.cmpi sgt, %jit3A, %sign3A_84 : i32
    %sign3A_86 = arith.extui %sign3A_85 : i1 to i32
    %sign3A_87 = arith.constant 0 : i32
    %sign3A_88 = arith.cmpi slt, %jit3A, %sign3A_87 : i32
    %sign3A_89 = arith.extui %sign3A_88 : i1 to i32
    %sign3A_90 = arith.subi %sign3A_86, %sign3A_89 : i32
    %ne3A = arith.cmpi ne, %sign3A_83, %sign3A_90 : i32
    %rem3A = arith.remsi %sub3A_77, %jit3A : i32
    %ne3A_91 = arith.constant 0 : i32
    %ne3A_92 = arith.cmpi ne, %rem3A, %ne3A_91 : i32
    %and3A = arith.andi %ne3A, %ne3A_92 : i1
    %sub3A_93 = arith.constant 1 : i32
    %sub3A_94 = arith.subi %div3A, %sub3A_93 : i32
    %select_n3A = arith.select %and3A, %sub3A_94, %div3A : i32
    %gt3A = arith.constant 0 : i32
    %gt3A_95 = arith.cmpi sgt, %select_n3A, %gt3A : i32
    %convert_element_type3A_96 = arith.extui %gt3A_95 : i1 to i32
    %cond3A_97 = arith.constant 0 : i32
    %cond3A_98 = arith.cmpi ne, %convert_element_type3A_96, %cond3A_97 : i32
    scf.if %cond3A_98 {
      %mul3A_211 = arith.constant 0 : i32
      %mul3A_212 = arith.constant 128 : i32
      %mul3A_213 = arith.muli %mul3A_211, %mul3A_212 : i32
      %dma_start3A_214 = tpu.memref_slice %arg12[%mul3A_213] : memref<3328xi32, #tpu.memory_space<vmem>> -> memref<128xi32, #tpu.memory_space<vmem>>
      %dma_start3A_215 = arith.constant 0 : i32
      %dma_start3A_216 = arith.constant 0 : i32
      %dma_start3A_217 = tpu.memref_slice %arg2[%dma_start3A_215, %dma_start3A_216] : memref<100000x256xf32, #tpu.memory_space<hbm>> -> memref<100000x256xf32, #tpu.memory_space<hbm>>
      tpu.enqueue_indirect_dma source(%dma_start3A_217 : memref<100000x256xf32, #tpu.memory_space<hbm>>) target(%arg14 : memref<128x256xf32, #tpu.memory_space<vmem>>) offsets(%dma_start3A_214 : memref<128xi32, #tpu.memory_space<vmem>>) semaphore(%arg23 : memref<!tpu.dma_semaphore, #tpu.memory_space<semaphore_mem>>)
    } else {
    }
    %while3A = arith.constant 0 : i32
    %while3A_99 = scf.while (%while3A_211 = %while3A) : (i32) -> i32 {
      %lt3A = arith.cmpi slt, %while3A_211, %select_n3A : i32
      scf.condition(%lt3A) %while3A_211 : i32
    } do {
    ^bb0(%while3A_211: i32):
      %add3A_212 = arith.constant 1 : i32
      %add3A_213 = arith.addi %while3A_211, %add3A_212 : i32
      %lt3A = arith.cmpi slt, %add3A_213, %select_n3A : i32
      %convert_element_type3A_214 = arith.extui %lt3A : i1 to i32
      %cond3A_215 = arith.constant 0 : i32
      %cond3A_216 = arith.cmpi ne, %convert_element_type3A_214, %cond3A_215 : i32
      scf.if %cond3A_216 {
        %add3A_405 = arith.constant 1 : i32
        %add3A_406 = arith.addi %while3A_211, %add3A_405 : i32
        %mul3A_407 = arith.constant 128 : i32
        %mul3A_408 = arith.muli %add3A_406, %mul3A_407 : i32
        %dma_start3A_409 = tpu.memref_slice %arg12[%mul3A_408] : memref<3328xi32, #tpu.memory_space<vmem>> -> memref<128xi32, #tpu.memory_space<vmem>>
        %dma_start3A_410 = arith.constant 0 : i32
        %dma_start3A_411 = arith.constant 0 : i32
        %dma_start3A_412 = tpu.memref_slice %arg2[%dma_start3A_410, %dma_start3A_411] : memref<100000x256xf32, #tpu.memory_space<hbm>> -> memref<100000x256xf32, #tpu.memory_space<hbm>>
        tpu.enqueue_indirect_dma source(%dma_start3A_412 : memref<100000x256xf32, #tpu.memory_space<hbm>>) target(%arg15 : memref<128x256xf32, #tpu.memory_space<vmem>>) offsets(%dma_start3A_409 : memref<128xi32, #tpu.memory_space<vmem>>) semaphore(%arg24 : memref<!tpu.dma_semaphore, #tpu.memory_space<semaphore_mem>>)
      } else {
      }
      %mul3A_217 = arith.constant 128 : i32
      %mul3A_218 = arith.muli %while3A_211, %mul3A_217 : i32
      %dma_wait3A_219 = tpu.memref_slice %arg12[%mul3A_218] : memref<3328xi32, #tpu.memory_space<vmem>> -> memref<128xi32, #tpu.memory_space<vmem>>
      %dma_wait3A_220 = arith.constant 0 : i32
      %dma_wait3A_221 = arith.constant 0 : i32
      %dma_wait3A_222 = tpu.memref_slice %arg2[%dma_wait3A_220, %dma_wait3A_221] : memref<100000x256xf32, #tpu.memory_space<hbm>> -> memref<100000x256xf32, #tpu.memory_space<hbm>>
      tpu.wait_indirect_dma semaphore(%arg23 : memref<!tpu.dma_semaphore, #tpu.memory_space<semaphore_mem>>) src(%dma_wait3A_222 : memref<100000x256xf32, #tpu.memory_space<hbm>>) dst(%arg14 : memref<128x256xf32, #tpu.memory_space<vmem>>)
      %mul3A_223 = arith.constant 128 : i32
      %mul3A_224 = arith.muli %while3A_211, %mul3A_223 : i32
      %add3A_225 = arith.constant 0 : i32
      %add3A_226 = arith.addi %mul3A_224, %add3A_225 : i32
      %add3A_227 = vector.broadcast %add3A_226 : i32 to vector<16xi32>
      %add3A_228 = arith.addi %add3A_227, %iota3A : vector<16xi32>
      %lt3A_229 = vector.broadcast %scan3A_61 : i32 to vector<16xi32>
      %lt3A_230 = arith.cmpi slt, %add3A_228, %lt3A_229 : vector<16xi32>
      %mul3A_231 = arith.constant 128 : i32
      %mul3A_232 = arith.muli %while3A_211, %mul3A_231 : i32
      %add3A_233 = arith.constant 0 : i32
      %add3A_234 = arith.addi %mul3A_232, %add3A_233 : i32
      %get3A_235 = arith.index_cast %add3A_234 : i32 to index
      %get3A_236 = tpu.vector_load %arg13[%get3A_235] {strides = array<i32>} : memref<3328xi32, #tpu.memory_space<vmem>>, vector<16xi32>,
      %jit3A_237 = arith.constant 0 : i32
      %broadcast_in_dim3A_238 = vector.broadcast %jit3A_237 : i32 to vector<16xi32>
      %select_n3A_239 = arith.select %lt3A_230, %get3A_236, %broadcast_in_dim3A_238 : vector<16xi1>, vector<16xi32>
      %add3A_240 = arith.constant 0 : i32
      %add3A_241 = vector.broadcast %add3A_240 : i32 to vector<16xi32>
      %add3A_242 = arith.addi %add3A_241, %iota3A : vector<16xi32>
      %while3A_243 = scf.while (%while3A_405 = %select_n3A_239) : (vector<16xi32>) -> vector<16xi32> {
        %gt3A_406 = arith.constant 0 : i32
        %gt3A_407 = vector.broadcast %gt3A_406 : i32 to vector<16xi32>
        %gt3A_408 = arith.cmpi sgt, %while3A_405, %gt3A_407 : vector<16xi32>
        %all_reduce_population_count3A = tpu.all_reduce %gt3A_408 {dim = 0 : i64, kind = #tpu.reduction_kind<sum>} : vector<16xi1> -> vector<16xi32>
        %slice3A = vector.extract_strided_slice %all_reduce_population_count3A {offsets = [0], sizes = [1], strides = [1]} : vector<16xi32> to vector<1xi32>
        %squeeze3A = vector.extract %slice3A[0] : i32 from vector<1xi32>
        %gt3A_409 = arith.constant 0 : i32
        %gt3A_410 = arith.cmpi sgt, %squeeze3A, %gt3A_409 : i32
        scf.condition(%gt3A_410) %while3A_405 : vector<16xi32>
      } do {
      ^bb0(%while3A_405: vector<16xi32>):
        %gt3A_406 = arith.constant 0 : i32
        %gt3A_407 = vector.broadcast %gt3A_406 : i32 to vector<16xi32>
        %gt3A_408 = arith.cmpi sgt, %while3A_405, %gt3A_407 : vector<16xi32>
        %sub3A_409 = arith.constant 1 : i32
        %sub3A_410 = vector.broadcast %sub3A_409 : i32 to vector<16xi32>
        %sub3A_411 = arith.subi %while3A_405, %sub3A_410 : vector<16xi32>
        %jit3A_412 = arith.constant 0 : i32
        %broadcast_in_dim3A_413 = vector.broadcast %jit3A_412 : i32 to vector<16xi32>
        %select_n3A_414 = arith.select %gt3A_408, %sub3A_411, %broadcast_in_dim3A_413 : vector<16xi1>, vector<16xi32>
        %gather3A = tpu.vector_load_idx %arg14[%add3A_242, %select_n3A_414] masked %gt3A_408 : memref<128x256xf32, #tpu.memory_space<vmem>>[vector<16xi32>, vector<16xi32>], vector<16xf32>, vector<16xi1>
        %jit3A_415 = arith.constant 0.000000e+00 : f32
        %broadcast_in_dim3A_416 = vector.broadcast %jit3A_415 : f32 to vector<16xf32>
        %select_n3A_417 = arith.select %gt3A_408, %gather3A, %broadcast_in_dim3A_416 : vector<16xi1>, vector<16xf32>
        %exp3A = math.exp %select_n3A_417 : vector<16xf32>
        %mul3A_418 = arith.constant 256 : i32
        %mul3A_419 = vector.broadcast %mul3A_418 : i32 to vector<16xi32>
        %mul3A_420 = arith.muli %iota3A, %mul3A_419 : vector<16xi32>
        %add3A_421 = arith.addi %mul3A_420, %select_n3A_414 : vector<16xi32>
        tpu.vector_store_idx %arg16[%add3A_421], %exp3A masked %gt3A_408 {add = true} : memref<4096xf32, #tpu.memory_space<vmem>>[vector<16xi32>], vector<16xf32>, vector<16xi1>
        %gather3A_422 = tpu.vector_load_idx %arg10[%select_n3A_414] : memref<256xi32, #tpu.memory_space<vmem>>[vector<16xi32>], vector<16xi32>,
        %jit3A_423 = arith.constant 0 : i32
        %broadcast_in_dim3A_424 = vector.broadcast %jit3A_423 : i32 to vector<16xi32>
        %select_n3A_425 = arith.select %gt3A_408, %gather3A_422, %broadcast_in_dim3A_424 : vector<16xi1>, vector<16xi32>
        scf.yield %select_n3A_425 : vector<16xi32>
      }
      %mul3A_244 = arith.constant 128 : i32
      %mul3A_245 = arith.muli %while3A_211, %mul3A_244 : i32
      %add3A_246 = arith.constant 16 : i32
      %add3A_247 = arith.addi %mul3A_245, %add3A_246 : i32
      %add3A_248 = vector.broadcast %add3A_247 : i32 to vector<16xi32>
      %add3A_249 = arith.addi %add3A_248, %iota3A : vector<16xi32>
      %lt3A_250 = vector.broadcast %scan3A_61 : i32 to vector<16xi32>
      %lt3A_251 = arith.cmpi slt, %add3A_249, %lt3A_250 : vector<16xi32>
      %mul3A_252 = arith.constant 128 : i32
      %mul3A_253 = arith.muli %while3A_211, %mul3A_252 : i32
      %add3A_254 = arith.constant 16 : i32
      %add3A_255 = arith.addi %mul3A_253, %add3A_254 : i32
      %get3A_256 = arith.index_cast %add3A_255 : i32 to index
      %get3A_257 = tpu.vector_load %arg13[%get3A_256] {strides = array<i32>} : memref<3328xi32, #tpu.memory_space<vmem>>, vector<16xi32>,
      %jit3A_258 = arith.constant 0 : i32
      %broadcast_in_dim3A_259 = vector.broadcast %jit3A_258 : i32 to vector<16xi32>
      %select_n3A_260 = arith.select %lt3A_251, %get3A_257, %broadcast_in_dim3A_259 : vector<16xi1>, vector<16xi32>
      %add3A_261 = arith.constant 16 : i32
      %add3A_262 = vector.broadcast %add3A_261 : i32 to vector<16xi32>
      %add3A_263 = arith.addi %add3A_262, %iota3A : vector<16xi32>
      %while3A_264 = scf.while (%while3A_405 = %select_n3A_260) : (vector<16xi32>) -> vector<16xi32> {
        %gt3A_406 = arith.constant 0 : i32
        %gt3A_407 = vector.broadcast %gt3A_406 : i32 to vector<16xi32>
        %gt3A_408 = arith.cmpi sgt, %while3A_405, %gt3A_407 : vector<16xi32>
        %all_reduce_population_count3A = tpu.all_reduce %gt3A_408 {dim = 0 : i64, kind = #tpu.reduction_kind<sum>} : vector<16xi1> -> vector<16xi32>
        %slice3A = vector.extract_strided_slice %all_reduce_population_count3A {offsets = [0], sizes = [1], strides = [1]} : vector<16xi32> to vector<1xi32>
        %squeeze3A = vector.extract %slice3A[0] : i32 from vector<1xi32>
        %gt3A_409 = arith.constant 0 : i32
        %gt3A_410 = arith.cmpi sgt, %squeeze3A, %gt3A_409 : i32
        scf.condition(%gt3A_410) %while3A_405 : vector<16xi32>
      } do {
      ^bb0(%while3A_405: vector<16xi32>):
        %gt3A_406 = arith.constant 0 : i32
        %gt3A_407 = vector.broadcast %gt3A_406 : i32 to vector<16xi32>
        %gt3A_408 = arith.cmpi sgt, %while3A_405, %gt3A_407 : vector<16xi32>
        %sub3A_409 = arith.constant 1 : i32
        %sub3A_410 = vector.broadcast %sub3A_409 : i32 to vector<16xi32>
        %sub3A_411 = arith.subi %while3A_405, %sub3A_410 : vector<16xi32>
        %jit3A_412 = arith.constant 0 : i32
        %broadcast_in_dim3A_413 = vector.broadcast %jit3A_412 : i32 to vector<16xi32>
        %select_n3A_414 = arith.select %gt3A_408, %sub3A_411, %broadcast_in_dim3A_413 : vector<16xi1>, vector<16xi32>
        %gather3A = tpu.vector_load_idx %arg14[%add3A_263, %select_n3A_414] masked %gt3A_408 : memref<128x256xf32, #tpu.memory_space<vmem>>[vector<16xi32>, vector<16xi32>], vector<16xf32>, vector<16xi1>
        %jit3A_415 = arith.constant 0.000000e+00 : f32
        %broadcast_in_dim3A_416 = vector.broadcast %jit3A_415 : f32 to vector<16xf32>
        %select_n3A_417 = arith.select %gt3A_408, %gather3A, %broadcast_in_dim3A_416 : vector<16xi1>, vector<16xf32>
        %exp3A = math.exp %select_n3A_417 : vector<16xf32>
        %mul3A_418 = arith.constant 256 : i32
        %mul3A_419 = vector.broadcast %mul3A_418 : i32 to vector<16xi32>
        %mul3A_420 = arith.muli %iota3A, %mul3A_419 : vector<16xi32>
        %add3A_421 = arith.addi %mul3A_420, %select_n3A_414 : vector<16xi32>
        tpu.vector_store_idx %arg16[%add3A_421], %exp3A masked %gt3A_408 {add = true} : memref<4096xf32, #tpu.memory_space<vmem>>[vector<16xi32>], vector<16xf32>, vector<16xi1>
        %gather3A_422 = tpu.vector_load_idx %arg10[%select_n3A_414] : memref<256xi32, #tpu.memory_space<vmem>>[vector<16xi32>], vector<16xi32>,
        %jit3A_423 = arith.constant 0 : i32
        %broadcast_in_dim3A_424 = vector.broadcast %jit3A_423 : i32 to vector<16xi32>
        %select_n3A_425 = arith.select %gt3A_408, %gather3A_422, %broadcast_in_dim3A_424 : vector<16xi1>, vector<16xi32>
        scf.yield %select_n3A_425 : vector<16xi32>
      }
      %mul3A_265 = arith.constant 128 : i32
      %mul3A_266 = arith.muli %while3A_211, %mul3A_265 : i32
      %add3A_267 = arith.constant 32 : i32
      %add3A_268 = arith.addi %mul3A_266, %add3A_267 : i32
      %add3A_269 = vector.broadcast %add3A_268 : i32 to vector<16xi32>
      %add3A_270 = arith.addi %add3A_269, %iota3A : vector<16xi32>
      %lt3A_271 = vector.broadcast %scan3A_61 : i32 to vector<16xi32>
      %lt3A_272 = arith.cmpi slt, %add3A_270, %lt3A_271 : vector<16xi32>
      %mul3A_273 = arith.constant 128 : i32
      %mul3A_274 = arith.muli %while3A_211, %mul3A_273 : i32
      %add3A_275 = arith.constant 32 : i32
      %add3A_276 = arith.addi %mul3A_274, %add3A_275 : i32
      %get3A_277 = arith.index_cast %add3A_276 : i32 to index
      %get3A_278 = tpu.vector_load %arg13[%get3A_277] {strides = array<i32>} : memref<3328xi32, #tpu.memory_space<vmem>>, vector<16xi32>,
      %jit3A_279 = arith.constant 0 : i32
      %broadcast_in_dim3A_280 = vector.broadcast %jit3A_279 : i32 to vector<16xi32>
      %select_n3A_281 = arith.select %lt3A_272, %get3A_278, %broadcast_in_dim3A_280 : vector<16xi1>, vector<16xi32>
      %add3A_282 = arith.constant 32 : i32
      %add3A_283 = vector.broadcast %add3A_282 : i32 to vector<16xi32>
      %add3A_284 = arith.addi %add3A_283, %iota3A : vector<16xi32>
      %while3A_285 = scf.while (%while3A_405 = %select_n3A_281) : (vector<16xi32>) -> vector<16xi32> {
        %gt3A_406 = arith.constant 0 : i32
        %gt3A_407 = vector.broadcast %gt3A_406 : i32 to vector<16xi32>
        %gt3A_408 = arith.cmpi sgt, %while3A_405, %gt3A_407 : vector<16xi32>
        %all_reduce_population_count3A = tpu.all_reduce %gt3A_408 {dim = 0 : i64, kind = #tpu.reduction_kind<sum>} : vector<16xi1> -> vector<16xi32>
        %slice3A = vector.extract_strided_slice %all_reduce_population_count3A {offsets = [0], sizes = [1], strides = [1]} : vector<16xi32> to vector<1xi32>
        %squeeze3A = vector.extract %slice3A[0] : i32 from vector<1xi32>
        %gt3A_409 = arith.constant 0 : i32
        %gt3A_410 = arith.cmpi sgt, %squeeze3A, %gt3A_409 : i32
        scf.condition(%gt3A_410) %while3A_405 : vector<16xi32>
      } do {
      ^bb0(%while3A_405: vector<16xi32>):
        %gt3A_406 = arith.constant 0 : i32
        %gt3A_407 = vector.broadcast %gt3A_406 : i32 to vector<16xi32>
        %gt3A_408 = arith.cmpi sgt, %while3A_405, %gt3A_407 : vector<16xi32>
        %sub3A_409 = arith.constant 1 : i32
        %sub3A_410 = vector.broadcast %sub3A_409 : i32 to vector<16xi32>
        %sub3A_411 = arith.subi %while3A_405, %sub3A_410 : vector<16xi32>
        %jit3A_412 = arith.constant 0 : i32
        %broadcast_in_dim3A_413 = vector.broadcast %jit3A_412 : i32 to vector<16xi32>
        %select_n3A_414 = arith.select %gt3A_408, %sub3A_411, %broadcast_in_dim3A_413 : vector<16xi1>, vector<16xi32>
        %gather3A = tpu.vector_load_idx %arg14[%add3A_284, %select_n3A_414] masked %gt3A_408 : memref<128x256xf32, #tpu.memory_space<vmem>>[vector<16xi32>, vector<16xi32>], vector<16xf32>, vector<16xi1>
        %jit3A_415 = arith.constant 0.000000e+00 : f32
        %broadcast_in_dim3A_416 = vector.broadcast %jit3A_415 : f32 to vector<16xf32>
        %select_n3A_417 = arith.select %gt3A_408, %gather3A, %broadcast_in_dim3A_416 : vector<16xi1>, vector<16xf32>
        %exp3A = math.exp %select_n3A_417 : vector<16xf32>
        %mul3A_418 = arith.constant 256 : i32
        %mul3A_419 = vector.broadcast %mul3A_418 : i32 to vector<16xi32>
        %mul3A_420 = arith.muli %iota3A, %mul3A_419 : vector<16xi32>
        %add3A_421 = arith.addi %mul3A_420, %select_n3A_414 : vector<16xi32>
        tpu.vector_store_idx %arg16[%add3A_421], %exp3A masked %gt3A_408 {add = true} : memref<4096xf32, #tpu.memory_space<vmem>>[vector<16xi32>], vector<16xf32>, vector<16xi1>
        %gather3A_422 = tpu.vector_load_idx %arg10[%select_n3A_414] : memref<256xi32, #tpu.memory_space<vmem>>[vector<16xi32>], vector<16xi32>,
        %jit3A_423 = arith.constant 0 : i32
        %broadcast_in_dim3A_424 = vector.broadcast %jit3A_423 : i32 to vector<16xi32>
        %select_n3A_425 = arith.select %gt3A_408, %gather3A_422, %broadcast_in_dim3A_424 : vector<16xi1>, vector<16xi32>
        scf.yield %select_n3A_425 : vector<16xi32>
      }
      %mul3A_286 = arith.constant 128 : i32
      %mul3A_287 = arith.muli %while3A_211, %mul3A_286 : i32
      %add3A_288 = arith.constant 48 : i32
      %add3A_289 = arith.addi %mul3A_287, %add3A_288 : i32
      %add3A_290 = vector.broadcast %add3A_289 : i32 to vector<16xi32>
      %add3A_291 = arith.addi %add3A_290, %iota3A : vector<16xi32>
      %lt3A_292 = vector.broadcast %scan3A_61 : i32 to vector<16xi32>
      %lt3A_293 = arith.cmpi slt, %add3A_291, %lt3A_292 : vector<16xi32>
      %mul3A_294 = arith.constant 128 : i32
      %mul3A_295 = arith.muli %while3A_211, %mul3A_294 : i32
      %add3A_296 = arith.constant 48 : i32
      %add3A_297 = arith.addi %mul3A_295, %add3A_296 : i32
      %get3A_298 = arith.index_cast %add3A_297 : i32 to index
      %get3A_299 = tpu.vector_load %arg13[%get3A_298] {strides = array<i32>} : memref<3328xi32, #tpu.memory_space<vmem>>, vector<16xi32>,
      %jit3A_300 = arith.constant 0 : i32
      %broadcast_in_dim3A_301 = vector.broadcast %jit3A_300 : i32 to vector<16xi32>
      %select_n3A_302 = arith.select %lt3A_293, %get3A_299, %broadcast_in_dim3A_301 : vector<16xi1>, vector<16xi32>
      %add3A_303 = arith.constant 48 : i32
      %add3A_304 = vector.broadcast %add3A_303 : i32 to vector<16xi32>
      %add3A_305 = arith.addi %add3A_304, %iota3A : vector<16xi32>
      %while3A_306 = scf.while (%while3A_405 = %select_n3A_302) : (vector<16xi32>) -> vector<16xi32> {
        %gt3A_406 = arith.constant 0 : i32
        %gt3A_407 = vector.broadcast %gt3A_406 : i32 to vector<16xi32>
        %gt3A_408 = arith.cmpi sgt, %while3A_405, %gt3A_407 : vector<16xi32>
        %all_reduce_population_count3A = tpu.all_reduce %gt3A_408 {dim = 0 : i64, kind = #tpu.reduction_kind<sum>} : vector<16xi1> -> vector<16xi32>
        %slice3A = vector.extract_strided_slice %all_reduce_population_count3A {offsets = [0], sizes = [1], strides = [1]} : vector<16xi32> to vector<1xi32>
        %squeeze3A = vector.extract %slice3A[0] : i32 from vector<1xi32>
        %gt3A_409 = arith.constant 0 : i32
        %gt3A_410 = arith.cmpi sgt, %squeeze3A, %gt3A_409 : i32
        scf.condition(%gt3A_410) %while3A_405 : vector<16xi32>
      } do {
      ^bb0(%while3A_405: vector<16xi32>):
        %gt3A_406 = arith.constant 0 : i32
        %gt3A_407 = vector.broadcast %gt3A_406 : i32 to vector<16xi32>
        %gt3A_408 = arith.cmpi sgt, %while3A_405, %gt3A_407 : vector<16xi32>
        %sub3A_409 = arith.constant 1 : i32
        %sub3A_410 = vector.broadcast %sub3A_409 : i32 to vector<16xi32>
        %sub3A_411 = arith.subi %while3A_405, %sub3A_410 : vector<16xi32>
        %jit3A_412 = arith.constant 0 : i32
        %broadcast_in_dim3A_413 = vector.broadcast %jit3A_412 : i32 to vector<16xi32>
        %select_n3A_414 = arith.select %gt3A_408, %sub3A_411, %broadcast_in_dim3A_413 : vector<16xi1>, vector<16xi32>
        %gather3A = tpu.vector_load_idx %arg14[%add3A_305, %select_n3A_414] masked %gt3A_408 : memref<128x256xf32, #tpu.memory_space<vmem>>[vector<16xi32>, vector<16xi32>], vector<16xf32>, vector<16xi1>
        %jit3A_415 = arith.constant 0.000000e+00 : f32
        %broadcast_in_dim3A_416 = vector.broadcast %jit3A_415 : f32 to vector<16xf32>
        %select_n3A_417 = arith.select %gt3A_408, %gather3A, %broadcast_in_dim3A_416 : vector<16xi1>, vector<16xf32>
        %exp3A = math.exp %select_n3A_417 : vector<16xf32>
        %mul3A_418 = arith.constant 256 : i32
        %mul3A_419 = vector.broadcast %mul3A_418 : i32 to vector<16xi32>
        %mul3A_420 = arith.muli %iota3A, %mul3A_419 : vector<16xi32>
        %add3A_421 = arith.addi %mul3A_420, %select_n3A_414 : vector<16xi32>
        tpu.vector_store_idx %arg16[%add3A_421], %exp3A masked %gt3A_408 {add = true} : memref<4096xf32, #tpu.memory_space<vmem>>[vector<16xi32>], vector<16xf32>, vector<16xi1>
        %gather3A_422 = tpu.vector_load_idx %arg10[%select_n3A_414] : memref<256xi32, #tpu.memory_space<vmem>>[vector<16xi32>], vector<16xi32>,
        %jit3A_423 = arith.constant 0 : i32
        %broadcast_in_dim3A_424 = vector.broadcast %jit3A_423 : i32 to vector<16xi32>
        %select_n3A_425 = arith.select %gt3A_408, %gather3A_422, %broadcast_in_dim3A_424 : vector<16xi1>, vector<16xi32>
        scf.yield %select_n3A_425 : vector<16xi32>
      }
      %mul3A_307 = arith.constant 128 : i32
      %mul3A_308 = arith.muli %while3A_211, %mul3A_307 : i32
      %add3A_309 = arith.constant 64 : i32
      %add3A_310 = arith.addi %mul3A_308, %add3A_309 : i32
      %add3A_311 = vector.broadcast %add3A_310 : i32 to vector<16xi32>
      %add3A_312 = arith.addi %add3A_311, %iota3A : vector<16xi32>
      %lt3A_313 = vector.broadcast %scan3A_61 : i32 to vector<16xi32>
      %lt3A_314 = arith.cmpi slt, %add3A_312, %lt3A_313 : vector<16xi32>
      %mul3A_315 = arith.constant 128 : i32
      %mul3A_316 = arith.muli %while3A_211, %mul3A_315 : i32
      %add3A_317 = arith.constant 64 : i32
      %add3A_318 = arith.addi %mul3A_316, %add3A_317 : i32
      %get3A_319 = arith.index_cast %add3A_318 : i32 to index
      %get3A_320 = tpu.vector_load %arg13[%get3A_319] {strides = array<i32>} : memref<3328xi32, #tpu.memory_space<vmem>>, vector<16xi32>,
      %jit3A_321 = arith.constant 0 : i32
      %broadcast_in_dim3A_322 = vector.broadcast %jit3A_321 : i32 to vector<16xi32>
      %select_n3A_323 = arith.select %lt3A_314, %get3A_320, %broadcast_in_dim3A_322 : vector<16xi1>, vector<16xi32>
      %add3A_324 = arith.constant 64 : i32
      %add3A_325 = vector.broadcast %add3A_324 : i32 to vector<16xi32>
      %add3A_326 = arith.addi %add3A_325, %iota3A : vector<16xi32>
      %while3A_327 = scf.while (%while3A_405 = %select_n3A_323) : (vector<16xi32>) -> vector<16xi32> {
        %gt3A_406 = arith.constant 0 : i32
        %gt3A_407 = vector.broadcast %gt3A_406 : i32 to vector<16xi32>
        %gt3A_408 = arith.cmpi sgt, %while3A_405, %gt3A_407 : vector<16xi32>
        %all_reduce_population_count3A = tpu.all_reduce %gt3A_408 {dim = 0 : i64, kind = #tpu.reduction_kind<sum>} : vector<16xi1> -> vector<16xi32>
        %slice3A = vector.extract_strided_slice %all_reduce_population_count3A {offsets = [0], sizes = [1], strides = [1]} : vector<16xi32> to vector<1xi32>
        %squeeze3A = vector.extract %slice3A[0] : i32 from vector<1xi32>
        %gt3A_409 = arith.constant 0 : i32
        %gt3A_410 = arith.cmpi sgt, %squeeze3A, %gt3A_409 : i32
        scf.condition(%gt3A_410) %while3A_405 : vector<16xi32>
      } do {
      ^bb0(%while3A_405: vector<16xi32>):
        %gt3A_406 = arith.constant 0 : i32
        %gt3A_407 = vector.broadcast %gt3A_406 : i32 to vector<16xi32>
        %gt3A_408 = arith.cmpi sgt, %while3A_405, %gt3A_407 : vector<16xi32>
        %sub3A_409 = arith.constant 1 : i32
        %sub3A_410 = vector.broadcast %sub3A_409 : i32 to vector<16xi32>
        %sub3A_411 = arith.subi %while3A_405, %sub3A_410 : vector<16xi32>
        %jit3A_412 = arith.constant 0 : i32
        %broadcast_in_dim3A_413 = vector.broadcast %jit3A_412 : i32 to vector<16xi32>
        %select_n3A_414 = arith.select %gt3A_408, %sub3A_411, %broadcast_in_dim3A_413 : vector<16xi1>, vector<16xi32>
        %gather3A = tpu.vector_load_idx %arg14[%add3A_326, %select_n3A_414] masked %gt3A_408 : memref<128x256xf32, #tpu.memory_space<vmem>>[vector<16xi32>, vector<16xi32>], vector<16xf32>, vector<16xi1>
        %jit3A_415 = arith.constant 0.000000e+00 : f32
        %broadcast_in_dim3A_416 = vector.broadcast %jit3A_415 : f32 to vector<16xf32>
        %select_n3A_417 = arith.select %gt3A_408, %gather3A, %broadcast_in_dim3A_416 : vector<16xi1>, vector<16xf32>
        %exp3A = math.exp %select_n3A_417 : vector<16xf32>
        %mul3A_418 = arith.constant 256 : i32
        %mul3A_419 = vector.broadcast %mul3A_418 : i32 to vector<16xi32>
        %mul3A_420 = arith.muli %iota3A, %mul3A_419 : vector<16xi32>
        %add3A_421 = arith.addi %mul3A_420, %select_n3A_414 : vector<16xi32>
        tpu.vector_store_idx %arg16[%add3A_421], %exp3A masked %gt3A_408 {add = true} : memref<4096xf32, #tpu.memory_space<vmem>>[vector<16xi32>], vector<16xf32>, vector<16xi1>
        %gather3A_422 = tpu.vector_load_idx %arg10[%select_n3A_414] : memref<256xi32, #tpu.memory_space<vmem>>[vector<16xi32>], vector<16xi32>,
        %jit3A_423 = arith.constant 0 : i32
        %broadcast_in_dim3A_424 = vector.broadcast %jit3A_423 : i32 to vector<16xi32>
        %select_n3A_425 = arith.select %gt3A_408, %gather3A_422, %broadcast_in_dim3A_424 : vector<16xi1>, vector<16xi32>
        scf.yield %select_n3A_425 : vector<16xi32>
      }
      %mul3A_328 = arith.constant 128 : i32
      %mul3A_329 = arith.muli %while3A_211, %mul3A_328 : i32
      %add3A_330 = arith.constant 80 : i32
      %add3A_331 = arith.addi %mul3A_329, %add3A_330 : i32
      %add3A_332 = vector.broadcast %add3A_331 : i32 to vector<16xi32>
      %add3A_333 = arith.addi %add3A_332, %iota3A : vector<16xi32>
      %lt3A_334 = vector.broadcast %scan3A_61 : i32 to vector<16xi32>
      %lt3A_335 = arith.cmpi slt, %add3A_333, %lt3A_334 : vector<16xi32>
      %mul3A_336 = arith.constant 128 : i32
      %mul3A_337 = arith.muli %while3A_211, %mul3A_336 : i32
      %add3A_338 = arith.constant 80 : i32
      %add3A_339 = arith.addi %mul3A_337, %add3A_338 : i32
      %get3A_340 = arith.index_cast %add3A_339 : i32 to index
      %get3A_341 = tpu.vector_load %arg13[%get3A_340] {strides = array<i32>} : memref<3328xi32, #tpu.memory_space<vmem>>, vector<16xi32>,
      %jit3A_342 = arith.constant 0 : i32
      %broadcast_in_dim3A_343 = vector.broadcast %jit3A_342 : i32 to vector<16xi32>
      %select_n3A_344 = arith.select %lt3A_335, %get3A_341, %broadcast_in_dim3A_343 : vector<16xi1>, vector<16xi32>
      %add3A_345 = arith.constant 80 : i32
      %add3A_346 = vector.broadcast %add3A_345 : i32 to vector<16xi32>
      %add3A_347 = arith.addi %add3A_346, %iota3A : vector<16xi32>
      %while3A_348 = scf.while (%while3A_405 = %select_n3A_344) : (vector<16xi32>) -> vector<16xi32> {
        %gt3A_406 = arith.constant 0 : i32
        %gt3A_407 = vector.broadcast %gt3A_406 : i32 to vector<16xi32>
        %gt3A_408 = arith.cmpi sgt, %while3A_405, %gt3A_407 : vector<16xi32>
        %all_reduce_population_count3A = tpu.all_reduce %gt3A_408 {dim = 0 : i64, kind = #tpu.reduction_kind<sum>} : vector<16xi1> -> vector<16xi32>
        %slice3A = vector.extract_strided_slice %all_reduce_population_count3A {offsets = [0], sizes = [1], strides = [1]} : vector<16xi32> to vector<1xi32>
        %squeeze3A = vector.extract %slice3A[0] : i32 from vector<1xi32>
        %gt3A_409 = arith.constant 0 : i32
        %gt3A_410 = arith.cmpi sgt, %squeeze3A, %gt3A_409 : i32
        scf.condition(%gt3A_410) %while3A_405 : vector<16xi32>
      } do {
      ^bb0(%while3A_405: vector<16xi32>):
        %gt3A_406 = arith.constant 0 : i32
        %gt3A_407 = vector.broadcast %gt3A_406 : i32 to vector<16xi32>
        %gt3A_408 = arith.cmpi sgt, %while3A_405, %gt3A_407 : vector<16xi32>
        %sub3A_409 = arith.constant 1 : i32
        %sub3A_410 = vector.broadcast %sub3A_409 : i32 to vector<16xi32>
        %sub3A_411 = arith.subi %while3A_405, %sub3A_410 : vector<16xi32>
        %jit3A_412 = arith.constant 0 : i32
        %broadcast_in_dim3A_413 = vector.broadcast %jit3A_412 : i32 to vector<16xi32>
        %select_n3A_414 = arith.select %gt3A_408, %sub3A_411, %broadcast_in_dim3A_413 : vector<16xi1>, vector<16xi32>
        %gather3A = tpu.vector_load_idx %arg14[%add3A_347, %select_n3A_414] masked %gt3A_408 : memref<128x256xf32, #tpu.memory_space<vmem>>[vector<16xi32>, vector<16xi32>], vector<16xf32>, vector<16xi1>
        %jit3A_415 = arith.constant 0.000000e+00 : f32
        %broadcast_in_dim3A_416 = vector.broadcast %jit3A_415 : f32 to vector<16xf32>
        %select_n3A_417 = arith.select %gt3A_408, %gather3A, %broadcast_in_dim3A_416 : vector<16xi1>, vector<16xf32>
        %exp3A = math.exp %select_n3A_417 : vector<16xf32>
        %mul3A_418 = arith.constant 256 : i32
        %mul3A_419 = vector.broadcast %mul3A_418 : i32 to vector<16xi32>
        %mul3A_420 = arith.muli %iota3A, %mul3A_419 : vector<16xi32>
        %add3A_421 = arith.addi %mul3A_420, %select_n3A_414 : vector<16xi32>
        tpu.vector_store_idx %arg16[%add3A_421], %exp3A masked %gt3A_408 {add = true} : memref<4096xf32, #tpu.memory_space<vmem>>[vector<16xi32>], vector<16xf32>, vector<16xi1>
        %gather3A_422 = tpu.vector_load_idx %arg10[%select_n3A_414] : memref<256xi32, #tpu.memory_space<vmem>>[vector<16xi32>], vector<16xi32>,
        %jit3A_423 = arith.constant 0 : i32
        %broadcast_in_dim3A_424 = vector.broadcast %jit3A_423 : i32 to vector<16xi32>
        %select_n3A_425 = arith.select %gt3A_408, %gather3A_422, %broadcast_in_dim3A_424 : vector<16xi1>, vector<16xi32>
        scf.yield %select_n3A_425 : vector<16xi32>
      }
      %mul3A_349 = arith.constant 128 : i32
      %mul3A_350 = arith.muli %while3A_211, %mul3A_349 : i32
      %add3A_351 = arith.constant 96 : i32
      %add3A_352 = arith.addi %mul3A_350, %add3A_351 : i32
      %add3A_353 = vector.broadcast %add3A_352 : i32 to vector<16xi32>
      %add3A_354 = arith.addi %add3A_353, %iota3A : vector<16xi32>
      %lt3A_355 = vector.broadcast %scan3A_61 : i32 to vector<16xi32>
      %lt3A_356 = arith.cmpi slt, %add3A_354, %lt3A_355 : vector<16xi32>
      %mul3A_357 = arith.constant 128 : i32
      %mul3A_358 = arith.muli %while3A_211, %mul3A_357 : i32
      %add3A_359 = arith.constant 96 : i32
      %add3A_360 = arith.addi %mul3A_358, %add3A_359 : i32
      %get3A_361 = arith.index_cast %add3A_360 : i32 to index
      %get3A_362 = tpu.vector_load %arg13[%get3A_361] {strides = array<i32>} : memref<3328xi32, #tpu.memory_space<vmem>>, vector<16xi32>,
      %jit3A_363 = arith.constant 0 : i32
      %broadcast_in_dim3A_364 = vector.broadcast %jit3A_363 : i32 to vector<16xi32>
      %select_n3A_365 = arith.select %lt3A_356, %get3A_362, %broadcast_in_dim3A_364 : vector<16xi1>, vector<16xi32>
      %add3A_366 = arith.constant 96 : i32
      %add3A_367 = vector.broadcast %add3A_366 : i32 to vector<16xi32>
      %add3A_368 = arith.addi %add3A_367, %iota3A : vector<16xi32>
      %while3A_369 = scf.while (%while3A_405 = %select_n3A_365) : (vector<16xi32>) -> vector<16xi32> {
        %gt3A_406 = arith.constant 0 : i32
        %gt3A_407 = vector.broadcast %gt3A_406 : i32 to vector<16xi32>
        %gt3A_408 = arith.cmpi sgt, %while3A_405, %gt3A_407 : vector<16xi32>
        %all_reduce_population_count3A = tpu.all_reduce %gt3A_408 {dim = 0 : i64, kind = #tpu.reduction_kind<sum>} : vector<16xi1> -> vector<16xi32>
        %slice3A = vector.extract_strided_slice %all_reduce_population_count3A {offsets = [0], sizes = [1], strides = [1]} : vector<16xi32> to vector<1xi32>
        %squeeze3A = vector.extract %slice3A[0] : i32 from vector<1xi32>
        %gt3A_409 = arith.constant 0 : i32
        %gt3A_410 = arith.cmpi sgt, %squeeze3A, %gt3A_409 : i32
        scf.condition(%gt3A_410) %while3A_405 : vector<16xi32>
      } do {
      ^bb0(%while3A_405: vector<16xi32>):
        %gt3A_406 = arith.constant 0 : i32
        %gt3A_407 = vector.broadcast %gt3A_406 : i32 to vector<16xi32>
        %gt3A_408 = arith.cmpi sgt, %while3A_405, %gt3A_407 : vector<16xi32>
        %sub3A_409 = arith.constant 1 : i32
        %sub3A_410 = vector.broadcast %sub3A_409 : i32 to vector<16xi32>
        %sub3A_411 = arith.subi %while3A_405, %sub3A_410 : vector<16xi32>
        %jit3A_412 = arith.constant 0 : i32
        %broadcast_in_dim3A_413 = vector.broadcast %jit3A_412 : i32 to vector<16xi32>
        %select_n3A_414 = arith.select %gt3A_408, %sub3A_411, %broadcast_in_dim3A_413 : vector<16xi1>, vector<16xi32>
        %gather3A = tpu.vector_load_idx %arg14[%add3A_368, %select_n3A_414] masked %gt3A_408 : memref<128x256xf32, #tpu.memory_space<vmem>>[vector<16xi32>, vector<16xi32>], vector<16xf32>, vector<16xi1>
        %jit3A_415 = arith.constant 0.000000e+00 : f32
        %broadcast_in_dim3A_416 = vector.broadcast %jit3A_415 : f32 to vector<16xf32>
        %select_n3A_417 = arith.select %gt3A_408, %gather3A, %broadcast_in_dim3A_416 : vector<16xi1>, vector<16xf32>
        %exp3A = math.exp %select_n3A_417 : vector<16xf32>
        %mul3A_418 = arith.constant 256 : i32
        %mul3A_419 = vector.broadcast %mul3A_418 : i32 to vector<16xi32>
        %mul3A_420 = arith.muli %iota3A, %mul3A_419 : vector<16xi32>
        %add3A_421 = arith.addi %mul3A_420, %select_n3A_414 : vector<16xi32>
        tpu.vector_store_idx %arg16[%add3A_421], %exp3A masked %gt3A_408 {add = true} : memref<4096xf32, #tpu.memory_space<vmem>>[vector<16xi32>], vector<16xf32>, vector<16xi1>
        %gather3A_422 = tpu.vector_load_idx %arg10[%select_n3A_414] : memref<256xi32, #tpu.memory_space<vmem>>[vector<16xi32>], vector<16xi32>,
        %jit3A_423 = arith.constant 0 : i32
        %broadcast_in_dim3A_424 = vector.broadcast %jit3A_423 : i32 to vector<16xi32>
        %select_n3A_425 = arith.select %gt3A_408, %gather3A_422, %broadcast_in_dim3A_424 : vector<16xi1>, vector<16xi32>
        scf.yield %select_n3A_425 : vector<16xi32>
      }
      %mul3A_370 = arith.constant 128 : i32
      %mul3A_371 = arith.muli %while3A_211, %mul3A_370 : i32
      %add3A_372 = arith.constant 112 : i32
      %add3A_373 = arith.addi %mul3A_371, %add3A_372 : i32
      %add3A_374 = vector.broadcast %add3A_373 : i32 to vector<16xi32>
      %add3A_375 = arith.addi %add3A_374, %iota3A : vector<16xi32>
      %lt3A_376 = vector.broadcast %scan3A_61 : i32 to vector<16xi32>
      %lt3A_377 = arith.cmpi slt, %add3A_375, %lt3A_376 : vector<16xi32>
      %mul3A_378 = arith.constant 128 : i32
      %mul3A_379 = arith.muli %while3A_211, %mul3A_378 : i32
      %add3A_380 = arith.constant 112 : i32
      %add3A_381 = arith.addi %mul3A_379, %add3A_380 : i32
      %get3A_382 = arith.index_cast %add3A_381 : i32 to index
      %get3A_383 = tpu.vector_load %arg13[%get3A_382] {strides = array<i32>} : memref<3328xi32, #tpu.memory_space<vmem>>, vector<16xi32>,
      %jit3A_384 = arith.constant 0 : i32
      %broadcast_in_dim3A_385 = vector.broadcast %jit3A_384 : i32 to vector<16xi32>
      %select_n3A_386 = arith.select %lt3A_377, %get3A_383, %broadcast_in_dim3A_385 : vector<16xi1>, vector<16xi32>
      %add3A_387 = arith.constant 112 : i32
      %add3A_388 = vector.broadcast %add3A_387 : i32 to vector<16xi32>
      %add3A_389 = arith.addi %add3A_388, %iota3A : vector<16xi32>
      %while3A_390 = scf.while (%while3A_405 = %select_n3A_386) : (vector<16xi32>) -> vector<16xi32> {
        %gt3A_406 = arith.constant 0 : i32
        %gt3A_407 = vector.broadcast %gt3A_406 : i32 to vector<16xi32>
        %gt3A_408 = arith.cmpi sgt, %while3A_405, %gt3A_407 : vector<16xi32>
        %all_reduce_population_count3A = tpu.all_reduce %gt3A_408 {dim = 0 : i64, kind = #tpu.reduction_kind<sum>} : vector<16xi1> -> vector<16xi32>
        %slice3A = vector.extract_strided_slice %all_reduce_population_count3A {offsets = [0], sizes = [1], strides = [1]} : vector<16xi32> to vector<1xi32>
        %squeeze3A = vector.extract %slice3A[0] : i32 from vector<1xi32>
        %gt3A_409 = arith.constant 0 : i32
        %gt3A_410 = arith.cmpi sgt, %squeeze3A, %gt3A_409 : i32
        scf.condition(%gt3A_410) %while3A_405 : vector<16xi32>
      } do {
      ^bb0(%while3A_405: vector<16xi32>):
        %gt3A_406 = arith.constant 0 : i32
        %gt3A_407 = vector.broadcast %gt3A_406 : i32 to vector<16xi32>
        %gt3A_408 = arith.cmpi sgt, %while3A_405, %gt3A_407 : vector<16xi32>
        %sub3A_409 = arith.constant 1 : i32
        %sub3A_410 = vector.broadcast %sub3A_409 : i32 to vector<16xi32>
        %sub3A_411 = arith.subi %while3A_405, %sub3A_410 : vector<16xi32>
        %jit3A_412 = arith.constant 0 : i32
        %broadcast_in_dim3A_413 = vector.broadcast %jit3A_412 : i32 to vector<16xi32>
        %select_n3A_414 = arith.select %gt3A_408, %sub3A_411, %broadcast_in_dim3A_413 : vector<16xi1>, vector<16xi32>
        %gather3A = tpu.vector_load_idx %arg14[%add3A_389, %select_n3A_414] masked %gt3A_408 : memref<128x256xf32, #tpu.memory_space<vmem>>[vector<16xi32>, vector<16xi32>], vector<16xf32>, vector<16xi1>
        %jit3A_415 = arith.constant 0.000000e+00 : f32
        %broadcast_in_dim3A_416 = vector.broadcast %jit3A_415 : f32 to vector<16xf32>
        %select_n3A_417 = arith.select %gt3A_408, %gather3A, %broadcast_in_dim3A_416 : vector<16xi1>, vector<16xf32>
        %exp3A = math.exp %select_n3A_417 : vector<16xf32>
        %mul3A_418 = arith.constant 256 : i32
        %mul3A_419 = vector.broadcast %mul3A_418 : i32 to vector<16xi32>
        %mul3A_420 = arith.muli %iota3A, %mul3A_419 : vector<16xi32>
        %add3A_421 = arith.addi %mul3A_420, %select_n3A_414 : vector<16xi32>
        tpu.vector_store_idx %arg16[%add3A_421], %exp3A masked %gt3A_408 {add = true} : memref<4096xf32, #tpu.memory_space<vmem>>[vector<16xi32>], vector<16xf32>, vector<16xi1>
        %gather3A_422 = tpu.vector_load_idx %arg10[%select_n3A_414] : memref<256xi32, #tpu.memory_space<vmem>>[vector<16xi32>], vector<16xi32>,
        %jit3A_423 = arith.constant 0 : i32
        %broadcast_in_dim3A_424 = vector.broadcast %jit3A_423 : i32 to vector<16xi32>
        %select_n3A_425 = arith.select %gt3A_408, %gather3A_422, %broadcast_in_dim3A_424 : vector<16xi1>, vector<16xi32>
        scf.yield %select_n3A_425 : vector<16xi32>
      }
      %add3A_391 = arith.constant 2 : i32
      %add3A_392 = arith.addi %while3A_211, %add3A_391 : i32
      %lt3A_393 = arith.cmpi slt, %add3A_392, %select_n3A : i32
      %convert_element_type3A_394 = arith.extui %lt3A_393 : i1 to i32
      %cond3A_395 = arith.constant 0 : i32
      %cond3A_396 = arith.cmpi ne, %convert_element_type3A_394, %cond3A_395 : i32
      scf.if %cond3A_396 {
        %add3A_405 = arith.constant 2 : i32
        %add3A_406 = arith.addi %while3A_211, %add3A_405 : i32
        %mul3A_407 = arith.constant 128 : i32
        %mul3A_408 = arith.muli %add3A_406, %mul3A_407 : i32
        %dma_start3A_409 = tpu.memref_slice %arg12[%mul3A_408] : memref<3328xi32, #tpu.memory_space<vmem>> -> memref<128xi32, #tpu.memory_space<vmem>>
        %dma_start3A_410 = arith.constant 0 : i32
        %dma_start3A_411 = arith.constant 0 : i32
        %dma_start3A_412 = tpu.memref_slice %arg2[%dma_start3A_410, %dma_start3A_411] : memref<100000x256xf32, #tpu.memory_space<hbm>> -> memref<100000x256xf32, #tpu.memory_space<hbm>>
        tpu.enqueue_indirect_dma source(%dma_start3A_412 : memref<100000x256xf32, #tpu.memory_space<hbm>>) target(%arg14 : memref<128x256xf32, #tpu.memory_space<vmem>>) offsets(%dma_start3A_409 : memref<128xi32, #tpu.memory_space<vmem>>) semaphore(%arg23 : memref<!tpu.dma_semaphore, #tpu.memory_space<semaphore_mem>>)
      } else {
      }
      %add3A_397 = arith.constant 1 : i32
      %add3A_398 = arith.addi %while3A_211, %add3A_397 : i32
      %lt3A_399 = arith.cmpi slt, %add3A_398, %select_n3A : i32
      %convert_element_type3A_400 = arith.extui %lt3A_399 : i1 to i32
      %cond3A_401 = arith.constant 0 : i32
      %cond3A_402 = arith.cmpi ne, %convert_element_type3A_400, %cond3A_401 : i32
      scf.if %cond3A_402 {
        %add3A_405 = arith.constant 1 : i32
        %add3A_406 = arith.addi %while3A_211, %add3A_405 : i32
        %mul3A_407 = arith.constant 128 : i32
        %mul3A_408 = arith.muli %add3A_406, %mul3A_407 : i32
        %dma_wait3A_409 = tpu.memref_slice %arg12[%mul3A_408] : memref<3328xi32, #tpu.memory_space<vmem>> -> memref<128xi32, #tpu.memory_space<vmem>>
        %dma_wait3A_410 = arith.constant 0 : i32
        %dma_wait3A_411 = arith.constant 0 : i32
        %dma_wait3A_412 = tpu.memref_slice %arg2[%dma_wait3A_410, %dma_wait3A_411] : memref<100000x256xf32, #tpu.memory_space<hbm>> -> memref<100000x256xf32, #tpu.memory_space<hbm>>
        tpu.wait_indirect_dma semaphore(%arg24 : memref<!tpu.dma_semaphore, #tpu.memory_space<semaphore_mem>>) src(%dma_wait3A_412 : memref<100000x256xf32, #tpu.memory_space<hbm>>) dst(%arg15 : memref<128x256xf32, #tpu.memory_space<vmem>>)
        %add3A_413 = arith.constant 1 : i32
        %add3A_414 = arith.addi %while3A_211, %add3A_413 : i32
        %mul3A_415 = arith.constant 128 : i32
        %mul3A_416 = arith.muli %add3A_414, %mul3A_415 : i32
        %add3A_417 = arith.constant 0 : i32
        %add3A_418 = arith.addi %mul3A_416, %add3A_417 : i32
        %add3A_419 = vector.broadcast %add3A_418 : i32 to vector<16xi32>
        %add3A_420 = arith.addi %add3A_419, %iota3A : vector<16xi32>
        %lt3A_421 = vector.broadcast %scan3A_61 : i32 to vector<16xi32>
        %lt3A_422 = arith.cmpi slt, %add3A_420, %lt3A_421 : vector<16xi32>
        %mul3A_423 = arith.constant 128 : i32
        %mul3A_424 = arith.muli %add3A_414, %mul3A_423 : i32
        %add3A_425 = arith.constant 0 : i32
        %add3A_426 = arith.addi %mul3A_424, %add3A_425 : i32
        %get3A_427 = arith.index_cast %add3A_426 : i32 to index
        %get3A_428 = tpu.vector_load %arg13[%get3A_427] {strides = array<i32>} : memref<3328xi32, #tpu.memory_space<vmem>>, vector<16xi32>,
        %jit3A_429 = arith.constant 0 : i32
        %broadcast_in_dim3A_430 = vector.broadcast %jit3A_429 : i32 to vector<16xi32>
        %select_n3A_431 = arith.select %lt3A_422, %get3A_428, %broadcast_in_dim3A_430 : vector<16xi1>, vector<16xi32>
        %add3A_432 = arith.constant 0 : i32
        %add3A_433 = vector.broadcast %add3A_432 : i32 to vector<16xi32>
        %add3A_434 = arith.addi %add3A_433, %iota3A : vector<16xi32>
        %while3A_435 = scf.while (%while3A_583 = %select_n3A_431) : (vector<16xi32>) -> vector<16xi32> {
          %gt3A_584 = arith.constant 0 : i32
          %gt3A_585 = vector.broadcast %gt3A_584 : i32 to vector<16xi32>
          %gt3A_586 = arith.cmpi sgt, %while3A_583, %gt3A_585 : vector<16xi32>
          %all_reduce_population_count3A = tpu.all_reduce %gt3A_586 {dim = 0 : i64, kind = #tpu.reduction_kind<sum>} : vector<16xi1> -> vector<16xi32>
          %slice3A = vector.extract_strided_slice %all_reduce_population_count3A {offsets = [0], sizes = [1], strides = [1]} : vector<16xi32> to vector<1xi32>
          %squeeze3A = vector.extract %slice3A[0] : i32 from vector<1xi32>
          %gt3A_587 = arith.constant 0 : i32
          %gt3A_588 = arith.cmpi sgt, %squeeze3A, %gt3A_587 : i32
          scf.condition(%gt3A_588) %while3A_583 : vector<16xi32>
        } do {
        ^bb0(%while3A_583: vector<16xi32>):
          %gt3A_584 = arith.constant 0 : i32
          %gt3A_585 = vector.broadcast %gt3A_584 : i32 to vector<16xi32>
          %gt3A_586 = arith.cmpi sgt, %while3A_583, %gt3A_585 : vector<16xi32>
          %sub3A_587 = arith.constant 1 : i32
          %sub3A_588 = vector.broadcast %sub3A_587 : i32 to vector<16xi32>
          %sub3A_589 = arith.subi %while3A_583, %sub3A_588 : vector<16xi32>
          %jit3A_590 = arith.constant 0 : i32
          %broadcast_in_dim3A_591 = vector.broadcast %jit3A_590 : i32 to vector<16xi32>
          %select_n3A_592 = arith.select %gt3A_586, %sub3A_589, %broadcast_in_dim3A_591 : vector<16xi1>, vector<16xi32>
          %gather3A = tpu.vector_load_idx %arg15[%add3A_434, %select_n3A_592] masked %gt3A_586 : memref<128x256xf32, #tpu.memory_space<vmem>>[vector<16xi32>, vector<16xi32>], vector<16xf32>, vector<16xi1>
          %jit3A_593 = arith.constant 0.000000e+00 : f32
          %broadcast_in_dim3A_594 = vector.broadcast %jit3A_593 : f32 to vector<16xf32>
          %select_n3A_595 = arith.select %gt3A_586, %gather3A, %broadcast_in_dim3A_594 : vector<16xi1>, vector<16xf32>
          %exp3A = math.exp %select_n3A_595 : vector<16xf32>
          %mul3A_596 = arith.constant 256 : i32
          %mul3A_597 = vector.broadcast %mul3A_596 : i32 to vector<16xi32>
          %mul3A_598 = arith.muli %iota3A, %mul3A_597 : vector<16xi32>
          %add3A_599 = arith.addi %mul3A_598, %select_n3A_592 : vector<16xi32>
          tpu.vector_store_idx %arg16[%add3A_599], %exp3A masked %gt3A_586 {add = true} : memref<4096xf32, #tpu.memory_space<vmem>>[vector<16xi32>], vector<16xf32>, vector<16xi1>
          %gather3A_600 = tpu.vector_load_idx %arg10[%select_n3A_592] : memref<256xi32, #tpu.memory_space<vmem>>[vector<16xi32>], vector<16xi32>,
          %jit3A_601 = arith.constant 0 : i32
          %broadcast_in_dim3A_602 = vector.broadcast %jit3A_601 : i32 to vector<16xi32>
          %select_n3A_603 = arith.select %gt3A_586, %gather3A_600, %broadcast_in_dim3A_602 : vector<16xi1>, vector<16xi32>
          scf.yield %select_n3A_603 : vector<16xi32>
        }
        %mul3A_436 = arith.constant 128 : i32
        %mul3A_437 = arith.muli %add3A_414, %mul3A_436 : i32
        %add3A_438 = arith.constant 16 : i32
        %add3A_439 = arith.addi %mul3A_437, %add3A_438 : i32
        %add3A_440 = vector.broadcast %add3A_439 : i32 to vector<16xi32>
        %add3A_441 = arith.addi %add3A_440, %iota3A : vector<16xi32>
        %lt3A_442 = vector.broadcast %scan3A_61 : i32 to vector<16xi32>
        %lt3A_443 = arith.cmpi slt, %add3A_441, %lt3A_442 : vector<16xi32>
        %mul3A_444 = arith.constant 128 : i32
        %mul3A_445 = arith.muli %add3A_414, %mul3A_444 : i32
        %add3A_446 = arith.constant 16 : i32
        %add3A_447 = arith.addi %mul3A_445, %add3A_446 : i32
        %get3A_448 = arith.index_cast %add3A_447 : i32 to index
        %get3A_449 = tpu.vector_load %arg13[%get3A_448] {strides = array<i32>} : memref<3328xi32, #tpu.memory_space<vmem>>, vector<16xi32>,
        %jit3A_450 = arith.constant 0 : i32
        %broadcast_in_dim3A_451 = vector.broadcast %jit3A_450 : i32 to vector<16xi32>
        %select_n3A_452 = arith.select %lt3A_443, %get3A_449, %broadcast_in_dim3A_451 : vector<16xi1>, vector<16xi32>
        %add3A_453 = arith.constant 16 : i32
        %add3A_454 = vector.broadcast %add3A_453 : i32 to vector<16xi32>
        %add3A_455 = arith.addi %add3A_454, %iota3A : vector<16xi32>
        %while3A_456 = scf.while (%while3A_583 = %select_n3A_452) : (vector<16xi32>) -> vector<16xi32> {
          %gt3A_584 = arith.constant 0 : i32
          %gt3A_585 = vector.broadcast %gt3A_584 : i32 to vector<16xi32>
          %gt3A_586 = arith.cmpi sgt, %while3A_583, %gt3A_585 : vector<16xi32>
          %all_reduce_population_count3A = tpu.all_reduce %gt3A_586 {dim = 0 : i64, kind = #tpu.reduction_kind<sum>} : vector<16xi1> -> vector<16xi32>
          %slice3A = vector.extract_strided_slice %all_reduce_population_count3A {offsets = [0], sizes = [1], strides = [1]} : vector<16xi32> to vector<1xi32>
          %squeeze3A = vector.extract %slice3A[0] : i32 from vector<1xi32>
          %gt3A_587 = arith.constant 0 : i32
          %gt3A_588 = arith.cmpi sgt, %squeeze3A, %gt3A_587 : i32
          scf.condition(%gt3A_588) %while3A_583 : vector<16xi32>
        } do {
        ^bb0(%while3A_583: vector<16xi32>):
          %gt3A_584 = arith.constant 0 : i32
          %gt3A_585 = vector.broadcast %gt3A_584 : i32 to vector<16xi32>
          %gt3A_586 = arith.cmpi sgt, %while3A_583, %gt3A_585 : vector<16xi32>
          %sub3A_587 = arith.constant 1 : i32
          %sub3A_588 = vector.broadcast %sub3A_587 : i32 to vector<16xi32>
          %sub3A_589 = arith.subi %while3A_583, %sub3A_588 : vector<16xi32>
          %jit3A_590 = arith.constant 0 : i32
          %broadcast_in_dim3A_591 = vector.broadcast %jit3A_590 : i32 to vector<16xi32>
          %select_n3A_592 = arith.select %gt3A_586, %sub3A_589, %broadcast_in_dim3A_591 : vector<16xi1>, vector<16xi32>
          %gather3A = tpu.vector_load_idx %arg15[%add3A_455, %select_n3A_592] masked %gt3A_586 : memref<128x256xf32, #tpu.memory_space<vmem>>[vector<16xi32>, vector<16xi32>], vector<16xf32>, vector<16xi1>
          %jit3A_593 = arith.constant 0.000000e+00 : f32
          %broadcast_in_dim3A_594 = vector.broadcast %jit3A_593 : f32 to vector<16xf32>
          %select_n3A_595 = arith.select %gt3A_586, %gather3A, %broadcast_in_dim3A_594 : vector<16xi1>, vector<16xf32>
          %exp3A = math.exp %select_n3A_595 : vector<16xf32>
          %mul3A_596 = arith.constant 256 : i32
          %mul3A_597 = vector.broadcast %mul3A_596 : i32 to vector<16xi32>
          %mul3A_598 = arith.muli %iota3A, %mul3A_597 : vector<16xi32>
          %add3A_599 = arith.addi %mul3A_598, %select_n3A_592 : vector<16xi32>
          tpu.vector_store_idx %arg16[%add3A_599], %exp3A masked %gt3A_586 {add = true} : memref<4096xf32, #tpu.memory_space<vmem>>[vector<16xi32>], vector<16xf32>, vector<16xi1>
          %gather3A_600 = tpu.vector_load_idx %arg10[%select_n3A_592] : memref<256xi32, #tpu.memory_space<vmem>>[vector<16xi32>], vector<16xi32>,
          %jit3A_601 = arith.constant 0 : i32
          %broadcast_in_dim3A_602 = vector.broadcast %jit3A_601 : i32 to vector<16xi32>
          %select_n3A_603 = arith.select %gt3A_586, %gather3A_600, %broadcast_in_dim3A_602 : vector<16xi1>, vector<16xi32>
          scf.yield %select_n3A_603 : vector<16xi32>
        }
        %mul3A_457 = arith.constant 128 : i32
        %mul3A_458 = arith.muli %add3A_414, %mul3A_457 : i32
        %add3A_459 = arith.constant 32 : i32
        %add3A_460 = arith.addi %mul3A_458, %add3A_459 : i32
        %add3A_461 = vector.broadcast %add3A_460 : i32 to vector<16xi32>
        %add3A_462 = arith.addi %add3A_461, %iota3A : vector<16xi32>
        %lt3A_463 = vector.broadcast %scan3A_61 : i32 to vector<16xi32>
        %lt3A_464 = arith.cmpi slt, %add3A_462, %lt3A_463 : vector<16xi32>
        %mul3A_465 = arith.constant 128 : i32
        %mul3A_466 = arith.muli %add3A_414, %mul3A_465 : i32
        %add3A_467 = arith.constant 32 : i32
        %add3A_468 = arith.addi %mul3A_466, %add3A_467 : i32
        %get3A_469 = arith.index_cast %add3A_468 : i32 to index
        %get3A_470 = tpu.vector_load %arg13[%get3A_469] {strides = array<i32>} : memref<3328xi32, #tpu.memory_space<vmem>>, vector<16xi32>,
        %jit3A_471 = arith.constant 0 : i32
        %broadcast_in_dim3A_472 = vector.broadcast %jit3A_471 : i32 to vector<16xi32>
        %select_n3A_473 = arith.select %lt3A_464, %get3A_470, %broadcast_in_dim3A_472 : vector<16xi1>, vector<16xi32>
        %add3A_474 = arith.constant 32 : i32
        %add3A_475 = vector.broadcast %add3A_474 : i32 to vector<16xi32>
        %add3A_476 = arith.addi %add3A_475, %iota3A : vector<16xi32>
        %while3A_477 = scf.while (%while3A_583 = %select_n3A_473) : (vector<16xi32>) -> vector<16xi32> {
          %gt3A_584 = arith.constant 0 : i32
          %gt3A_585 = vector.broadcast %gt3A_584 : i32 to vector<16xi32>
          %gt3A_586 = arith.cmpi sgt, %while3A_583, %gt3A_585 : vector<16xi32>
          %all_reduce_population_count3A = tpu.all_reduce %gt3A_586 {dim = 0 : i64, kind = #tpu.reduction_kind<sum>} : vector<16xi1> -> vector<16xi32>
          %slice3A = vector.extract_strided_slice %all_reduce_population_count3A {offsets = [0], sizes = [1], strides = [1]} : vector<16xi32> to vector<1xi32>
          %squeeze3A = vector.extract %slice3A[0] : i32 from vector<1xi32>
          %gt3A_587 = arith.constant 0 : i32
          %gt3A_588 = arith.cmpi sgt, %squeeze3A, %gt3A_587 : i32
          scf.condition(%gt3A_588) %while3A_583 : vector<16xi32>
        } do {
        ^bb0(%while3A_583: vector<16xi32>):
          %gt3A_584 = arith.constant 0 : i32
          %gt3A_585 = vector.broadcast %gt3A_584 : i32 to vector<16xi32>
          %gt3A_586 = arith.cmpi sgt, %while3A_583, %gt3A_585 : vector<16xi32>
          %sub3A_587 = arith.constant 1 : i32
          %sub3A_588 = vector.broadcast %sub3A_587 : i32 to vector<16xi32>
          %sub3A_589 = arith.subi %while3A_583, %sub3A_588 : vector<16xi32>
          %jit3A_590 = arith.constant 0 : i32
          %broadcast_in_dim3A_591 = vector.broadcast %jit3A_590 : i32 to vector<16xi32>
          %select_n3A_592 = arith.select %gt3A_586, %sub3A_589, %broadcast_in_dim3A_591 : vector<16xi1>, vector<16xi32>
          %gather3A = tpu.vector_load_idx %arg15[%add3A_476, %select_n3A_592] masked %gt3A_586 : memref<128x256xf32, #tpu.memory_space<vmem>>[vector<16xi32>, vector<16xi32>], vector<16xf32>, vector<16xi1>
          %jit3A_593 = arith.constant 0.000000e+00 : f32
          %broadcast_in_dim3A_594 = vector.broadcast %jit3A_593 : f32 to vector<16xf32>
          %select_n3A_595 = arith.select %gt3A_586, %gather3A, %broadcast_in_dim3A_594 : vector<16xi1>, vector<16xf32>
          %exp3A = math.exp %select_n3A_595 : vector<16xf32>
          %mul3A_596 = arith.constant 256 : i32
          %mul3A_597 = vector.broadcast %mul3A_596 : i32 to vector<16xi32>
          %mul3A_598 = arith.muli %iota3A, %mul3A_597 : vector<16xi32>
          %add3A_599 = arith.addi %mul3A_598, %select_n3A_592 : vector<16xi32>
          tpu.vector_store_idx %arg16[%add3A_599], %exp3A masked %gt3A_586 {add = true} : memref<4096xf32, #tpu.memory_space<vmem>>[vector<16xi32>], vector<16xf32>, vector<16xi1>
          %gather3A_600 = tpu.vector_load_idx %arg10[%select_n3A_592] : memref<256xi32, #tpu.memory_space<vmem>>[vector<16xi32>], vector<16xi32>,
          %jit3A_601 = arith.constant 0 : i32
          %broadcast_in_dim3A_602 = vector.broadcast %jit3A_601 : i32 to vector<16xi32>
          %select_n3A_603 = arith.select %gt3A_586, %gather3A_600, %broadcast_in_dim3A_602 : vector<16xi1>, vector<16xi32>
          scf.yield %select_n3A_603 : vector<16xi32>
        }
        %mul3A_478 = arith.constant 128 : i32
        %mul3A_479 = arith.muli %add3A_414, %mul3A_478 : i32
        %add3A_480 = arith.constant 48 : i32
        %add3A_481 = arith.addi %mul3A_479, %add3A_480 : i32
        %add3A_482 = vector.broadcast %add3A_481 : i32 to vector<16xi32>
        %add3A_483 = arith.addi %add3A_482, %iota3A : vector<16xi32>
        %lt3A_484 = vector.broadcast %scan3A_61 : i32 to vector<16xi32>
        %lt3A_485 = arith.cmpi slt, %add3A_483, %lt3A_484 : vector<16xi32>
        %mul3A_486 = arith.constant 128 : i32
        %mul3A_487 = arith.muli %add3A_414, %mul3A_486 : i32
        %add3A_488 = arith.constant 48 : i32
        %add3A_489 = arith.addi %mul3A_487, %add3A_488 : i32
        %get3A_490 = arith.index_cast %add3A_489 : i32 to index
        %get3A_491 = tpu.vector_load %arg13[%get3A_490] {strides = array<i32>} : memref<3328xi32, #tpu.memory_space<vmem>>, vector<16xi32>,
        %jit3A_492 = arith.constant 0 : i32
        %broadcast_in_dim3A_493 = vector.broadcast %jit3A_492 : i32 to vector<16xi32>
        %select_n3A_494 = arith.select %lt3A_485, %get3A_491, %broadcast_in_dim3A_493 : vector<16xi1>, vector<16xi32>
        %add3A_495 = arith.constant 48 : i32
        %add3A_496 = vector.broadcast %add3A_495 : i32 to vector<16xi32>
        %add3A_497 = arith.addi %add3A_496, %iota3A : vector<16xi32>
        %while3A_498 = scf.while (%while3A_583 = %select_n3A_494) : (vector<16xi32>) -> vector<16xi32> {
          %gt3A_584 = arith.constant 0 : i32
          %gt3A_585 = vector.broadcast %gt3A_584 : i32 to vector<16xi32>
          %gt3A_586 = arith.cmpi sgt, %while3A_583, %gt3A_585 : vector<16xi32>
          %all_reduce_population_count3A = tpu.all_reduce %gt3A_586 {dim = 0 : i64, kind = #tpu.reduction_kind<sum>} : vector<16xi1> -> vector<16xi32>
          %slice3A = vector.extract_strided_slice %all_reduce_population_count3A {offsets = [0], sizes = [1], strides = [1]} : vector<16xi32> to vector<1xi32>
          %squeeze3A = vector.extract %slice3A[0] : i32 from vector<1xi32>
          %gt3A_587 = arith.constant 0 : i32
          %gt3A_588 = arith.cmpi sgt, %squeeze3A, %gt3A_587 : i32
          scf.condition(%gt3A_588) %while3A_583 : vector<16xi32>
        } do {
        ^bb0(%while3A_583: vector<16xi32>):
          %gt3A_584 = arith.constant 0 : i32
          %gt3A_585 = vector.broadcast %gt3A_584 : i32 to vector<16xi32>
          %gt3A_586 = arith.cmpi sgt, %while3A_583, %gt3A_585 : vector<16xi32>
          %sub3A_587 = arith.constant 1 : i32
          %sub3A_588 = vector.broadcast %sub3A_587 : i32 to vector<16xi32>
          %sub3A_589 = arith.subi %while3A_583, %sub3A_588 : vector<16xi32>
          %jit3A_590 = arith.constant 0 : i32
          %broadcast_in_dim3A_591 = vector.broadcast %jit3A_590 : i32 to vector<16xi32>
          %select_n3A_592 = arith.select %gt3A_586, %sub3A_589, %broadcast_in_dim3A_591 : vector<16xi1>, vector<16xi32>
          %gather3A = tpu.vector_load_idx %arg15[%add3A_497, %select_n3A_592] masked %gt3A_586 : memref<128x256xf32, #tpu.memory_space<vmem>>[vector<16xi32>, vector<16xi32>], vector<16xf32>, vector<16xi1>
          %jit3A_593 = arith.constant 0.000000e+00 : f32
          %broadcast_in_dim3A_594 = vector.broadcast %jit3A_593 : f32 to vector<16xf32>
          %select_n3A_595 = arith.select %gt3A_586, %gather3A, %broadcast_in_dim3A_594 : vector<16xi1>, vector<16xf32>
          %exp3A = math.exp %select_n3A_595 : vector<16xf32>
          %mul3A_596 = arith.constant 256 : i32
          %mul3A_597 = vector.broadcast %mul3A_596 : i32 to vector<16xi32>
          %mul3A_598 = arith.muli %iota3A, %mul3A_597 : vector<16xi32>
          %add3A_599 = arith.addi %mul3A_598, %select_n3A_592 : vector<16xi32>
          tpu.vector_store_idx %arg16[%add3A_599], %exp3A masked %gt3A_586 {add = true} : memref<4096xf32, #tpu.memory_space<vmem>>[vector<16xi32>], vector<16xf32>, vector<16xi1>
          %gather3A_600 = tpu.vector_load_idx %arg10[%select_n3A_592] : memref<256xi32, #tpu.memory_space<vmem>>[vector<16xi32>], vector<16xi32>,
          %jit3A_601 = arith.constant 0 : i32
          %broadcast_in_dim3A_602 = vector.broadcast %jit3A_601 : i32 to vector<16xi32>
          %select_n3A_603 = arith.select %gt3A_586, %gather3A_600, %broadcast_in_dim3A_602 : vector<16xi1>, vector<16xi32>
          scf.yield %select_n3A_603 : vector<16xi32>
        }
        %mul3A_499 = arith.constant 128 : i32
        %mul3A_500 = arith.muli %add3A_414, %mul3A_499 : i32
        %add3A_501 = arith.constant 64 : i32
        %add3A_502 = arith.addi %mul3A_500, %add3A_501 : i32
        %add3A_503 = vector.broadcast %add3A_502 : i32 to vector<16xi32>
        %add3A_504 = arith.addi %add3A_503, %iota3A : vector<16xi32>
        %lt3A_505 = vector.broadcast %scan3A_61 : i32 to vector<16xi32>
        %lt3A_506 = arith.cmpi slt, %add3A_504, %lt3A_505 : vector<16xi32>
        %mul3A_507 = arith.constant 128 : i32
        %mul3A_508 = arith.muli %add3A_414, %mul3A_507 : i32
        %add3A_509 = arith.constant 64 : i32
        %add3A_510 = arith.addi %mul3A_508, %add3A_509 : i32
        %get3A_511 = arith.index_cast %add3A_510 : i32 to index
        %get3A_512 = tpu.vector_load %arg13[%get3A_511] {strides = array<i32>} : memref<3328xi32, #tpu.memory_space<vmem>>, vector<16xi32>,
        %jit3A_513 = arith.constant 0 : i32
        %broadcast_in_dim3A_514 = vector.broadcast %jit3A_513 : i32 to vector<16xi32>
        %select_n3A_515 = arith.select %lt3A_506, %get3A_512, %broadcast_in_dim3A_514 : vector<16xi1>, vector<16xi32>
        %add3A_516 = arith.constant 64 : i32
        %add3A_517 = vector.broadcast %add3A_516 : i32 to vector<16xi32>
        %add3A_518 = arith.addi %add3A_517, %iota3A : vector<16xi32>
        %while3A_519 = scf.while (%while3A_583 = %select_n3A_515) : (vector<16xi32>) -> vector<16xi32> {
          %gt3A_584 = arith.constant 0 : i32
          %gt3A_585 = vector.broadcast %gt3A_584 : i32 to vector<16xi32>
          %gt3A_586 = arith.cmpi sgt, %while3A_583, %gt3A_585 : vector<16xi32>
          %all_reduce_population_count3A = tpu.all_reduce %gt3A_586 {dim = 0 : i64, kind = #tpu.reduction_kind<sum>} : vector<16xi1> -> vector<16xi32>
          %slice3A = vector.extract_strided_slice %all_reduce_population_count3A {offsets = [0], sizes = [1], strides = [1]} : vector<16xi32> to vector<1xi32>
          %squeeze3A = vector.extract %slice3A[0] : i32 from vector<1xi32>
          %gt3A_587 = arith.constant 0 : i32
          %gt3A_588 = arith.cmpi sgt, %squeeze3A, %gt3A_587 : i32
          scf.condition(%gt3A_588) %while3A_583 : vector<16xi32>
        } do {
        ^bb0(%while3A_583: vector<16xi32>):
          %gt3A_584 = arith.constant 0 : i32
          %gt3A_585 = vector.broadcast %gt3A_584 : i32 to vector<16xi32>
          %gt3A_586 = arith.cmpi sgt, %while3A_583, %gt3A_585 : vector<16xi32>
          %sub3A_587 = arith.constant 1 : i32
          %sub3A_588 = vector.broadcast %sub3A_587 : i32 to vector<16xi32>
          %sub3A_589 = arith.subi %while3A_583, %sub3A_588 : vector<16xi32>
          %jit3A_590 = arith.constant 0 : i32
          %broadcast_in_dim3A_591 = vector.broadcast %jit3A_590 : i32 to vector<16xi32>
          %select_n3A_592 = arith.select %gt3A_586, %sub3A_589, %broadcast_in_dim3A_591 : vector<16xi1>, vector<16xi32>
          %gather3A = tpu.vector_load_idx %arg15[%add3A_518, %select_n3A_592] masked %gt3A_586 : memref<128x256xf32, #tpu.memory_space<vmem>>[vector<16xi32>, vector<16xi32>], vector<16xf32>, vector<16xi1>
          %jit3A_593 = arith.constant 0.000000e+00 : f32
          %broadcast_in_dim3A_594 = vector.broadcast %jit3A_593 : f32 to vector<16xf32>
          %select_n3A_595 = arith.select %gt3A_586, %gather3A, %broadcast_in_dim3A_594 : vector<16xi1>, vector<16xf32>
          %exp3A = math.exp %select_n3A_595 : vector<16xf32>
          %mul3A_596 = arith.constant 256 : i32
          %mul3A_597 = vector.broadcast %mul3A_596 : i32 to vector<16xi32>
          %mul3A_598 = arith.muli %iota3A, %mul3A_597 : vector<16xi32>
          %add3A_599 = arith.addi %mul3A_598, %select_n3A_592 : vector<16xi32>
          tpu.vector_store_idx %arg16[%add3A_599], %exp3A masked %gt3A_586 {add = true} : memref<4096xf32, #tpu.memory_space<vmem>>[vector<16xi32>], vector<16xf32>, vector<16xi1>
          %gather3A_600 = tpu.vector_load_idx %arg10[%select_n3A_592] : memref<256xi32, #tpu.memory_space<vmem>>[vector<16xi32>], vector<16xi32>,
          %jit3A_601 = arith.constant 0 : i32
          %broadcast_in_dim3A_602 = vector.broadcast %jit3A_601 : i32 to vector<16xi32>
          %select_n3A_603 = arith.select %gt3A_586, %gather3A_600, %broadcast_in_dim3A_602 : vector<16xi1>, vector<16xi32>
          scf.yield %select_n3A_603 : vector<16xi32>
        }
        %mul3A_520 = arith.constant 128 : i32
        %mul3A_521 = arith.muli %add3A_414, %mul3A_520 : i32
        %add3A_522 = arith.constant 80 : i32
        %add3A_523 = arith.addi %mul3A_521, %add3A_522 : i32
        %add3A_524 = vector.broadcast %add3A_523 : i32 to vector<16xi32>
        %add3A_525 = arith.addi %add3A_524, %iota3A : vector<16xi32>
        %lt3A_526 = vector.broadcast %scan3A_61 : i32 to vector<16xi32>
        %lt3A_527 = arith.cmpi slt, %add3A_525, %lt3A_526 : vector<16xi32>
        %mul3A_528 = arith.constant 128 : i32
        %mul3A_529 = arith.muli %add3A_414, %mul3A_528 : i32
        %add3A_530 = arith.constant 80 : i32
        %add3A_531 = arith.addi %mul3A_529, %add3A_530 : i32
        %get3A_532 = arith.index_cast %add3A_531 : i32 to index
        %get3A_533 = tpu.vector_load %arg13[%get3A_532] {strides = array<i32>} : memref<3328xi32, #tpu.memory_space<vmem>>, vector<16xi32>,
        %jit3A_534 = arith.constant 0 : i32
        %broadcast_in_dim3A_535 = vector.broadcast %jit3A_534 : i32 to vector<16xi32>
        %select_n3A_536 = arith.select %lt3A_527, %get3A_533, %broadcast_in_dim3A_535 : vector<16xi1>, vector<16xi32>
        %add3A_537 = arith.constant 80 : i32
        %add3A_538 = vector.broadcast %add3A_537 : i32 to vector<16xi32>
        %add3A_539 = arith.addi %add3A_538, %iota3A : vector<16xi32>
        %while3A_540 = scf.while (%while3A_583 = %select_n3A_536) : (vector<16xi32>) -> vector<16xi32> {
          %gt3A_584 = arith.constant 0 : i32
          %gt3A_585 = vector.broadcast %gt3A_584 : i32 to vector<16xi32>
          %gt3A_586 = arith.cmpi sgt, %while3A_583, %gt3A_585 : vector<16xi32>
          %all_reduce_population_count3A = tpu.all_reduce %gt3A_586 {dim = 0 : i64, kind = #tpu.reduction_kind<sum>} : vector<16xi1> -> vector<16xi32>
          %slice3A = vector.extract_strided_slice %all_reduce_population_count3A {offsets = [0], sizes = [1], strides = [1]} : vector<16xi32> to vector<1xi32>
          %squeeze3A = vector.extract %slice3A[0] : i32 from vector<1xi32>
          %gt3A_587 = arith.constant 0 : i32
          %gt3A_588 = arith.cmpi sgt, %squeeze3A, %gt3A_587 : i32
          scf.condition(%gt3A_588) %while3A_583 : vector<16xi32>
        } do {
        ^bb0(%while3A_583: vector<16xi32>):
          %gt3A_584 = arith.constant 0 : i32
          %gt3A_585 = vector.broadcast %gt3A_584 : i32 to vector<16xi32>
          %gt3A_586 = arith.cmpi sgt, %while3A_583, %gt3A_585 : vector<16xi32>
          %sub3A_587 = arith.constant 1 : i32
          %sub3A_588 = vector.broadcast %sub3A_587 : i32 to vector<16xi32>
          %sub3A_589 = arith.subi %while3A_583, %sub3A_588 : vector<16xi32>
          %jit3A_590 = arith.constant 0 : i32
          %broadcast_in_dim3A_591 = vector.broadcast %jit3A_590 : i32 to vector<16xi32>
          %select_n3A_592 = arith.select %gt3A_586, %sub3A_589, %broadcast_in_dim3A_591 : vector<16xi1>, vector<16xi32>
          %gather3A = tpu.vector_load_idx %arg15[%add3A_539, %select_n3A_592] masked %gt3A_586 : memref<128x256xf32, #tpu.memory_space<vmem>>[vector<16xi32>, vector<16xi32>], vector<16xf32>, vector<16xi1>
          %jit3A_593 = arith.constant 0.000000e+00 : f32
          %broadcast_in_dim3A_594 = vector.broadcast %jit3A_593 : f32 to vector<16xf32>
          %select_n3A_595 = arith.select %gt3A_586, %gather3A, %broadcast_in_dim3A_594 : vector<16xi1>, vector<16xf32>
          %exp3A = math.exp %select_n3A_595 : vector<16xf32>
          %mul3A_596 = arith.constant 256 : i32
          %mul3A_597 = vector.broadcast %mul3A_596 : i32 to vector<16xi32>
          %mul3A_598 = arith.muli %iota3A, %mul3A_597 : vector<16xi32>
          %add3A_599 = arith.addi %mul3A_598, %select_n3A_592 : vector<16xi32>
          tpu.vector_store_idx %arg16[%add3A_599], %exp3A masked %gt3A_586 {add = true} : memref<4096xf32, #tpu.memory_space<vmem>>[vector<16xi32>], vector<16xf32>, vector<16xi1>
          %gather3A_600 = tpu.vector_load_idx %arg10[%select_n3A_592] : memref<256xi32, #tpu.memory_space<vmem>>[vector<16xi32>], vector<16xi32>,
          %jit3A_601 = arith.constant 0 : i32
          %broadcast_in_dim3A_602 = vector.broadcast %jit3A_601 : i32 to vector<16xi32>
          %select_n3A_603 = arith.select %gt3A_586, %gather3A_600, %broadcast_in_dim3A_602 : vector<16xi1>, vector<16xi32>
          scf.yield %select_n3A_603 : vector<16xi32>
        }
        %mul3A_541 = arith.constant 128 : i32
        %mul3A_542 = arith.muli %add3A_414, %mul3A_541 : i32
        %add3A_543 = arith.constant 96 : i32
        %add3A_544 = arith.addi %mul3A_542, %add3A_543 : i32
        %add3A_545 = vector.broadcast %add3A_544 : i32 to vector<16xi32>
        %add3A_546 = arith.addi %add3A_545, %iota3A : vector<16xi32>
        %lt3A_547 = vector.broadcast %scan3A_61 : i32 to vector<16xi32>
        %lt3A_548 = arith.cmpi slt, %add3A_546, %lt3A_547 : vector<16xi32>
        %mul3A_549 = arith.constant 128 : i32
        %mul3A_550 = arith.muli %add3A_414, %mul3A_549 : i32
        %add3A_551 = arith.constant 96 : i32
        %add3A_552 = arith.addi %mul3A_550, %add3A_551 : i32
        %get3A_553 = arith.index_cast %add3A_552 : i32 to index
        %get3A_554 = tpu.vector_load %arg13[%get3A_553] {strides = array<i32>} : memref<3328xi32, #tpu.memory_space<vmem>>, vector<16xi32>,
        %jit3A_555 = arith.constant 0 : i32
        %broadcast_in_dim3A_556 = vector.broadcast %jit3A_555 : i32 to vector<16xi32>
        %select_n3A_557 = arith.select %lt3A_548, %get3A_554, %broadcast_in_dim3A_556 : vector<16xi1>, vector<16xi32>
        %add3A_558 = arith.constant 96 : i32
        %add3A_559 = vector.broadcast %add3A_558 : i32 to vector<16xi32>
        %add3A_560 = arith.addi %add3A_559, %iota3A : vector<16xi32>
        %while3A_561 = scf.while (%while3A_583 = %select_n3A_557) : (vector<16xi32>) -> vector<16xi32> {
          %gt3A_584 = arith.constant 0 : i32
          %gt3A_585 = vector.broadcast %gt3A_584 : i32 to vector<16xi32>
          %gt3A_586 = arith.cmpi sgt, %while3A_583, %gt3A_585 : vector<16xi32>
          %all_reduce_population_count3A = tpu.all_reduce %gt3A_586 {dim = 0 : i64, kind = #tpu.reduction_kind<sum>} : vector<16xi1> -> vector<16xi32>
          %slice3A = vector.extract_strided_slice %all_reduce_population_count3A {offsets = [0], sizes = [1], strides = [1]} : vector<16xi32> to vector<1xi32>
          %squeeze3A = vector.extract %slice3A[0] : i32 from vector<1xi32>
          %gt3A_587 = arith.constant 0 : i32
          %gt3A_588 = arith.cmpi sgt, %squeeze3A, %gt3A_587 : i32
          scf.condition(%gt3A_588) %while3A_583 : vector<16xi32>
        } do {
        ^bb0(%while3A_583: vector<16xi32>):
          %gt3A_584 = arith.constant 0 : i32
          %gt3A_585 = vector.broadcast %gt3A_584 : i32 to vector<16xi32>
          %gt3A_586 = arith.cmpi sgt, %while3A_583, %gt3A_585 : vector<16xi32>
          %sub3A_587 = arith.constant 1 : i32
          %sub3A_588 = vector.broadcast %sub3A_587 : i32 to vector<16xi32>
          %sub3A_589 = arith.subi %while3A_583, %sub3A_588 : vector<16xi32>
          %jit3A_590 = arith.constant 0 : i32
          %broadcast_in_dim3A_591 = vector.broadcast %jit3A_590 : i32 to vector<16xi32>
          %select_n3A_592 = arith.select %gt3A_586, %sub3A_589, %broadcast_in_dim3A_591 : vector<16xi1>, vector<16xi32>
          %gather3A = tpu.vector_load_idx %arg15[%add3A_560, %select_n3A_592] masked %gt3A_586 : memref<128x256xf32, #tpu.memory_space<vmem>>[vector<16xi32>, vector<16xi32>], vector<16xf32>, vector<16xi1>
          %jit3A_593 = arith.constant 0.000000e+00 : f32
          %broadcast_in_dim3A_594 = vector.broadcast %jit3A_593 : f32 to vector<16xf32>
          %select_n3A_595 = arith.select %gt3A_586, %gather3A, %broadcast_in_dim3A_594 : vector<16xi1>, vector<16xf32>
          %exp3A = math.exp %select_n3A_595 : vector<16xf32>
          %mul3A_596 = arith.constant 256 : i32
          %mul3A_597 = vector.broadcast %mul3A_596 : i32 to vector<16xi32>
          %mul3A_598 = arith.muli %iota3A, %mul3A_597 : vector<16xi32>
          %add3A_599 = arith.addi %mul3A_598, %select_n3A_592 : vector<16xi32>
          tpu.vector_store_idx %arg16[%add3A_599], %exp3A masked %gt3A_586 {add = true} : memref<4096xf32, #tpu.memory_space<vmem>>[vector<16xi32>], vector<16xf32>, vector<16xi1>
          %gather3A_600 = tpu.vector_load_idx %arg10[%select_n3A_592] : memref<256xi32, #tpu.memory_space<vmem>>[vector<16xi32>], vector<16xi32>,
          %jit3A_601 = arith.constant 0 : i32
          %broadcast_in_dim3A_602 = vector.broadcast %jit3A_601 : i32 to vector<16xi32>
          %select_n3A_603 = arith.select %gt3A_586, %gather3A_600, %broadcast_in_dim3A_602 : vector<16xi1>, vector<16xi32>
          scf.yield %select_n3A_603 : vector<16xi32>
        }
        %mul3A_562 = arith.constant 128 : i32
        %mul3A_563 = arith.muli %add3A_414, %mul3A_562 : i32
        %add3A_564 = arith.constant 112 : i32
        %add3A_565 = arith.addi %mul3A_563, %add3A_564 : i32
        %add3A_566 = vector.broadcast %add3A_565 : i32 to vector<16xi32>
        %add3A_567 = arith.addi %add3A_566, %iota3A : vector<16xi32>
        %lt3A_568 = vector.broadcast %scan3A_61 : i32 to vector<16xi32>
        %lt3A_569 = arith.cmpi slt, %add3A_567, %lt3A_568 : vector<16xi32>
        %mul3A_570 = arith.constant 128 : i32
        %mul3A_571 = arith.muli %add3A_414, %mul3A_570 : i32
        %add3A_572 = arith.constant 112 : i32
        %add3A_573 = arith.addi %mul3A_571, %add3A_572 : i32
        %get3A_574 = arith.index_cast %add3A_573 : i32 to index
        %get3A_575 = tpu.vector_load %arg13[%get3A_574] {strides = array<i32>} : memref<3328xi32, #tpu.memory_space<vmem>>, vector<16xi32>,
        %jit3A_576 = arith.constant 0 : i32
        %broadcast_in_dim3A_577 = vector.broadcast %jit3A_576 : i32 to vector<16xi32>
        %select_n3A_578 = arith.select %lt3A_569, %get3A_575, %broadcast_in_dim3A_577 : vector<16xi1>, vector<16xi32>
        %add3A_579 = arith.constant 112 : i32
        %add3A_580 = vector.broadcast %add3A_579 : i32 to vector<16xi32>
        %add3A_581 = arith.addi %add3A_580, %iota3A : vector<16xi32>
        %while3A_582 = scf.while (%while3A_583 = %select_n3A_578) : (vector<16xi32>) -> vector<16xi32> {
          %gt3A_584 = arith.constant 0 : i32
          %gt3A_585 = vector.broadcast %gt3A_584 : i32 to vector<16xi32>
          %gt3A_586 = arith.cmpi sgt, %while3A_583, %gt3A_585 : vector<16xi32>
          %all_reduce_population_count3A = tpu.all_reduce %gt3A_586 {dim = 0 : i64, kind = #tpu.reduction_kind<sum>} : vector<16xi1> -> vector<16xi32>
          %slice3A = vector.extract_strided_slice %all_reduce_population_count3A {offsets = [0], sizes = [1], strides = [1]} : vector<16xi32> to vector<1xi32>
          %squeeze3A = vector.extract %slice3A[0] : i32 from vector<1xi32>
          %gt3A_587 = arith.constant 0 : i32
          %gt3A_588 = arith.cmpi sgt, %squeeze3A, %gt3A_587 : i32
          scf.condition(%gt3A_588) %while3A_583 : vector<16xi32>
        } do {
        ^bb0(%while3A_583: vector<16xi32>):
          %gt3A_584 = arith.constant 0 : i32
          %gt3A_585 = vector.broadcast %gt3A_584 : i32 to vector<16xi32>
          %gt3A_586 = arith.cmpi sgt, %while3A_583, %gt3A_585 : vector<16xi32>
          %sub3A_587 = arith.constant 1 : i32
          %sub3A_588 = vector.broadcast %sub3A_587 : i32 to vector<16xi32>
          %sub3A_589 = arith.subi %while3A_583, %sub3A_588 : vector<16xi32>
          %jit3A_590 = arith.constant 0 : i32
          %broadcast_in_dim3A_591 = vector.broadcast %jit3A_590 : i32 to vector<16xi32>
          %select_n3A_592 = arith.select %gt3A_586, %sub3A_589, %broadcast_in_dim3A_591 : vector<16xi1>, vector<16xi32>
          %gather3A = tpu.vector_load_idx %arg15[%add3A_581, %select_n3A_592] masked %gt3A_586 : memref<128x256xf32, #tpu.memory_space<vmem>>[vector<16xi32>, vector<16xi32>], vector<16xf32>, vector<16xi1>
          %jit3A_593 = arith.constant 0.000000e+00 : f32
          %broadcast_in_dim3A_594 = vector.broadcast %jit3A_593 : f32 to vector<16xf32>
          %select_n3A_595 = arith.select %gt3A_586, %gather3A, %broadcast_in_dim3A_594 : vector<16xi1>, vector<16xf32>
          %exp3A = math.exp %select_n3A_595 : vector<16xf32>
          %mul3A_596 = arith.constant 256 : i32
          %mul3A_597 = vector.broadcast %mul3A_596 : i32 to vector<16xi32>
          %mul3A_598 = arith.muli %iota3A, %mul3A_597 : vector<16xi32>
          %add3A_599 = arith.addi %mul3A_598, %select_n3A_592 : vector<16xi32>
          tpu.vector_store_idx %arg16[%add3A_599], %exp3A masked %gt3A_586 {add = true} : memref<4096xf32, #tpu.memory_space<vmem>>[vector<16xi32>], vector<16xf32>, vector<16xi1>
          %gather3A_600 = tpu.vector_load_idx %arg10[%select_n3A_592] : memref<256xi32, #tpu.memory_space<vmem>>[vector<16xi32>], vector<16xi32>,
          %jit3A_601 = arith.constant 0 : i32
          %broadcast_in_dim3A_602 = vector.broadcast %jit3A_601 : i32 to vector<16xi32>
          %select_n3A_603 = arith.select %gt3A_586, %gather3A_600, %broadcast_in_dim3A_602 : vector<16xi1>, vector<16xi32>
          scf.yield %select_n3A_603 : vector<16xi32>
        }
      } else {
      }
      %add3A_403 = arith.constant 2 : i32
      %add3A_404 = arith.addi %while3A_211, %add3A_403 : i32
      scf.yield %add3A_404 : i32
    }
    %scan3A_100 = arith.constant 0 : i32
    %scan3A_101 = arith.constant 0 : i32
    %scan3A_102 = arith.constant 16 : i32
    %scan3A_103 = arith.addi %scan3A_101, %scan3A_102 : i32
    %scan3A_104 = arith.constant 1 : i32
    scf.for %scan3A_211 = %scan3A_101 to %scan3A_103 step %scan3A_104  : i32 {
      %mul3A_212 = arith.constant 16 : i32
      %mul3A_213 = arith.muli %scan3A_211, %mul3A_212 : i32
      %add3A_214 = arith.constant 0 : i32
      %add3A_215 = arith.addi %add3A_214, %mul3A_213 : i32
      %get3A_216 = arith.index_cast %add3A_215 : i32 to index
      %get3A_217 = tpu.vector_load %arg16[%get3A_216] {strides = array<i32>} : memref<4096xf32, #tpu.memory_space<vmem>>, vector<16xf32>,
      %add3A_218 = arith.addf %broadcast_in_dim3A_3, %get3A_217 : vector<16xf32>
      %mul3A_219 = arith.constant 16 : i32
      %mul3A_220 = arith.muli %scan3A_211, %mul3A_219 : i32
      %add3A_221 = arith.constant 256 : i32
      %add3A_222 = arith.addi %add3A_221, %mul3A_220 : i32
      %get3A_223 = arith.index_cast %add3A_222 : i32 to index
      %get3A_224 = tpu.vector_load %arg16[%get3A_223] {strides = array<i32>} : memref<4096xf32, #tpu.memory_space<vmem>>, vector<16xf32>,
      %add3A_225 = arith.addf %add3A_218, %get3A_224 : vector<16xf32>
      %mul3A_226 = arith.constant 16 : i32
      %mul3A_227 = arith.muli %scan3A_211, %mul3A_226 : i32
      %add3A_228 = arith.constant 512 : i32
      %add3A_229 = arith.addi %add3A_228, %mul3A_227 : i32
      %get3A_230 = arith.index_cast %add3A_229 : i32 to index
      %get3A_231 = tpu.vector_load %arg16[%get3A_230] {strides = array<i32>} : memref<4096xf32, #tpu.memory_space<vmem>>, vector<16xf32>,
      %add3A_232 = arith.addf %add3A_225, %get3A_231 : vector<16xf32>
      %mul3A_233 = arith.constant 16 : i32
      %mul3A_234 = arith.muli %scan3A_211, %mul3A_233 : i32
      %add3A_235 = arith.constant 768 : i32
      %add3A_236 = arith.addi %add3A_235, %mul3A_234 : i32
      %get3A_237 = arith.index_cast %add3A_236 : i32 to index
      %get3A_238 = tpu.vector_load %arg16[%get3A_237] {strides = array<i32>} : memref<4096xf32, #tpu.memory_space<vmem>>, vector<16xf32>,
      %add3A_239 = arith.addf %add3A_232, %get3A_238 : vector<16xf32>
      %mul3A_240 = arith.constant 16 : i32
      %mul3A_241 = arith.muli %scan3A_211, %mul3A_240 : i32
      %add3A_242 = arith.constant 1024 : i32
      %add3A_243 = arith.addi %add3A_242, %mul3A_241 : i32
      %get3A_244 = arith.index_cast %add3A_243 : i32 to index
      %get3A_245 = tpu.vector_load %arg16[%get3A_244] {strides = array<i32>} : memref<4096xf32, #tpu.memory_space<vmem>>, vector<16xf32>,
      %add3A_246 = arith.addf %add3A_239, %get3A_245 : vector<16xf32>
      %mul3A_247 = arith.constant 16 : i32
      %mul3A_248 = arith.muli %scan3A_211, %mul3A_247 : i32
      %add3A_249 = arith.constant 1280 : i32
      %add3A_250 = arith.addi %add3A_249, %mul3A_248 : i32
      %get3A_251 = arith.index_cast %add3A_250 : i32 to index
      %get3A_252 = tpu.vector_load %arg16[%get3A_251] {strides = array<i32>} : memref<4096xf32, #tpu.memory_space<vmem>>, vector<16xf32>,
      %add3A_253 = arith.addf %add3A_246, %get3A_252 : vector<16xf32>
      %mul3A_254 = arith.constant 16 : i32
      %mul3A_255 = arith.muli %scan3A_211, %mul3A_254 : i32
      %add3A_256 = arith.constant 1536 : i32
      %add3A_257 = arith.addi %add3A_256, %mul3A_255 : i32
      %get3A_258 = arith.index_cast %add3A_257 : i32 to index
      %get3A_259 = tpu.vector_load %arg16[%get3A_258] {strides = array<i32>} : memref<4096xf32, #tpu.memory_space<vmem>>, vector<16xf32>,
      %add3A_260 = arith.addf %add3A_253, %get3A_259 : vector<16xf32>
      %mul3A_261 = arith.constant 16 : i32
      %mul3A_262 = arith.muli %scan3A_211, %mul3A_261 : i32
      %add3A_263 = arith.constant 1792 : i32
      %add3A_264 = arith.addi %add3A_263, %mul3A_262 : i32
      %get3A_265 = arith.index_cast %add3A_264 : i32 to index
      %get3A_266 = tpu.vector_load %arg16[%get3A_265] {strides = array<i32>} : memref<4096xf32, #tpu.memory_space<vmem>>, vector<16xf32>,
      %add3A_267 = arith.addf %add3A_260, %get3A_266 : vector<16xf32>
      %mul3A_268 = arith.constant 16 : i32
      %mul3A_269 = arith.muli %scan3A_211, %mul3A_268 : i32
      %add3A_270 = arith.constant 2048 : i32
      %add3A_271 = arith.addi %add3A_270, %mul3A_269 : i32
      %get3A_272 = arith.index_cast %add3A_271 : i32 to index
      %get3A_273 = tpu.vector_load %arg16[%get3A_272] {strides = array<i32>} : memref<4096xf32, #tpu.memory_space<vmem>>, vector<16xf32>,
      %add3A_274 = arith.addf %add3A_267, %get3A_273 : vector<16xf32>
      %mul3A_275 = arith.constant 16 : i32
      %mul3A_276 = arith.muli %scan3A_211, %mul3A_275 : i32
      %add3A_277 = arith.constant 2304 : i32
      %add3A_278 = arith.addi %add3A_277, %mul3A_276 : i32
      %get3A_279 = arith.index_cast %add3A_278 : i32 to index
      %get3A_280 = tpu.vector_load %arg16[%get3A_279] {strides = array<i32>} : memref<4096xf32, #tpu.memory_space<vmem>>, vector<16xf32>,
      %add3A_281 = arith.addf %add3A_274, %get3A_280 : vector<16xf32>
      %mul3A_282 = arith.constant 16 : i32
      %mul3A_283 = arith.muli %scan3A_211, %mul3A_282 : i32
      %add3A_284 = arith.constant 2560 : i32
      %add3A_285 = arith.addi %add3A_284, %mul3A_283 : i32
      %get3A_286 = arith.index_cast %add3A_285 : i32 to index
      %get3A_287 = tpu.vector_load %arg16[%get3A_286] {strides = array<i32>} : memref<4096xf32, #tpu.memory_space<vmem>>, vector<16xf32>,
      %add3A_288 = arith.addf %add3A_281, %get3A_287 : vector<16xf32>
      %mul3A_289 = arith.constant 16 : i32
      %mul3A_290 = arith.muli %scan3A_211, %mul3A_289 : i32
      %add3A_291 = arith.constant 2816 : i32
      %add3A_292 = arith.addi %add3A_291, %mul3A_290 : i32
      %get3A_293 = arith.index_cast %add3A_292 : i32 to index
      %get3A_294 = tpu.vector_load %arg16[%get3A_293] {strides = array<i32>} : memref<4096xf32, #tpu.memory_space<vmem>>, vector<16xf32>,
      %add3A_295 = arith.addf %add3A_288, %get3A_294 : vector<16xf32>
      %mul3A_296 = arith.constant 16 : i32
      %mul3A_297 = arith.muli %scan3A_211, %mul3A_296 : i32
      %add3A_298 = arith.constant 3072 : i32
      %add3A_299 = arith.addi %add3A_298, %mul3A_297 : i32
      %get3A_300 = arith.index_cast %add3A_299 : i32 to index
      %get3A_301 = tpu.vector_load %arg16[%get3A_300] {strides = array<i32>} : memref<4096xf32, #tpu.memory_space<vmem>>, vector<16xf32>,
      %add3A_302 = arith.addf %add3A_295, %get3A_301 : vector<16xf32>
      %mul3A_303 = arith.constant 16 : i32
      %mul3A_304 = arith.muli %scan3A_211, %mul3A_303 : i32
      %add3A_305 = arith.constant 3328 : i32
      %add3A_306 = arith.addi %add3A_305, %mul3A_304 : i32
      %get3A_307 = arith.index_cast %add3A_306 : i32 to index
      %get3A_308 = tpu.vector_load %arg16[%get3A_307] {strides = array<i32>} : memref<4096xf32, #tpu.memory_space<vmem>>, vector<16xf32>,
      %add3A_309 = arith.addf %add3A_302, %get3A_308 : vector<16xf32>
      %mul3A_310 = arith.constant 16 : i32
      %mul3A_311 = arith.muli %scan3A_211, %mul3A_310 : i32
      %add3A_312 = arith.constant 3584 : i32
      %add3A_313 = arith.addi %add3A_312, %mul3A_311 : i32
      %get3A_314 = arith.index_cast %add3A_313 : i32 to index
      %get3A_315 = tpu.vector_load %arg16[%get3A_314] {strides = array<i32>} : memref<4096xf32, #tpu.memory_space<vmem>>, vector<16xf32>,
      %add3A_316 = arith.addf %add3A_309, %get3A_315 : vector<16xf32>
      %mul3A_317 = arith.constant 16 : i32
      %mul3A_318 = arith.muli %scan3A_211, %mul3A_317 : i32
      %add3A_319 = arith.constant 3840 : i32
      %add3A_320 = arith.addi %add3A_319, %mul3A_318 : i32
      %get3A_321 = arith.index_cast %add3A_320 : i32 to index
      %get3A_322 = tpu.vector_load %arg16[%get3A_321] {strides = array<i32>} : memref<4096xf32, #tpu.memory_space<vmem>>, vector<16xf32>,
      %add3A_323 = arith.addf %add3A_316, %get3A_322 : vector<16xf32>
      %mul3A_324 = arith.constant 16 : i32
      %mul3A_325 = arith.muli %scan3A_211, %mul3A_324 : i32
      %swap3A_326 = arith.index_cast %mul3A_325 : i32 to index
      %swap3A_327 = tpu.vector_load %arg17[%swap3A_326] {strides = array<i32>} : memref<256xf32, #tpu.memory_space<vmem>>, vector<16xf32>,
      tpu.vector_store %arg17[%swap3A_326], %add3A_323 {strides = array<i32>} : memref<256xf32, #tpu.memory_space<vmem>>, vector<16xf32>,
    }
    %scan3A_105 = arith.constant 16 : i32
    %eq3A_106 = arith.constant 0 : i32
    %eq3A_107 = arith.cmpi eq, %arg0, %eq3A_106 : i32
    %convert_element_type3A_108 = arith.extui %eq3A_107 : i1 to i32
    %cond3A_109 = arith.constant 0 : i32
    %cond3A_110 = arith.cmpi ne, %convert_element_type3A_108, %cond3A_109 : i32
    scf.if %cond3A_110 {
      %mul3A_211 = arith.constant 16 : i32
      %mul3A_212 = arith.muli %arg1, %mul3A_211 : i32
      %dma_wait3A_213 = tpu.memref_slice %arg7[%mul3A_212] : memref<256xi32, #tpu.memory_space<vmem>> -> memref<16xi32, #tpu.memory_space<vmem>>
      %dma_wait3A_214 = arith.constant 0 : i32
      %dma_wait3A_215 = arith.constant 0 : i32
      %dma_wait3A_216 = tpu.memref_slice %arg2[%dma_wait3A_214, %dma_wait3A_215] : memref<100000x256xf32, #tpu.memory_space<hbm>> -> memref<100000x256xf32, #tpu.memory_space<hbm>>
      tpu.wait_indirect_dma semaphore(%arg26 : memref<!tpu.dma_semaphore, #tpu.memory_space<semaphore_mem>>) src(%dma_wait3A_216 : memref<100000x256xf32, #tpu.memory_space<hbm>>) dst(%arg20 : memref<16x256xf32, #tpu.memory_space<vmem>>)
      %mul3A_217 = arith.constant 16 : i32
      %mul3A_218 = arith.muli %arg1, %mul3A_217 : i32
      %add3A_219 = vector.broadcast %mul3A_218 : i32 to vector<16xi32>
      %add3A_220 = arith.addi %add3A_219, %iota3A : vector<16xi32>
      %gather3A = tpu.vector_load_idx %arg20[%iota3A, %add3A_220] : memref<16x256xf32, #tpu.memory_space<vmem>>[vector<16xi32>, vector<16xi32>], vector<16xf32>,
      %mul3A_221 = arith.constant 16 : i32
      %mul3A_222 = arith.muli %arg1, %mul3A_221 : i32
      %get3A_223 = arith.index_cast %mul3A_222 : i32 to index
      %get3A_224 = tpu.vector_load %arg17[%get3A_223] {strides = array<i32>} : memref<256xf32, #tpu.memory_space<vmem>>, vector<16xf32>,
      %exp3A = math.exp %gather3A : vector<16xf32>
      %sub3A_225 = arith.subf %get3A_224, %exp3A : vector<16xf32>
      %mul3A_226 = arith.constant 16 : i32
      %mul3A_227 = arith.muli %arg1, %mul3A_226 : i32
      %swap3A_228 = arith.index_cast %mul3A_227 : i32 to index
      %swap3A_229 = tpu.vector_load %arg17[%swap3A_228] {strides = array<i32>} : memref<256xf32, #tpu.memory_space<vmem>>, vector<16xf32>,
      tpu.vector_store %arg17[%swap3A_228], %sub3A_225 {strides = array<i32>} : memref<256xf32, #tpu.memory_space<vmem>>, vector<16xf32>,
    } else {
    }
    "tpu.region"() ({
      %run_scoped3A_211 = tpu.sem_alloc : memref<!tpu.dma_semaphore, #tpu.memory_space<semaphore_mem>>
      %dma_start3A_212 = arith.constant 0 : i32
      %dma_start3A_213 = tpu.memref_slice %arg21[%arg1, %dma_start3A_212] : memref<16x256xf32, #tpu.memory_space<vmem_shared>> -> memref<1x256xf32, #tpu.memory_space<vmem_shared>>
      %dma_start3A_214 = tpu.memref_squeeze %dma_start3A_213 : memref<1x256xf32, #tpu.memory_space<vmem_shared>> -> memref<256xf32, #tpu.memory_space<vmem_shared>>
      %dma_start3A_215 = arith.constant 0 : i32
      %dma_start3A_216 = tpu.memref_slice %arg21[%arg1, %dma_start3A_215] : memref<16x256xf32, #tpu.memory_space<vmem_shared>> -> memref<1x256xf32, #tpu.memory_space<vmem_shared>>
      %dma_start3A_217 = tpu.memref_squeeze %dma_start3A_216 : memref<1x256xf32, #tpu.memory_space<vmem_shared>> -> memref<256xf32, #tpu.memory_space<vmem_shared>>
      tpu.enqueue_dma source(%arg17 : memref<256xf32, #tpu.memory_space<vmem>>) target(%dma_start3A_217 : memref<256xf32, #tpu.memory_space<vmem_shared>>) target_semaphore(%run_scoped3A_211 : memref<!tpu.dma_semaphore, #tpu.memory_space<semaphore_mem>>)
      %dma_wait3A_218 = arith.constant 0 : i32
      %dma_wait3A_219 = tpu.memref_slice %arg21[%arg1, %dma_wait3A_218] : memref<16x256xf32, #tpu.memory_space<vmem_shared>> -> memref<1x256xf32, #tpu.memory_space<vmem_shared>>
      %dma_wait3A_220 = tpu.memref_squeeze %dma_wait3A_219 : memref<1x256xf32, #tpu.memory_space<vmem_shared>> -> memref<256xf32, #tpu.memory_space<vmem_shared>>
      %dma_wait3A_221 = arith.constant 0 : i32
      %dma_wait3A_222 = tpu.memref_slice %arg21[%arg1, %dma_wait3A_221] : memref<16x256xf32, #tpu.memory_space<vmem_shared>> -> memref<1x256xf32, #tpu.memory_space<vmem_shared>>
      %dma_wait3A_223 = tpu.memref_squeeze %dma_wait3A_222 : memref<1x256xf32, #tpu.memory_space<vmem_shared>> -> memref<256xf32, #tpu.memory_space<vmem_shared>>
      tpu.wait_dma2 semaphore(%run_scoped3A_211 : memref<!tpu.dma_semaphore, #tpu.memory_space<semaphore_mem>>) src(%arg17 : memref<256xf32, #tpu.memory_space<vmem>>) dst(%dma_wait3A_223 : memref<256xf32, #tpu.memory_space<vmem_shared>>)
      tpu.yield
    }) : () -> ()
    %barrier3A = arith.constant 0 : index
    tpu.barrier barrier_id(%barrier3A)
    %mul3A_111 = arith.constant 16 : i32
    %mul3A_112 = arith.muli %arg1, %mul3A_111 : i32
    %run_scoped3A = arith.constant 0 : i32
    "tpu.region"() ({
      %run_scoped3A_211 = tpu.sem_alloc : memref<!tpu.dma_semaphore, #tpu.memory_space<semaphore_mem>>
      %dma_start3A_212 = tpu.memref_slice %arg21[%run_scoped3A, %mul3A_112] : memref<16x256xf32, #tpu.memory_space<vmem_shared>> -> memref<1x16xf32, #tpu.memory_space<vmem_shared>>
      %dma_start3A_213 = tpu.memref_squeeze %dma_start3A_212 : memref<1x16xf32, #tpu.memory_space<vmem_shared>> -> memref<16xf32, #tpu.memory_space<vmem_shared>>
      %dma_start3A_214 = tpu.memref_slice %arg21[%run_scoped3A, %mul3A_112] : memref<16x256xf32, #tpu.memory_space<vmem_shared>> -> memref<1x16xf32, #tpu.memory_space<vmem_shared>>
      %dma_start3A_215 = tpu.memref_squeeze %dma_start3A_214 : memref<1x16xf32, #tpu.memory_space<vmem_shared>> -> memref<16xf32, #tpu.memory_space<vmem_shared>>
      tpu.enqueue_dma source(%dma_start3A_215 : memref<16xf32, #tpu.memory_space<vmem_shared>>) target(%arg18 : memref<16xf32, #tpu.memory_space<vmem>>) target_semaphore(%run_scoped3A_211 : memref<!tpu.dma_semaphore, #tpu.memory_space<semaphore_mem>>)
      %dma_wait3A_216 = tpu.memref_slice %arg21[%run_scoped3A, %mul3A_112] : memref<16x256xf32, #tpu.memory_space<vmem_shared>> -> memref<1x16xf32, #tpu.memory_space<vmem_shared>>
      %dma_wait3A_217 = tpu.memref_squeeze %dma_wait3A_216 : memref<1x16xf32, #tpu.memory_space<vmem_shared>> -> memref<16xf32, #tpu.memory_space<vmem_shared>>
      %dma_wait3A_218 = tpu.memref_slice %arg21[%run_scoped3A, %mul3A_112] : memref<16x256xf32, #tpu.memory_space<vmem_shared>> -> memref<1x16xf32, #tpu.memory_space<vmem_shared>>
      %dma_wait3A_219 = tpu.memref_squeeze %dma_wait3A_218 : memref<1x16xf32, #tpu.memory_space<vmem_shared>> -> memref<16xf32, #tpu.memory_space<vmem_shared>>
      tpu.wait_dma2 semaphore(%run_scoped3A_211 : memref<!tpu.dma_semaphore, #tpu.memory_space<semaphore_mem>>) src(%dma_wait3A_219 : memref<16xf32, #tpu.memory_space<vmem_shared>>) dst(%arg18 : memref<16xf32, #tpu.memory_space<vmem>>)
      tpu.yield
    }) : () -> ()
    %get3A = arith.constant 0 : index
    %get3A_113 = tpu.vector_load %arg18[%get3A] {strides = array<i32>} : memref<16xf32, #tpu.memory_space<vmem>>, vector<16xf32>,
    %add3A_114 = arith.addf %broadcast_in_dim3A_3, %get3A_113 : vector<16xf32>
    %mul3A_115 = arith.constant 16 : i32
    %mul3A_116 = arith.muli %arg1, %mul3A_115 : i32
    %run_scoped3A_117 = arith.constant 1 : i32
    "tpu.region"() ({
      %run_scoped3A_211 = tpu.sem_alloc : memref<!tpu.dma_semaphore, #tpu.memory_space<semaphore_mem>>
      %dma_start3A_212 = tpu.memref_slice %arg21[%run_scoped3A_117, %mul3A_116] : memref<16x256xf32, #tpu.memory_space<vmem_shared>> -> memref<1x16xf32, #tpu.memory_space<vmem_shared>>
      %dma_start3A_213 = tpu.memref_squeeze %dma_start3A_212 : memref<1x16xf32, #tpu.memory_space<vmem_shared>> -> memref<16xf32, #tpu.memory_space<vmem_shared>>
      %dma_start3A_214 = tpu.memref_slice %arg21[%run_scoped3A_117, %mul3A_116] : memref<16x256xf32, #tpu.memory_space<vmem_shared>> -> memref<1x16xf32, #tpu.memory_space<vmem_shared>>
      %dma_start3A_215 = tpu.memref_squeeze %dma_start3A_214 : memref<1x16xf32, #tpu.memory_space<vmem_shared>> -> memref<16xf32, #tpu.memory_space<vmem_shared>>
      tpu.enqueue_dma source(%dma_start3A_215 : memref<16xf32, #tpu.memory_space<vmem_shared>>) target(%arg18 : memref<16xf32, #tpu.memory_space<vmem>>) target_semaphore(%run_scoped3A_211 : memref<!tpu.dma_semaphore, #tpu.memory_space<semaphore_mem>>)
      %dma_wait3A_216 = tpu.memref_slice %arg21[%run_scoped3A_117, %mul3A_116] : memref<16x256xf32, #tpu.memory_space<vmem_shared>> -> memref<1x16xf32, #tpu.memory_space<vmem_shared>>
      %dma_wait3A_217 = tpu.memref_squeeze %dma_wait3A_216 : memref<1x16xf32, #tpu.memory_space<vmem_shared>> -> memref<16xf32, #tpu.memory_space<vmem_shared>>
      %dma_wait3A_218 = tpu.memref_slice %arg21[%run_scoped3A_117, %mul3A_116] : memref<16x256xf32, #tpu.memory_space<vmem_shared>> -> memref<1x16xf32, #tpu.memory_space<vmem_shared>>
      %dma_wait3A_219 = tpu.memref_squeeze %dma_wait3A_218 : memref<1x16xf32, #tpu.memory_space<vmem_shared>> -> memref<16xf32, #tpu.memory_space<vmem_shared>>
      tpu.wait_dma2 semaphore(%run_scoped3A_211 : memref<!tpu.dma_semaphore, #tpu.memory_space<semaphore_mem>>) src(%dma_wait3A_219 : memref<16xf32, #tpu.memory_space<vmem_shared>>) dst(%arg18 : memref<16xf32, #tpu.memory_space<vmem>>)
      tpu.yield
    }) : () -> ()
    %get3A_118 = arith.constant 0 : index
    %get3A_119 = tpu.vector_load %arg18[%get3A_118] {strides = array<i32>} : memref<16xf32, #tpu.memory_space<vmem>>, vector<16xf32>,
    %add3A_120 = arith.addf %add3A_114, %get3A_119 : vector<16xf32>
    %mul3A_121 = arith.constant 16 : i32
    %mul3A_122 = arith.muli %arg1, %mul3A_121 : i32
    %run_scoped3A_123 = arith.constant 2 : i32
    "tpu.region"() ({
      %run_scoped3A_211 = tpu.sem_alloc : memref<!tpu.dma_semaphore, #tpu.memory_space<semaphore_mem>>
      %dma_start3A_212 = tpu.memref_slice %arg21[%run_scoped3A_123, %mul3A_122] : memref<16x256xf32, #tpu.memory_space<vmem_shared>> -> memref<1x16xf32, #tpu.memory_space<vmem_shared>>
      %dma_start3A_213 = tpu.memref_squeeze %dma_start3A_212 : memref<1x16xf32, #tpu.memory_space<vmem_shared>> -> memref<16xf32, #tpu.memory_space<vmem_shared>>
      %dma_start3A_214 = tpu.memref_slice %arg21[%run_scoped3A_123, %mul3A_122] : memref<16x256xf32, #tpu.memory_space<vmem_shared>> -> memref<1x16xf32, #tpu.memory_space<vmem_shared>>
      %dma_start3A_215 = tpu.memref_squeeze %dma_start3A_214 : memref<1x16xf32, #tpu.memory_space<vmem_shared>> -> memref<16xf32, #tpu.memory_space<vmem_shared>>
      tpu.enqueue_dma source(%dma_start3A_215 : memref<16xf32, #tpu.memory_space<vmem_shared>>) target(%arg18 : memref<16xf32, #tpu.memory_space<vmem>>) target_semaphore(%run_scoped3A_211 : memref<!tpu.dma_semaphore, #tpu.memory_space<semaphore_mem>>)
      %dma_wait3A_216 = tpu.memref_slice %arg21[%run_scoped3A_123, %mul3A_122] : memref<16x256xf32, #tpu.memory_space<vmem_shared>> -> memref<1x16xf32, #tpu.memory_space<vmem_shared>>
      %dma_wait3A_217 = tpu.memref_squeeze %dma_wait3A_216 : memref<1x16xf32, #tpu.memory_space<vmem_shared>> -> memref<16xf32, #tpu.memory_space<vmem_shared>>
      %dma_wait3A_218 = tpu.memref_slice %arg21[%run_scoped3A_123, %mul3A_122] : memref<16x256xf32, #tpu.memory_space<vmem_shared>> -> memref<1x16xf32, #tpu.memory_space<vmem_shared>>
      %dma_wait3A_219 = tpu.memref_squeeze %dma_wait3A_218 : memref<1x16xf32, #tpu.memory_space<vmem_shared>> -> memref<16xf32, #tpu.memory_space<vmem_shared>>
      tpu.wait_dma2 semaphore(%run_scoped3A_211 : memref<!tpu.dma_semaphore, #tpu.memory_space<semaphore_mem>>) src(%dma_wait3A_219 : memref<16xf32, #tpu.memory_space<vmem_shared>>) dst(%arg18 : memref<16xf32, #tpu.memory_space<vmem>>)
      tpu.yield
    }) : () -> ()
    %get3A_124 = arith.constant 0 : index
    %get3A_125 = tpu.vector_load %arg18[%get3A_124] {strides = array<i32>} : memref<16xf32, #tpu.memory_space<vmem>>, vector<16xf32>,
    %add3A_126 = arith.addf %add3A_120, %get3A_125 : vector<16xf32>
    %mul3A_127 = arith.constant 16 : i32
    %mul3A_128 = arith.muli %arg1, %mul3A_127 : i32
    %run_scoped3A_129 = arith.constant 3 : i32
    "tpu.region"() ({
      %run_scoped3A_211 = tpu.sem_alloc : memref<!tpu.dma_semaphore, #tpu.memory_space<semaphore_mem>>
      %dma_start3A_212 = tpu.memref_slice %arg21[%run_scoped3A_129, %mul3A_128] : memref<16x256xf32, #tpu.memory_space<vmem_shared>> -> memref<1x16xf32, #tpu.memory_space<vmem_shared>>
      %dma_start3A_213 = tpu.memref_squeeze %dma_start3A_212 : memref<1x16xf32, #tpu.memory_space<vmem_shared>> -> memref<16xf32, #tpu.memory_space<vmem_shared>>
      %dma_start3A_214 = tpu.memref_slice %arg21[%run_scoped3A_129, %mul3A_128] : memref<16x256xf32, #tpu.memory_space<vmem_shared>> -> memref<1x16xf32, #tpu.memory_space<vmem_shared>>
      %dma_start3A_215 = tpu.memref_squeeze %dma_start3A_214 : memref<1x16xf32, #tpu.memory_space<vmem_shared>> -> memref<16xf32, #tpu.memory_space<vmem_shared>>
      tpu.enqueue_dma source(%dma_start3A_215 : memref<16xf32, #tpu.memory_space<vmem_shared>>) target(%arg18 : memref<16xf32, #tpu.memory_space<vmem>>) target_semaphore(%run_scoped3A_211 : memref<!tpu.dma_semaphore, #tpu.memory_space<semaphore_mem>>)
      %dma_wait3A_216 = tpu.memref_slice %arg21[%run_scoped3A_129, %mul3A_128] : memref<16x256xf32, #tpu.memory_space<vmem_shared>> -> memref<1x16xf32, #tpu.memory_space<vmem_shared>>
      %dma_wait3A_217 = tpu.memref_squeeze %dma_wait3A_216 : memref<1x16xf32, #tpu.memory_space<vmem_shared>> -> memref<16xf32, #tpu.memory_space<vmem_shared>>
      %dma_wait3A_218 = tpu.memref_slice %arg21[%run_scoped3A_129, %mul3A_128] : memref<16x256xf32, #tpu.memory_space<vmem_shared>> -> memref<1x16xf32, #tpu.memory_space<vmem_shared>>
      %dma_wait3A_219 = tpu.memref_squeeze %dma_wait3A_218 : memref<1x16xf32, #tpu.memory_space<vmem_shared>> -> memref<16xf32, #tpu.memory_space<vmem_shared>>
      tpu.wait_dma2 semaphore(%run_scoped3A_211 : memref<!tpu.dma_semaphore, #tpu.memory_space<semaphore_mem>>) src(%dma_wait3A_219 : memref<16xf32, #tpu.memory_space<vmem_shared>>) dst(%arg18 : memref<16xf32, #tpu.memory_space<vmem>>)
      tpu.yield
    }) : () -> ()
    %get3A_130 = arith.constant 0 : index
    %get3A_131 = tpu.vector_load %arg18[%get3A_130] {strides = array<i32>} : memref<16xf32, #tpu.memory_space<vmem>>, vector<16xf32>,
    %add3A_132 = arith.addf %add3A_126, %get3A_131 : vector<16xf32>
    %mul3A_133 = arith.constant 16 : i32
    %mul3A_134 = arith.muli %arg1, %mul3A_133 : i32
    %run_scoped3A_135 = arith.constant 4 : i32
    "tpu.region"() ({
      %run_scoped3A_211 = tpu.sem_alloc : memref<!tpu.dma_semaphore, #tpu.memory_space<semaphore_mem>>
      %dma_start3A_212 = tpu.memref_slice %arg21[%run_scoped3A_135, %mul3A_134] : memref<16x256xf32, #tpu.memory_space<vmem_shared>> -> memref<1x16xf32, #tpu.memory_space<vmem_shared>>
      %dma_start3A_213 = tpu.memref_squeeze %dma_start3A_212 : memref<1x16xf32, #tpu.memory_space<vmem_shared>> -> memref<16xf32, #tpu.memory_space<vmem_shared>>
      %dma_start3A_214 = tpu.memref_slice %arg21[%run_scoped3A_135, %mul3A_134] : memref<16x256xf32, #tpu.memory_space<vmem_shared>> -> memref<1x16xf32, #tpu.memory_space<vmem_shared>>
      %dma_start3A_215 = tpu.memref_squeeze %dma_start3A_214 : memref<1x16xf32, #tpu.memory_space<vmem_shared>> -> memref<16xf32, #tpu.memory_space<vmem_shared>>
      tpu.enqueue_dma source(%dma_start3A_215 : memref<16xf32, #tpu.memory_space<vmem_shared>>) target(%arg18 : memref<16xf32, #tpu.memory_space<vmem>>) target_semaphore(%run_scoped3A_211 : memref<!tpu.dma_semaphore, #tpu.memory_space<semaphore_mem>>)
      %dma_wait3A_216 = tpu.memref_slice %arg21[%run_scoped3A_135, %mul3A_134] : memref<16x256xf32, #tpu.memory_space<vmem_shared>> -> memref<1x16xf32, #tpu.memory_space<vmem_shared>>
      %dma_wait3A_217 = tpu.memref_squeeze %dma_wait3A_216 : memref<1x16xf32, #tpu.memory_space<vmem_shared>> -> memref<16xf32, #tpu.memory_space<vmem_shared>>
      %dma_wait3A_218 = tpu.memref_slice %arg21[%run_scoped3A_135, %mul3A_134] : memref<16x256xf32, #tpu.memory_space<vmem_shared>> -> memref<1x16xf32, #tpu.memory_space<vmem_shared>>
      %dma_wait3A_219 = tpu.memref_squeeze %dma_wait3A_218 : memref<1x16xf32, #tpu.memory_space<vmem_shared>> -> memref<16xf32, #tpu.memory_space<vmem_shared>>
      tpu.wait_dma2 semaphore(%run_scoped3A_211 : memref<!tpu.dma_semaphore, #tpu.memory_space<semaphore_mem>>) src(%dma_wait3A_219 : memref<16xf32, #tpu.memory_space<vmem_shared>>) dst(%arg18 : memref<16xf32, #tpu.memory_space<vmem>>)
      tpu.yield
    }) : () -> ()
    %get3A_136 = arith.constant 0 : index
    %get3A_137 = tpu.vector_load %arg18[%get3A_136] {strides = array<i32>} : memref<16xf32, #tpu.memory_space<vmem>>, vector<16xf32>,
    %add3A_138 = arith.addf %add3A_132, %get3A_137 : vector<16xf32>
    %mul3A_139 = arith.constant 16 : i32
    %mul3A_140 = arith.muli %arg1, %mul3A_139 : i32
    %run_scoped3A_141 = arith.constant 5 : i32
    "tpu.region"() ({
      %run_scoped3A_211 = tpu.sem_alloc : memref<!tpu.dma_semaphore, #tpu.memory_space<semaphore_mem>>
      %dma_start3A_212 = tpu.memref_slice %arg21[%run_scoped3A_141, %mul3A_140] : memref<16x256xf32, #tpu.memory_space<vmem_shared>> -> memref<1x16xf32, #tpu.memory_space<vmem_shared>>
      %dma_start3A_213 = tpu.memref_squeeze %dma_start3A_212 : memref<1x16xf32, #tpu.memory_space<vmem_shared>> -> memref<16xf32, #tpu.memory_space<vmem_shared>>
      %dma_start3A_214 = tpu.memref_slice %arg21[%run_scoped3A_141, %mul3A_140] : memref<16x256xf32, #tpu.memory_space<vmem_shared>> -> memref<1x16xf32, #tpu.memory_space<vmem_shared>>
      %dma_start3A_215 = tpu.memref_squeeze %dma_start3A_214 : memref<1x16xf32, #tpu.memory_space<vmem_shared>> -> memref<16xf32, #tpu.memory_space<vmem_shared>>
      tpu.enqueue_dma source(%dma_start3A_215 : memref<16xf32, #tpu.memory_space<vmem_shared>>) target(%arg18 : memref<16xf32, #tpu.memory_space<vmem>>) target_semaphore(%run_scoped3A_211 : memref<!tpu.dma_semaphore, #tpu.memory_space<semaphore_mem>>)
      %dma_wait3A_216 = tpu.memref_slice %arg21[%run_scoped3A_141, %mul3A_140] : memref<16x256xf32, #tpu.memory_space<vmem_shared>> -> memref<1x16xf32, #tpu.memory_space<vmem_shared>>
      %dma_wait3A_217 = tpu.memref_squeeze %dma_wait3A_216 : memref<1x16xf32, #tpu.memory_space<vmem_shared>> -> memref<16xf32, #tpu.memory_space<vmem_shared>>
      %dma_wait3A_218 = tpu.memref_slice %arg21[%run_scoped3A_141, %mul3A_140] : memref<16x256xf32, #tpu.memory_space<vmem_shared>> -> memref<1x16xf32, #tpu.memory_space<vmem_shared>>
      %dma_wait3A_219 = tpu.memref_squeeze %dma_wait3A_218 : memref<1x16xf32, #tpu.memory_space<vmem_shared>> -> memref<16xf32, #tpu.memory_space<vmem_shared>>
      tpu.wait_dma2 semaphore(%run_scoped3A_211 : memref<!tpu.dma_semaphore, #tpu.memory_space<semaphore_mem>>) src(%dma_wait3A_219 : memref<16xf32, #tpu.memory_space<vmem_shared>>) dst(%arg18 : memref<16xf32, #tpu.memory_space<vmem>>)
      tpu.yield
    }) : () -> ()
    %get3A_142 = arith.constant 0 : index
    %get3A_143 = tpu.vector_load %arg18[%get3A_142] {strides = array<i32>} : memref<16xf32, #tpu.memory_space<vmem>>, vector<16xf32>,
    %add3A_144 = arith.addf %add3A_138, %get3A_143 : vector<16xf32>
    %mul3A_145 = arith.constant 16 : i32
    %mul3A_146 = arith.muli %arg1, %mul3A_145 : i32
    %run_scoped3A_147 = arith.constant 6 : i32
    "tpu.region"() ({
      %run_scoped3A_211 = tpu.sem_alloc : memref<!tpu.dma_semaphore, #tpu.memory_space<semaphore_mem>>
      %dma_start3A_212 = tpu.memref_slice %arg21[%run_scoped3A_147, %mul3A_146] : memref<16x256xf32, #tpu.memory_space<vmem_shared>> -> memref<1x16xf32, #tpu.memory_space<vmem_shared>>
      %dma_start3A_213 = tpu.memref_squeeze %dma_start3A_212 : memref<1x16xf32, #tpu.memory_space<vmem_shared>> -> memref<16xf32, #tpu.memory_space<vmem_shared>>
      %dma_start3A_214 = tpu.memref_slice %arg21[%run_scoped3A_147, %mul3A_146] : memref<16x256xf32, #tpu.memory_space<vmem_shared>> -> memref<1x16xf32, #tpu.memory_space<vmem_shared>>
      %dma_start3A_215 = tpu.memref_squeeze %dma_start3A_214 : memref<1x16xf32, #tpu.memory_space<vmem_shared>> -> memref<16xf32, #tpu.memory_space<vmem_shared>>
      tpu.enqueue_dma source(%dma_start3A_215 : memref<16xf32, #tpu.memory_space<vmem_shared>>) target(%arg18 : memref<16xf32, #tpu.memory_space<vmem>>) target_semaphore(%run_scoped3A_211 : memref<!tpu.dma_semaphore, #tpu.memory_space<semaphore_mem>>)
      %dma_wait3A_216 = tpu.memref_slice %arg21[%run_scoped3A_147, %mul3A_146] : memref<16x256xf32, #tpu.memory_space<vmem_shared>> -> memref<1x16xf32, #tpu.memory_space<vmem_shared>>
      %dma_wait3A_217 = tpu.memref_squeeze %dma_wait3A_216 : memref<1x16xf32, #tpu.memory_space<vmem_shared>> -> memref<16xf32, #tpu.memory_space<vmem_shared>>
      %dma_wait3A_218 = tpu.memref_slice %arg21[%run_scoped3A_147, %mul3A_146] : memref<16x256xf32, #tpu.memory_space<vmem_shared>> -> memref<1x16xf32, #tpu.memory_space<vmem_shared>>
      %dma_wait3A_219 = tpu.memref_squeeze %dma_wait3A_218 : memref<1x16xf32, #tpu.memory_space<vmem_shared>> -> memref<16xf32, #tpu.memory_space<vmem_shared>>
      tpu.wait_dma2 semaphore(%run_scoped3A_211 : memref<!tpu.dma_semaphore, #tpu.memory_space<semaphore_mem>>) src(%dma_wait3A_219 : memref<16xf32, #tpu.memory_space<vmem_shared>>) dst(%arg18 : memref<16xf32, #tpu.memory_space<vmem>>)
      tpu.yield
    }) : () -> ()
    %get3A_148 = arith.constant 0 : index
    %get3A_149 = tpu.vector_load %arg18[%get3A_148] {strides = array<i32>} : memref<16xf32, #tpu.memory_space<vmem>>, vector<16xf32>,
    %add3A_150 = arith.addf %add3A_144, %get3A_149 : vector<16xf32>
    %mul3A_151 = arith.constant 16 : i32
    %mul3A_152 = arith.muli %arg1, %mul3A_151 : i32
    %run_scoped3A_153 = arith.constant 7 : i32
    "tpu.region"() ({
      %run_scoped3A_211 = tpu.sem_alloc : memref<!tpu.dma_semaphore, #tpu.memory_space<semaphore_mem>>
      %dma_start3A_212 = tpu.memref_slice %arg21[%run_scoped3A_153, %mul3A_152] : memref<16x256xf32, #tpu.memory_space<vmem_shared>> -> memref<1x16xf32, #tpu.memory_space<vmem_shared>>
      %dma_start3A_213 = tpu.memref_squeeze %dma_start3A_212 : memref<1x16xf32, #tpu.memory_space<vmem_shared>> -> memref<16xf32, #tpu.memory_space<vmem_shared>>
      %dma_start3A_214 = tpu.memref_slice %arg21[%run_scoped3A_153, %mul3A_152] : memref<16x256xf32, #tpu.memory_space<vmem_shared>> -> memref<1x16xf32, #tpu.memory_space<vmem_shared>>
      %dma_start3A_215 = tpu.memref_squeeze %dma_start3A_214 : memref<1x16xf32, #tpu.memory_space<vmem_shared>> -> memref<16xf32, #tpu.memory_space<vmem_shared>>
      tpu.enqueue_dma source(%dma_start3A_215 : memref<16xf32, #tpu.memory_space<vmem_shared>>) target(%arg18 : memref<16xf32, #tpu.memory_space<vmem>>) target_semaphore(%run_scoped3A_211 : memref<!tpu.dma_semaphore, #tpu.memory_space<semaphore_mem>>)
      %dma_wait3A_216 = tpu.memref_slice %arg21[%run_scoped3A_153, %mul3A_152] : memref<16x256xf32, #tpu.memory_space<vmem_shared>> -> memref<1x16xf32, #tpu.memory_space<vmem_shared>>
      %dma_wait3A_217 = tpu.memref_squeeze %dma_wait3A_216 : memref<1x16xf32, #tpu.memory_space<vmem_shared>> -> memref<16xf32, #tpu.memory_space<vmem_shared>>
      %dma_wait3A_218 = tpu.memref_slice %arg21[%run_scoped3A_153, %mul3A_152] : memref<16x256xf32, #tpu.memory_space<vmem_shared>> -> memref<1x16xf32, #tpu.memory_space<vmem_shared>>
      %dma_wait3A_219 = tpu.memref_squeeze %dma_wait3A_218 : memref<1x16xf32, #tpu.memory_space<vmem_shared>> -> memref<16xf32, #tpu.memory_space<vmem_shared>>
      tpu.wait_dma2 semaphore(%run_scoped3A_211 : memref<!tpu.dma_semaphore, #tpu.memory_space<semaphore_mem>>) src(%dma_wait3A_219 : memref<16xf32, #tpu.memory_space<vmem_shared>>) dst(%arg18 : memref<16xf32, #tpu.memory_space<vmem>>)
      tpu.yield
    }) : () -> ()
    %get3A_154 = arith.constant 0 : index
    %get3A_155 = tpu.vector_load %arg18[%get3A_154] {strides = array<i32>} : memref<16xf32, #tpu.memory_space<vmem>>, vector<16xf32>,
    %add3A_156 = arith.addf %add3A_150, %get3A_155 : vector<16xf32>
    %mul3A_157 = arith.constant 16 : i32
    %mul3A_158 = arith.muli %arg1, %mul3A_157 : i32
    %run_scoped3A_159 = arith.constant 8 : i32
    "tpu.region"() ({
      %run_scoped3A_211 = tpu.sem_alloc : memref<!tpu.dma_semaphore, #tpu.memory_space<semaphore_mem>>
      %dma_start3A_212 = tpu.memref_slice %arg21[%run_scoped3A_159, %mul3A_158] : memref<16x256xf32, #tpu.memory_space<vmem_shared>> -> memref<1x16xf32, #tpu.memory_space<vmem_shared>>
      %dma_start3A_213 = tpu.memref_squeeze %dma_start3A_212 : memref<1x16xf32, #tpu.memory_space<vmem_shared>> -> memref<16xf32, #tpu.memory_space<vmem_shared>>
      %dma_start3A_214 = tpu.memref_slice %arg21[%run_scoped3A_159, %mul3A_158] : memref<16x256xf32, #tpu.memory_space<vmem_shared>> -> memref<1x16xf32, #tpu.memory_space<vmem_shared>>
      %dma_start3A_215 = tpu.memref_squeeze %dma_start3A_214 : memref<1x16xf32, #tpu.memory_space<vmem_shared>> -> memref<16xf32, #tpu.memory_space<vmem_shared>>
      tpu.enqueue_dma source(%dma_start3A_215 : memref<16xf32, #tpu.memory_space<vmem_shared>>) target(%arg18 : memref<16xf32, #tpu.memory_space<vmem>>) target_semaphore(%run_scoped3A_211 : memref<!tpu.dma_semaphore, #tpu.memory_space<semaphore_mem>>)
      %dma_wait3A_216 = tpu.memref_slice %arg21[%run_scoped3A_159, %mul3A_158] : memref<16x256xf32, #tpu.memory_space<vmem_shared>> -> memref<1x16xf32, #tpu.memory_space<vmem_shared>>
      %dma_wait3A_217 = tpu.memref_squeeze %dma_wait3A_216 : memref<1x16xf32, #tpu.memory_space<vmem_shared>> -> memref<16xf32, #tpu.memory_space<vmem_shared>>
      %dma_wait3A_218 = tpu.memref_slice %arg21[%run_scoped3A_159, %mul3A_158] : memref<16x256xf32, #tpu.memory_space<vmem_shared>> -> memref<1x16xf32, #tpu.memory_space<vmem_shared>>
      %dma_wait3A_219 = tpu.memref_squeeze %dma_wait3A_218 : memref<1x16xf32, #tpu.memory_space<vmem_shared>> -> memref<16xf32, #tpu.memory_space<vmem_shared>>
      tpu.wait_dma2 semaphore(%run_scoped3A_211 : memref<!tpu.dma_semaphore, #tpu.memory_space<semaphore_mem>>) src(%dma_wait3A_219 : memref<16xf32, #tpu.memory_space<vmem_shared>>) dst(%arg18 : memref<16xf32, #tpu.memory_space<vmem>>)
      tpu.yield
    }) : () -> ()
    %get3A_160 = arith.constant 0 : index
    %get3A_161 = tpu.vector_load %arg18[%get3A_160] {strides = array<i32>} : memref<16xf32, #tpu.memory_space<vmem>>, vector<16xf32>,
    %add3A_162 = arith.addf %add3A_156, %get3A_161 : vector<16xf32>
    %mul3A_163 = arith.constant 16 : i32
    %mul3A_164 = arith.muli %arg1, %mul3A_163 : i32
    %run_scoped3A_165 = arith.constant 9 : i32
    "tpu.region"() ({
      %run_scoped3A_211 = tpu.sem_alloc : memref<!tpu.dma_semaphore, #tpu.memory_space<semaphore_mem>>
      %dma_start3A_212 = tpu.memref_slice %arg21[%run_scoped3A_165, %mul3A_164] : memref<16x256xf32, #tpu.memory_space<vmem_shared>> -> memref<1x16xf32, #tpu.memory_space<vmem_shared>>
      %dma_start3A_213 = tpu.memref_squeeze %dma_start3A_212 : memref<1x16xf32, #tpu.memory_space<vmem_shared>> -> memref<16xf32, #tpu.memory_space<vmem_shared>>
      %dma_start3A_214 = tpu.memref_slice %arg21[%run_scoped3A_165, %mul3A_164] : memref<16x256xf32, #tpu.memory_space<vmem_shared>> -> memref<1x16xf32, #tpu.memory_space<vmem_shared>>
      %dma_start3A_215 = tpu.memref_squeeze %dma_start3A_214 : memref<1x16xf32, #tpu.memory_space<vmem_shared>> -> memref<16xf32, #tpu.memory_space<vmem_shared>>
      tpu.enqueue_dma source(%dma_start3A_215 : memref<16xf32, #tpu.memory_space<vmem_shared>>) target(%arg18 : memref<16xf32, #tpu.memory_space<vmem>>) target_semaphore(%run_scoped3A_211 : memref<!tpu.dma_semaphore, #tpu.memory_space<semaphore_mem>>)
      %dma_wait3A_216 = tpu.memref_slice %arg21[%run_scoped3A_165, %mul3A_164] : memref<16x256xf32, #tpu.memory_space<vmem_shared>> -> memref<1x16xf32, #tpu.memory_space<vmem_shared>>
      %dma_wait3A_217 = tpu.memref_squeeze %dma_wait3A_216 : memref<1x16xf32, #tpu.memory_space<vmem_shared>> -> memref<16xf32, #tpu.memory_space<vmem_shared>>
      %dma_wait3A_218 = tpu.memref_slice %arg21[%run_scoped3A_165, %mul3A_164] : memref<16x256xf32, #tpu.memory_space<vmem_shared>> -> memref<1x16xf32, #tpu.memory_space<vmem_shared>>
      %dma_wait3A_219 = tpu.memref_squeeze %dma_wait3A_218 : memref<1x16xf32, #tpu.memory_space<vmem_shared>> -> memref<16xf32, #tpu.memory_space<vmem_shared>>
      tpu.wait_dma2 semaphore(%run_scoped3A_211 : memref<!tpu.dma_semaphore, #tpu.memory_space<semaphore_mem>>) src(%dma_wait3A_219 : memref<16xf32, #tpu.memory_space<vmem_shared>>) dst(%arg18 : memref<16xf32, #tpu.memory_space<vmem>>)
      tpu.yield
    }) : () -> ()
    %get3A_166 = arith.constant 0 : index
    %get3A_167 = tpu.vector_load %arg18[%get3A_166] {strides = array<i32>} : memref<16xf32, #tpu.memory_space<vmem>>, vector<16xf32>,
    %add3A_168 = arith.addf %add3A_162, %get3A_167 : vector<16xf32>
    %mul3A_169 = arith.constant 16 : i32
    %mul3A_170 = arith.muli %arg1, %mul3A_169 : i32
    %run_scoped3A_171 = arith.constant 10 : i32
    "tpu.region"() ({
      %run_scoped3A_211 = tpu.sem_alloc : memref<!tpu.dma_semaphore, #tpu.memory_space<semaphore_mem>>
      %dma_start3A_212 = tpu.memref_slice %arg21[%run_scoped3A_171, %mul3A_170] : memref<16x256xf32, #tpu.memory_space<vmem_shared>> -> memref<1x16xf32, #tpu.memory_space<vmem_shared>>
      %dma_start3A_213 = tpu.memref_squeeze %dma_start3A_212 : memref<1x16xf32, #tpu.memory_space<vmem_shared>> -> memref<16xf32, #tpu.memory_space<vmem_shared>>
      %dma_start3A_214 = tpu.memref_slice %arg21[%run_scoped3A_171, %mul3A_170] : memref<16x256xf32, #tpu.memory_space<vmem_shared>> -> memref<1x16xf32, #tpu.memory_space<vmem_shared>>
      %dma_start3A_215 = tpu.memref_squeeze %dma_start3A_214 : memref<1x16xf32, #tpu.memory_space<vmem_shared>> -> memref<16xf32, #tpu.memory_space<vmem_shared>>
      tpu.enqueue_dma source(%dma_start3A_215 : memref<16xf32, #tpu.memory_space<vmem_shared>>) target(%arg18 : memref<16xf32, #tpu.memory_space<vmem>>) target_semaphore(%run_scoped3A_211 : memref<!tpu.dma_semaphore, #tpu.memory_space<semaphore_mem>>)
      %dma_wait3A_216 = tpu.memref_slice %arg21[%run_scoped3A_171, %mul3A_170] : memref<16x256xf32, #tpu.memory_space<vmem_shared>> -> memref<1x16xf32, #tpu.memory_space<vmem_shared>>
      %dma_wait3A_217 = tpu.memref_squeeze %dma_wait3A_216 : memref<1x16xf32, #tpu.memory_space<vmem_shared>> -> memref<16xf32, #tpu.memory_space<vmem_shared>>
      %dma_wait3A_218 = tpu.memref_slice %arg21[%run_scoped3A_171, %mul3A_170] : memref<16x256xf32, #tpu.memory_space<vmem_shared>> -> memref<1x16xf32, #tpu.memory_space<vmem_shared>>
      %dma_wait3A_219 = tpu.memref_squeeze %dma_wait3A_218 : memref<1x16xf32, #tpu.memory_space<vmem_shared>> -> memref<16xf32, #tpu.memory_space<vmem_shared>>
      tpu.wait_dma2 semaphore(%run_scoped3A_211 : memref<!tpu.dma_semaphore, #tpu.memory_space<semaphore_mem>>) src(%dma_wait3A_219 : memref<16xf32, #tpu.memory_space<vmem_shared>>) dst(%arg18 : memref<16xf32, #tpu.memory_space<vmem>>)
      tpu.yield
    }) : () -> ()
    %get3A_172 = arith.constant 0 : index
    %get3A_173 = tpu.vector_load %arg18[%get3A_172] {strides = array<i32>} : memref<16xf32, #tpu.memory_space<vmem>>, vector<16xf32>,
    %add3A_174 = arith.addf %add3A_168, %get3A_173 : vector<16xf32>
    %mul3A_175 = arith.constant 16 : i32
    %mul3A_176 = arith.muli %arg1, %mul3A_175 : i32
    %run_scoped3A_177 = arith.constant 11 : i32
    "tpu.region"() ({
      %run_scoped3A_211 = tpu.sem_alloc : memref<!tpu.dma_semaphore, #tpu.memory_space<semaphore_mem>>
      %dma_start3A_212 = tpu.memref_slice %arg21[%run_scoped3A_177, %mul3A_176] : memref<16x256xf32, #tpu.memory_space<vmem_shared>> -> memref<1x16xf32, #tpu.memory_space<vmem_shared>>
      %dma_start3A_213 = tpu.memref_squeeze %dma_start3A_212 : memref<1x16xf32, #tpu.memory_space<vmem_shared>> -> memref<16xf32, #tpu.memory_space<vmem_shared>>
      %dma_start3A_214 = tpu.memref_slice %arg21[%run_scoped3A_177, %mul3A_176] : memref<16x256xf32, #tpu.memory_space<vmem_shared>> -> memref<1x16xf32, #tpu.memory_space<vmem_shared>>
      %dma_start3A_215 = tpu.memref_squeeze %dma_start3A_214 : memref<1x16xf32, #tpu.memory_space<vmem_shared>> -> memref<16xf32, #tpu.memory_space<vmem_shared>>
      tpu.enqueue_dma source(%dma_start3A_215 : memref<16xf32, #tpu.memory_space<vmem_shared>>) target(%arg18 : memref<16xf32, #tpu.memory_space<vmem>>) target_semaphore(%run_scoped3A_211 : memref<!tpu.dma_semaphore, #tpu.memory_space<semaphore_mem>>)
      %dma_wait3A_216 = tpu.memref_slice %arg21[%run_scoped3A_177, %mul3A_176] : memref<16x256xf32, #tpu.memory_space<vmem_shared>> -> memref<1x16xf32, #tpu.memory_space<vmem_shared>>
      %dma_wait3A_217 = tpu.memref_squeeze %dma_wait3A_216 : memref<1x16xf32, #tpu.memory_space<vmem_shared>> -> memref<16xf32, #tpu.memory_space<vmem_shared>>
      %dma_wait3A_218 = tpu.memref_slice %arg21[%run_scoped3A_177, %mul3A_176] : memref<16x256xf32, #tpu.memory_space<vmem_shared>> -> memref<1x16xf32, #tpu.memory_space<vmem_shared>>
      %dma_wait3A_219 = tpu.memref_squeeze %dma_wait3A_218 : memref<1x16xf32, #tpu.memory_space<vmem_shared>> -> memref<16xf32, #tpu.memory_space<vmem_shared>>
      tpu.wait_dma2 semaphore(%run_scoped3A_211 : memref<!tpu.dma_semaphore, #tpu.memory_space<semaphore_mem>>) src(%dma_wait3A_219 : memref<16xf32, #tpu.memory_space<vmem_shared>>) dst(%arg18 : memref<16xf32, #tpu.memory_space<vmem>>)
      tpu.yield
    }) : () -> ()
    %get3A_178 = arith.constant 0 : index
    %get3A_179 = tpu.vector_load %arg18[%get3A_178] {strides = array<i32>} : memref<16xf32, #tpu.memory_space<vmem>>, vector<16xf32>,
    %add3A_180 = arith.addf %add3A_174, %get3A_179 : vector<16xf32>
    %mul3A_181 = arith.constant 16 : i32
    %mul3A_182 = arith.muli %arg1, %mul3A_181 : i32
    %run_scoped3A_183 = arith.constant 12 : i32
    "tpu.region"() ({
      %run_scoped3A_211 = tpu.sem_alloc : memref<!tpu.dma_semaphore, #tpu.memory_space<semaphore_mem>>
      %dma_start3A_212 = tpu.memref_slice %arg21[%run_scoped3A_183, %mul3A_182] : memref<16x256xf32, #tpu.memory_space<vmem_shared>> -> memref<1x16xf32, #tpu.memory_space<vmem_shared>>
      %dma_start3A_213 = tpu.memref_squeeze %dma_start3A_212 : memref<1x16xf32, #tpu.memory_space<vmem_shared>> -> memref<16xf32, #tpu.memory_space<vmem_shared>>
      %dma_start3A_214 = tpu.memref_slice %arg21[%run_scoped3A_183, %mul3A_182] : memref<16x256xf32, #tpu.memory_space<vmem_shared>> -> memref<1x16xf32, #tpu.memory_space<vmem_shared>>
      %dma_start3A_215 = tpu.memref_squeeze %dma_start3A_214 : memref<1x16xf32, #tpu.memory_space<vmem_shared>> -> memref<16xf32, #tpu.memory_space<vmem_shared>>
      tpu.enqueue_dma source(%dma_start3A_215 : memref<16xf32, #tpu.memory_space<vmem_shared>>) target(%arg18 : memref<16xf32, #tpu.memory_space<vmem>>) target_semaphore(%run_scoped3A_211 : memref<!tpu.dma_semaphore, #tpu.memory_space<semaphore_mem>>)
      %dma_wait3A_216 = tpu.memref_slice %arg21[%run_scoped3A_183, %mul3A_182] : memref<16x256xf32, #tpu.memory_space<vmem_shared>> -> memref<1x16xf32, #tpu.memory_space<vmem_shared>>
      %dma_wait3A_217 = tpu.memref_squeeze %dma_wait3A_216 : memref<1x16xf32, #tpu.memory_space<vmem_shared>> -> memref<16xf32, #tpu.memory_space<vmem_shared>>
      %dma_wait3A_218 = tpu.memref_slice %arg21[%run_scoped3A_183, %mul3A_182] : memref<16x256xf32, #tpu.memory_space<vmem_shared>> -> memref<1x16xf32, #tpu.memory_space<vmem_shared>>
      %dma_wait3A_219 = tpu.memref_squeeze %dma_wait3A_218 : memref<1x16xf32, #tpu.memory_space<vmem_shared>> -> memref<16xf32, #tpu.memory_space<vmem_shared>>
      tpu.wait_dma2 semaphore(%run_scoped3A_211 : memref<!tpu.dma_semaphore, #tpu.memory_space<semaphore_mem>>) src(%dma_wait3A_219 : memref<16xf32, #tpu.memory_space<vmem_shared>>) dst(%arg18 : memref<16xf32, #tpu.memory_space<vmem>>)
      tpu.yield
    }) : () -> ()
    %get3A_184 = arith.constant 0 : index
    %get3A_185 = tpu.vector_load %arg18[%get3A_184] {strides = array<i32>} : memref<16xf32, #tpu.memory_space<vmem>>, vector<16xf32>,
    %add3A_186 = arith.addf %add3A_180, %get3A_185 : vector<16xf32>
    %mul3A_187 = arith.constant 16 : i32
    %mul3A_188 = arith.muli %arg1, %mul3A_187 : i32
    %run_scoped3A_189 = arith.constant 13 : i32
    "tpu.region"() ({
      %run_scoped3A_211 = tpu.sem_alloc : memref<!tpu.dma_semaphore, #tpu.memory_space<semaphore_mem>>
      %dma_start3A_212 = tpu.memref_slice %arg21[%run_scoped3A_189, %mul3A_188] : memref<16x256xf32, #tpu.memory_space<vmem_shared>> -> memref<1x16xf32, #tpu.memory_space<vmem_shared>>
      %dma_start3A_213 = tpu.memref_squeeze %dma_start3A_212 : memref<1x16xf32, #tpu.memory_space<vmem_shared>> -> memref<16xf32, #tpu.memory_space<vmem_shared>>
      %dma_start3A_214 = tpu.memref_slice %arg21[%run_scoped3A_189, %mul3A_188] : memref<16x256xf32, #tpu.memory_space<vmem_shared>> -> memref<1x16xf32, #tpu.memory_space<vmem_shared>>
      %dma_start3A_215 = tpu.memref_squeeze %dma_start3A_214 : memref<1x16xf32, #tpu.memory_space<vmem_shared>> -> memref<16xf32, #tpu.memory_space<vmem_shared>>
      tpu.enqueue_dma source(%dma_start3A_215 : memref<16xf32, #tpu.memory_space<vmem_shared>>) target(%arg18 : memref<16xf32, #tpu.memory_space<vmem>>) target_semaphore(%run_scoped3A_211 : memref<!tpu.dma_semaphore, #tpu.memory_space<semaphore_mem>>)
      %dma_wait3A_216 = tpu.memref_slice %arg21[%run_scoped3A_189, %mul3A_188] : memref<16x256xf32, #tpu.memory_space<vmem_shared>> -> memref<1x16xf32, #tpu.memory_space<vmem_shared>>
      %dma_wait3A_217 = tpu.memref_squeeze %dma_wait3A_216 : memref<1x16xf32, #tpu.memory_space<vmem_shared>> -> memref<16xf32, #tpu.memory_space<vmem_shared>>
      %dma_wait3A_218 = tpu.memref_slice %arg21[%run_scoped3A_189, %mul3A_188] : memref<16x256xf32, #tpu.memory_space<vmem_shared>> -> memref<1x16xf32, #tpu.memory_space<vmem_shared>>
      %dma_wait3A_219 = tpu.memref_squeeze %dma_wait3A_218 : memref<1x16xf32, #tpu.memory_space<vmem_shared>> -> memref<16xf32, #tpu.memory_space<vmem_shared>>
      tpu.wait_dma2 semaphore(%run_scoped3A_211 : memref<!tpu.dma_semaphore, #tpu.memory_space<semaphore_mem>>) src(%dma_wait3A_219 : memref<16xf32, #tpu.memory_space<vmem_shared>>) dst(%arg18 : memref<16xf32, #tpu.memory_space<vmem>>)
      tpu.yield
    }) : () -> ()
    %get3A_190 = arith.constant 0 : index
    %get3A_191 = tpu.vector_load %arg18[%get3A_190] {strides = array<i32>} : memref<16xf32, #tpu.memory_space<vmem>>, vector<16xf32>,
    %add3A_192 = arith.addf %add3A_186, %get3A_191 : vector<16xf32>
    %mul3A_193 = arith.constant 16 : i32
    %mul3A_194 = arith.muli %arg1, %mul3A_193 : i32
    %run_scoped3A_195 = arith.constant 14 : i32
    "tpu.region"() ({
      %run_scoped3A_211 = tpu.sem_alloc : memref<!tpu.dma_semaphore, #tpu.memory_space<semaphore_mem>>
      %dma_start3A_212 = tpu.memref_slice %arg21[%run_scoped3A_195, %mul3A_194] : memref<16x256xf32, #tpu.memory_space<vmem_shared>> -> memref<1x16xf32, #tpu.memory_space<vmem_shared>>
      %dma_start3A_213 = tpu.memref_squeeze %dma_start3A_212 : memref<1x16xf32, #tpu.memory_space<vmem_shared>> -> memref<16xf32, #tpu.memory_space<vmem_shared>>
      %dma_start3A_214 = tpu.memref_slice %arg21[%run_scoped3A_195, %mul3A_194] : memref<16x256xf32, #tpu.memory_space<vmem_shared>> -> memref<1x16xf32, #tpu.memory_space<vmem_shared>>
      %dma_start3A_215 = tpu.memref_squeeze %dma_start3A_214 : memref<1x16xf32, #tpu.memory_space<vmem_shared>> -> memref<16xf32, #tpu.memory_space<vmem_shared>>
      tpu.enqueue_dma source(%dma_start3A_215 : memref<16xf32, #tpu.memory_space<vmem_shared>>) target(%arg18 : memref<16xf32, #tpu.memory_space<vmem>>) target_semaphore(%run_scoped3A_211 : memref<!tpu.dma_semaphore, #tpu.memory_space<semaphore_mem>>)
      %dma_wait3A_216 = tpu.memref_slice %arg21[%run_scoped3A_195, %mul3A_194] : memref<16x256xf32, #tpu.memory_space<vmem_shared>> -> memref<1x16xf32, #tpu.memory_space<vmem_shared>>
      %dma_wait3A_217 = tpu.memref_squeeze %dma_wait3A_216 : memref<1x16xf32, #tpu.memory_space<vmem_shared>> -> memref<16xf32, #tpu.memory_space<vmem_shared>>
      %dma_wait3A_218 = tpu.memref_slice %arg21[%run_scoped3A_195, %mul3A_194] : memref<16x256xf32, #tpu.memory_space<vmem_shared>> -> memref<1x16xf32, #tpu.memory_space<vmem_shared>>
      %dma_wait3A_219 = tpu.memref_squeeze %dma_wait3A_218 : memref<1x16xf32, #tpu.memory_space<vmem_shared>> -> memref<16xf32, #tpu.memory_space<vmem_shared>>
      tpu.wait_dma2 semaphore(%run_scoped3A_211 : memref<!tpu.dma_semaphore, #tpu.memory_space<semaphore_mem>>) src(%dma_wait3A_219 : memref<16xf32, #tpu.memory_space<vmem_shared>>) dst(%arg18 : memref<16xf32, #tpu.memory_space<vmem>>)
      tpu.yield
    }) : () -> ()
    %get3A_196 = arith.constant 0 : index
    %get3A_197 = tpu.vector_load %arg18[%get3A_196] {strides = array<i32>} : memref<16xf32, #tpu.memory_space<vmem>>, vector<16xf32>,
    %add3A_198 = arith.addf %add3A_192, %get3A_197 : vector<16xf32>
    %mul3A_199 = arith.constant 16 : i32
    %mul3A_200 = arith.muli %arg1, %mul3A_199 : i32
    %run_scoped3A_201 = arith.constant 15 : i32
    "tpu.region"() ({
      %run_scoped3A_211 = tpu.sem_alloc : memref<!tpu.dma_semaphore, #tpu.memory_space<semaphore_mem>>
      %dma_start3A_212 = tpu.memref_slice %arg21[%run_scoped3A_201, %mul3A_200] : memref<16x256xf32, #tpu.memory_space<vmem_shared>> -> memref<1x16xf32, #tpu.memory_space<vmem_shared>>
      %dma_start3A_213 = tpu.memref_squeeze %dma_start3A_212 : memref<1x16xf32, #tpu.memory_space<vmem_shared>> -> memref<16xf32, #tpu.memory_space<vmem_shared>>
      %dma_start3A_214 = tpu.memref_slice %arg21[%run_scoped3A_201, %mul3A_200] : memref<16x256xf32, #tpu.memory_space<vmem_shared>> -> memref<1x16xf32, #tpu.memory_space<vmem_shared>>
      %dma_start3A_215 = tpu.memref_squeeze %dma_start3A_214 : memref<1x16xf32, #tpu.memory_space<vmem_shared>> -> memref<16xf32, #tpu.memory_space<vmem_shared>>
      tpu.enqueue_dma source(%dma_start3A_215 : memref<16xf32, #tpu.memory_space<vmem_shared>>) target(%arg18 : memref<16xf32, #tpu.memory_space<vmem>>) target_semaphore(%run_scoped3A_211 : memref<!tpu.dma_semaphore, #tpu.memory_space<semaphore_mem>>)
      %dma_wait3A_216 = tpu.memref_slice %arg21[%run_scoped3A_201, %mul3A_200] : memref<16x256xf32, #tpu.memory_space<vmem_shared>> -> memref<1x16xf32, #tpu.memory_space<vmem_shared>>
      %dma_wait3A_217 = tpu.memref_squeeze %dma_wait3A_216 : memref<1x16xf32, #tpu.memory_space<vmem_shared>> -> memref<16xf32, #tpu.memory_space<vmem_shared>>
      %dma_wait3A_218 = tpu.memref_slice %arg21[%run_scoped3A_201, %mul3A_200] : memref<16x256xf32, #tpu.memory_space<vmem_shared>> -> memref<1x16xf32, #tpu.memory_space<vmem_shared>>
      %dma_wait3A_219 = tpu.memref_squeeze %dma_wait3A_218 : memref<1x16xf32, #tpu.memory_space<vmem_shared>> -> memref<16xf32, #tpu.memory_space<vmem_shared>>
      tpu.wait_dma2 semaphore(%run_scoped3A_211 : memref<!tpu.dma_semaphore, #tpu.memory_space<semaphore_mem>>) src(%dma_wait3A_219 : memref<16xf32, #tpu.memory_space<vmem_shared>>) dst(%arg18 : memref<16xf32, #tpu.memory_space<vmem>>)
      tpu.yield
    }) : () -> ()
    %get3A_202 = arith.constant 0 : index
    %get3A_203 = tpu.vector_load %arg18[%get3A_202] {strides = array<i32>} : memref<16xf32, #tpu.memory_space<vmem>>, vector<16xf32>,
    %add3A_204 = arith.addf %add3A_198, %get3A_203 : vector<16xf32>
    %swap3A = arith.constant 0 : index
    %swap3A_205 = tpu.vector_load %arg19[%swap3A] {strides = array<i32>} : memref<16xf32, #tpu.memory_space<vmem>>, vector<16xf32>,
    tpu.vector_store %arg19[%swap3A], %add3A_204 {strides = array<i32>} : memref<16xf32, #tpu.memory_space<vmem>>, vector<16xf32>,
    %mul3A_206 = arith.constant 256 : i32
    %mul3A_207 = arith.muli %arg0, %mul3A_206 : i32
    %mul3A_208 = arith.constant 16 : i32
    %mul3A_209 = arith.muli %arg1, %mul3A_208 : i32
    %add3A_210 = arith.addi %mul3A_207, %mul3A_209 : i32
    "tpu.region"() ({
      %run_scoped3A_211 = tpu.sem_alloc : memref<!tpu.dma_semaphore, #tpu.memory_space<semaphore_mem>>
      %dma_start3A_212 = tpu.memref_slice %arg6[%add3A_210] : memref<512xf32, #tpu.memory_space<hbm>> -> memref<16xf32, #tpu.memory_space<hbm>>
      %dma_start3A_213 = tpu.memref_slice %arg6[%add3A_210] : memref<512xf32, #tpu.memory_space<hbm>> -> memref<16xf32, #tpu.memory_space<hbm>>
      tpu.enqueue_dma source(%arg19 : memref<16xf32, #tpu.memory_space<vmem>>) target(%dma_start3A_213 : memref<16xf32, #tpu.memory_space<hbm>>) target_semaphore(%run_scoped3A_211 : memref<!tpu.dma_semaphore, #tpu.memory_space<semaphore_mem>>)
      %dma_wait3A_214 = tpu.memref_slice %arg6[%add3A_210] : memref<512xf32, #tpu.memory_space<hbm>> -> memref<16xf32, #tpu.memory_space<hbm>>
      %dma_wait3A_215 = tpu.memref_slice %arg6[%add3A_210] : memref<512xf32, #tpu.memory_space<hbm>> -> memref<16xf32, #tpu.memory_space<hbm>>
      tpu.wait_dma2 semaphore(%run_scoped3A_211 : memref<!tpu.dma_semaphore, #tpu.memory_space<semaphore_mem>>) src(%arg19 : memref<16xf32, #tpu.memory_space<vmem>>) dst(%dma_wait3A_215 : memref<16xf32, #tpu.memory_space<hbm>>)
      tpu.yield
    }) : () -> ()
    return
  }
}

</mosaic_0001>

<sc_bundles>
// kernel: kernel.3.cloned.1.call-start
scs
__scs_entry_jumppad:
0x0: {  	(pc) =	sbr.rel $0x88, $3  }
0x1: {  	(tag) =	ssettag $0x0;
	lr =	simm.s32 $0x1  }
0x2: {  	[smem:$0x3F9E] =	sst lr;
	_ =	strace $0xD0000000  }
0x3: {  	_ = 	snop  }
0x4: {  	_ = 	snop  }
0x5: {  	_ = 	snop  }
0x6: {  	_ = 	snop  }
0x7: {  	_ = 	snop  }
__scs_overlays_trampoline_lowered:
0x8: {  	[smem:$0x3FAD] =	sst s0  }
0x9: {  	[smem:$0x3FAE] =	sst s1  }
0xa: {  	[smem:$0x3FAF] =	sst s2  }
0xb: {  	[smem:$0x3FB0] =	sst s3  }
0xc: {  	[smem:$0x3FB1] =	sst s4  }
0xd: {  	[smem:$0x3FB2] =	sst s5  }
0xe: {  	[smem:$0x3FB3] =	sst s6  }
0xf: {  	[smem:$0x3FB4] =	sst s7  }
0x10: {  	[smem:$0x3FB5] =	sst s8  }
0x11: {  	[smem:$0x3FB6] =	sst s9;
	s0 =	simm.s32 @!p0 $0x0  }
0x12: {  	s1 =	sld [smem:$0x3F9C];
	s0 =	simm.s32 @p0 $0x1  }
0x13: {  	[smem:$0x3FB7] =	sst s0;
	s0 =	simm.s32 @!p1 $0x0  }
0x14: {  	s2 =	sld [smem:$0x3F9B];
	s0 =	simm.s32 @p1 $0x1  }
0x15: {  	[smem:$0x3FB8] =	sst s0;
	s0 =	simm.s32 @!p2 $0x0  }
0x16: {  	s3 =	sld [smem:$0x3FDB];
	s0 =	simm.s32 @p2 $0x1  }
0x17: {  	s4 =	simm.s32 $0x1BF5;
	[smem:$0x3FBA] =	sst s0  }
0x18: {  	s0 =	sld [smem:$0x3F9D];
	_ =	swait.ge [sflag:s4], $0x0  }
0x19: {  	s7 =	sld [smem:$0x3F9E]  }
0x1a: {  	s8 =	sadd.s32 $0xFFFFE003, lr  }
0x1b: {  	s9 =	sadd.s32 $0xFFFFFEF7, lr;
	s5 =	simm.s32 $0xFFFFFFFF;
	p2 =	slt.u32 s8, $0xFFFFF086  }
0x1c: {  	p1 =	slt.u32 s9, $0xF7A;
	s5 =	simm.s32 @!p2 $0x0  }
0x1d: {  	s5 =	simm.s32 @p1 $0x1;
	p0 =	seq.s32 s7, s2  }
0x1e: {  	s7 =	smul.u32 @!p0 $0xF7A, s2;
	p2 =	seq.s32 @!p0 s5, $0x0  }
0x1f: {  	s9 =	smul.u32 $0xF7A, s1;
	s8 =	simm.s32 @!p0 $0x1BF5;
	p2 =	por !p2, p0  }
0x20: {  	[sflag:s8] =	ssyncset.s32 @!p0 $0xFFFFF086;
	s6 =	sadd.s32 @!p0 s3, s7;
	s7 =	simm.s32 @!p0 $0x108  }
0x21: {  	s3 =	sadd.s32 s3, s9;
	s6 =	sadd.s32 @!p0 $0x88, s6;
	s7 =	simm.s32 @p2 $0x1082  }
0x22: {  	[simem:s7], [sflag:s8] =	dma.local @!p0 [hbm:s6], $0xF7A  }
0x23: {  	s9 =	sor.u32 $0xD0000000, s2;
	s6 =	simm.s32 $0x108;
	_ =	swait.ge @!p0 [sflag:s8], $0x0  }
0x24: {  	s3 =	sadd.s32 $0x88, s3;
	s6 =	simm.s32 @!p1 $0x1082;
	[sflag:s4] =	ssyncset.s32 $0xFFFFF086  }
0x25: {  	[simem:s6], [sflag:s4] =	dma.local [hbm:s3], $0xF7A  }
0x26: {  	[smem:$0x3F9E] =	sst s1;
	(tag) =	ssettag s2;
	_ =	strace s9  }
0x27: {  	s1 =	sld [smem:$0x3FAE]  }
0x28: {  	s2 =	sld [smem:$0x3FAF]  }
0x29: {  	s4 =	sld [smem:$0x3FB1]  }
0x2a: {  	p0 =	seq.s32 s5, $0x0;
	s5 =	sld [smem:$0x3FB2]  }
0x2b: {  	s6 =	sld [smem:$0x3FB3]  }
0x2c: {  	s7 =	sld [smem:$0x3FB4]  }
0x2d: {  	s3 =	simm.s32 $0x108;
	s8 =	sld [smem:$0x3FB5]  }
0x2e: {  	s3 =	simm.s32 @!p0 $0x1082;
	s9 =	sld [smem:$0x3FB6]  }
0x2f: {  	lr =	sadd.s32 s0, s3;
	s0 =	sld [smem:$0x3FAD]  }
0x30: {  	s3 =	sld [smem:$0x3FB0]  }
0x31: {  	[smem:$0x3FB9] =	sst s10  }
0x32: {  	s10 =	sld [smem:$0x3FB7];
	_ =	sdelay $0x3  }
0x33: {  	p0 =	seq.s32 s10, $0x1;
	s10 =	sld [smem:$0x3FB9];
	_ =	sdelay $0x3  }
0x34: {  	[smem:$0x3FB9] =	sst s10  }
0x35: {  	s10 =	sld [smem:$0x3FB8];
	_ =	sdelay $0x3  }
0x36: {  	p1 =	seq.s32 s10, $0x1;
	s10 =	sld [smem:$0x3FB9];
	_ =	sdelay $0x3  }
0x37: {  	[smem:$0x3FB9] =	sst s10  }
0x38: {  	s10 =	sld [smem:$0x3FBA]  }
0x39: {  	_ = 	snop;
	(pc) =	sbr.ind lr, $3  }
0x3a: {  	_ = 	snop  }
0x3b: {  	_ = 	snop  }
0x3c: {  	p2 =	seq.s32 s10, $0x1;
	s10 =	sld [smem:$0x3FB9]  }
0x3d: {  	_ =	shalt  }
0x3e: {  	_ =	shalt  }
0x3f: {  	_ =	shalt  }
0x40: {  	_ =	shalt  }
0x41: {  	_ =	shalt  }
0x42: {  	_ =	shalt  }
0x43: {  	_ =	shalt  }
0x44: {  	_ =	shalt  }
0x45: {  	_ =	shalt  }
0x46: {  	_ =	shalt  }
0x47: {  	_ =	shalt  }
0x48: {  	_ =	shalt  }
0x49: {  	_ =	shalt  }
0x4a: {  	_ =	shalt  }
0x4b: {  	_ =	shalt  }
0x4c: {  	_ =	shalt  }
0x4d: {  	_ =	shalt  }
0x4e: {  	_ =	shalt  }
0x4f: {  	_ =	shalt  }
0x50: {  	_ =	shalt  }
0x51: {  	_ =	shalt  }
0x52: {  	_ =	shalt  }
0x53: {  	_ =	shalt  }
0x54: {  	_ =	shalt  }
0x55: {  	_ =	shalt  }
0x56: {  	_ =	shalt  }
0x57: {  	_ =	shalt  }
0x58: {  	_ =	shalt  }
0x59: {  	_ =	shalt  }
0x5a: {  	_ =	shalt  }
0x5b: {  	_ =	shalt  }
0x5c: {  	_ =	shalt  }
0x5d: {  	_ =	shalt  }
0x5e: {  	_ =	shalt  }
0x5f: {  	_ =	shalt  }
0x60: {  	_ =	shalt  }
0x61: {  	_ =	shalt  }
0x62: {  	_ =	shalt  }
0x63: {  	_ =	shalt  }
0x64: {  	_ =	shalt  }
0x65: {  	_ =	shalt  }
0x66: {  	_ =	shalt  }
0x67: {  	_ =	shalt  }
0x68: {  	_ =	shalt  }
0x69: {  	_ =	shalt  }
0x6a: {  	_ =	shalt  }
0x6b: {  	_ =	shalt  }
0x6c: {  	_ =	shalt  }
0x6d: {  	_ =	shalt  }
0x6e: {  	_ =	shalt  }
0x6f: {  	_ =	shalt  }
0x70: {  	_ =	shalt  }
0x71: {  	_ =	shalt  }
0x72: {  	_ =	shalt  }
0x73: {  	_ =	shalt  }
0x74: {  	_ =	shalt  }
0x75: {  	_ =	shalt  }
0x76: {  	_ =	shalt  }
0x77: {  	_ =	shalt  }
0x78: {  	_ =	shalt  }
0x79: {  	_ =	shalt  }
0x7a: {  	_ =	shalt  }
0x7b: {  	_ =	shalt  }
0x7c: {  	_ =	shalt  }
0x7d: {  	_ =	shalt  }
0x7e: {  	_ =	shalt  }
0x7f: {  	_ =	shalt  }
0x80: {  	_ =	shalt  }
0x81: {  	_ =	shalt  }
0x82: {  	_ =	shalt  }
0x83: {  	_ =	shalt  }
0x84: {  	_ =	shalt  }
0x85: {  	_ =	shalt  }
0x86: {  	_ =	shalt  }
0x87: {  	_ =	shalt  }
.Lfunc_end0:
.L_simem_size_0:
called_computation_lowered:
.L_overlay_start_0:
0x88: {  	s2 =	sld [smem:$0x3FD9]  }
0x89: {  	s3 =	sld [smem:$0x3FFE];
	_ =	sdelay $0x1  }
0x8a: {  	s1 =	srdreg.scid  }
0x8b: {  	s0 =	sand.u32 $0x1, s1  }
0x8c: {  	s17 =	sshll.u32 s0, $0xA;
	s2 =	sadd.s32 s3, s2  }
0x8d: {  	s2 =	sadd.s32 s2, s17  }
0x8e: {  	[smem:$0x3FC5] =	sst s2  }
0x8f: {  	_ = 	snop  }
0x90: {  	s2 =	sld [smem:$0x3FC9]  }
0x91: {  	s18 =	sld [smem:$0x3FC8]  }
0x92: {  	s4 =	sld [smem:$0x3FC7];
	(tm) =	ssettm $0x1  }
0x93: {  	s5 =	sld [smem:$0x3FFB];
	_ =	sdelay $0x3  }
0x94: {  	_ =	strace s5  }
0x95: {  	s5 =	sld [smem:$0x3FFC];
	_ =	sdelay $0x3  }
0x96: {  	_ =	strace s5  }
0x97: {  	s5 =	sld [smem:$0x3FFD];
	_ =	sdelay $0x3  }
0x98: {  	_ =	strace s5  }
0x99: {  	_ =	strace $0x8FFFFFFF  }
0x9a: {  	s19 =	sld [smem:$0x3FDB];
	_ =	sdelay $0x1  }
0x9b: {  	s6 =	simm.s32 $_scs_section_size  }
0x9c: {  	s7 =	simm.s32 $_size__tile_overlayer_lowered;
	s8 =	simm.s32 $_tile_overlayer_lowered  }
0x9d: {  	s22 =	simm.s32 $0x1BFF;
	s21 =	sshll.u32 s8, $0x1;
	s5 =	sadd.s32 s6, s19  }
0x9e: {  	s9 =	simm.s32 $0x0;
	s20 =	sshll.u32 s7, $0x1;
	s7 =	sadd.s32 s21, s5  }
0x9f: {  	[timem:s9], [sflag:s22] =	dma.local [hbm:s7], s20  }
0xa0: {  	_ =	swait.ge [sflag:s22], s20  }
0xa1: {  	s6 =	ssub.s32 $0x0, s20;
	[sflag:s22] =	ssyncset.done $0x0  }
0xa2: {  	[sflag:s22] =	ssyncadd.s32 s6;
	_ =	sdelay $0x1  }
0xa3: {  	s23 =	simm.s32 $0x1B8B  }
0xa4: {  	_ =	swait.ge [sflag:s23], $0x1  }
0xa5: {  	[sflag:s23] =	ssyncset.done $0x0  }
0xa6: {  	s25 =	simm.s32 $0x1B8E;
	s24 =	sld [smem:$0x3FFE];
	[sflag:s23] =	ssyncadd.s32 $0xFFFFFFFF  }
0xa7: {  	s26 =	simm.s32 $execute0_lowered;
	[smem:$0x3FD2] =	sst s25  }
0xa8: {  	s7 =	sshll.u32 s26, $0x1;
	_ =	strace $0x80000046;
	[dreg:$0x1] =	wrdreg $0xFFFFFFFF  }
0xa9: {  	s28 =	simm.s32 $_size_execute0_lowered;
	s5 =	sadd.s32 s5, s7;
	[dreg:$0x0] =	wrdreg $0x0  }
0xaa: {  	s7 =	sshll.u32 s28, $0x1;
	[dreg:$0x2] =	wrdreg s5  }
0xab: {  	[dreg:$0x3] =	wrdreg s7  }
0xac: {  	[dreg:$0x4] =	wrdreg $0xC0  }
0xad: {  	_ =	task [dreg:s9], $0x5FFFF  }
0xae: {  	[dreg:$0x1] =	wrdreg $0xFFFFFFFF  }
0xaf: {  	[dreg:$0x0] =	wrdreg $0x60  }
0xb0: {  	[dreg:$0x2] =	wrdreg s2  }
0xb1: {  	[dreg:$0x3] =	wrdreg s18  }
0xb2: {  	[dreg:$0x4] =	wrdreg s4  }
0xb3: {  	[dreg:$0x5] =	wrdreg s24  }
0xb4: {  	[dreg:$0x6] =	wrdreg $0x14F800  }
0xb5: {  	[dreg:$0x7] =	wrdreg $0x9  }
0xb6: {  	_ =	task.clear_ibuf [dreg:s9], $0x8FFFF;
	_ =	strace $0x90000046  }
0xb7: {  	s29 =	simm.s32 $0x9;
	_ =	strace $0x80000048  }
0xb8: {  	_ =	swait.ge [sflag:s29], $0x1  }
0xb9: {  	[sflag:s29] =	ssyncadd.s32 $0xFFFFFFFF  }
0xba: {  	_ =	strace $0x90000048  }
0xbb: {  	_ =	sfence  }
0xbc: {  	s30 =	sld [smem:$0x0];
	_ =	sdelay $0x2  }
0xbd: {  	s31 =	sshll.u32 s1, $0xD;
	s1 =	sshrl.u32 s1, $0x2  }
0xbe: {  	s3 =	sand.u32 $0x4000, s31;
	s1 =	sadd.s32 s1, s30  }
0xbf: {  	s0 =	sor.u32 s3, s0;
	s1 =	sshll.u32 s1, $0x11  }
0xc0: {  	s0 =	sor.u32 s1, s0  }
0xc1: {  	s0 =	sadd.s32 $0x8F2B, s0  }
0xc2: {  	[sflag:s0] =	ssyncadd.remote.s32 $0x1  }
0xc3: {  	_ =	sfence.sel $0xFFFF  }
0xc4: {  	[dreg:$0x0] =	wrdreg $0xFFFFFFFF;
	(pc) =	sbr.abs _section_cstart, $3  }
0xc5: {  	[dreg:$0x1] =	wrdreg $0xFFFFFFFF  }
0xc6: {  	_ =	task.clear_ibuf [dreg:s9], $0x2FFFF;
	_ =	strace $0x9FFFFFFF  }
0xc7: {  	(tm) =	ssettm $0x7FFFFFFF  }
tec
execute0_lowered:
.L_overlay_start_1:
0x0: {  	(tag) =	ssettag $0x1  }
0x1: {  	v1 =	vlaneseq.u32;
	v4 =	vimm.s32 $0xB80;
	vm2 =	vcmask $0x300  }
0x2: {  	vm3 =	vcmask $0x704;
	vm0 =	vcmask $0xB08;
	vm1 =	vcmask $0xF0C  }
0x3: {  	v5 =	vimm.s32 $0x2B80;
	v6 =	vimm.s32 $0x3B80;
	v7 =	vimm.s32 $0x4B80  }
0x4: {  	v8 =	vimm.s32 $0x5B80;
	v9 =	vimm.s32 $0x6B80;
	v11 =	vimm.s32 $0x7B80  }
0x5: {  	s13 =	stileid.u32;
	vm4 =	vcmask $0x3734;
	v5 =	vsel vm2, $0x2000, v5;
	v6 =	vsel vm2, $0x3000, v6  }
0x6: {  	s14 =	sshll.u32 s13, $0x4;
	v7 =	vsel vm2, $0x4000, v7;
	v8 =	vsel vm2, $0x5000, v8;
	v9 =	vsel vm2, $0x6000, v9  }
0x7: {  	v11 =	vsel vm2, $0x7000, v11;
	v2 =	vmov s14;
	v3 =	vor.u32 s14, v1  }
0x8: {  	v5 =	vsel vm3, $0x2080, v5;
	v6 =	vsel vm3, $0x3080, v6;
	v7 =	vsel vm3, $0x4080, v7  }
0x9: {  	v8 =	vsel vm3, $0x5080, v8;
	v9 =	vsel vm3, $0x6080, v9;
	v11 =	vsel vm3, $0x7080, v11  }
0xa: {  	v10 =	vand.u32 $0x7F, v3;
	v3 =	vsel vm2, $0x0, v4;
	v2 =	vshll.u32 v2, $0x3  }
0xb: {  	v4 =	vimm.s32 $0x1B80;
	v5 =	vsel vm0, $0x2100, v5;
	v6 =	vsel vm0, $0x3100, v6  }
0xc: {  	v7 =	vsel vm0, $0x4100, v7;
	v8 =	vsel vm0, $0x5100, v8;
	v9 =	vsel vm0, $0x6100, v9  }
0xd: {  	v11 =	vsel vm0, $0x7100, v11;
	v3 =	vsel vm3, $0x80, v3;
	v4 =	vsel vm2, $0x1000, v4  }
0xe: {  	s0 =	srdreg.scid;
	vm2 =	vcmask $0x1310;
	v5 =	vsel vm1, $0x2180, v5;
	v6 =	vsel vm1, $0x3180, v6  }
0xf: {  	s0 =	sand.u32 $0x1, s0;
	v7 =	vsel vm1, $0x4180, v7;
	v8 =	vsel vm1, $0x5180, v8;
	v9 =	vsel vm1, $0x6180, v9  }
0x10: {  	s1 =	sshll.u32 s0, $0x4;
	v11 =	vsel vm1, $0x7180, v11;
	v18 =	vand.u32 $0x400, v2;
	v3 =	vsel vm0, $0x100, v3  }
0x11: {  	s1 =	sor.u32 s13, s1;
	v4 =	vsel vm3, $0x1080, v4;
	vm3 =	vcmask $0x1714;
	v5 =	vsel vm2, $0x2200, v5  }
0x12: {  	s2 =	smul.u32 $0xC35, s1;
	v6 =	vsel vm2, $0x3200, v6;
	v7 =	vsel vm2, $0x4200, v7;
	v8 =	vsel vm2, $0x5200, v8  }
0x13: {  	v9 =	vsel vm2, $0x6200, v9;
	v11 =	vsel vm2, $0x7200, v11;
	v18 =	vor.u32 v10, v18  }
0x14: {  	v0 =	vmov s2;
	v3 =	vsel vm1, $0x180, v3;
	v4 =	vsel vm0, $0x1100, v4  }
0x15: {  	s7 =	rddreg [dreg:$0x3];
	vm0 =	vcmask $0x1B18;
	v5 =	vsel vm3, $0x2280, v5;
	v6 =	vsel vm3, $0x3280, v6  }
0x16: {  	s3 =	rddreg [dreg:$0x4];
	s6 =	simm.s32 $0x0;
	v7 =	vsel vm3, $0x4280, v7;
	v8 =	vsel vm3, $0x5280, v8;
	v9 =	vsel vm3, $0x6280, v9  }
0x17: {  	[smem:$0x7FF] =	sst s6;
	s8 =	sshll.u32 s13, $0x7;
	s20 =	sshll.u32 s13, $0x8;
	v11 =	vsel vm3, $0x7280, v11;
	v3 =	vsel vm2, $0x200, v3;
	v4 =	vsel vm1, $0x1180, v4  }
0x18: {  	s5 =	sshll.u32 s0, $0x8;
	s9 =	sand.u32 $0x380, s8;
	s10 =	ssub.s32 $0x2, s0;
	vm1 =	vcmask $0x1F1C;
	v5 =	vsel vm0, $0x2300, v5;
	v6 =	vsel vm0, $0x3300, v6  }
0x19: {  	s21 =	sand.u32 $0x400, s8;
	s22 =	sand.u32 $0x70, s14;
	s8 =	sor.u32 s8, s14;
	v7 =	vsel vm0, $0x4300, v7;
	v8 =	vsel vm0, $0x5300, v8;
	v9 =	vsel vm0, $0x6300, v9  }
0x1a: {  	s5 =	sor.u32 s14, s5;
	s11 =	sshrl.u32 s10, $0x1;
	s8 =	sor.u32 $0x380, s8;
	v11 =	vsel vm0, $0x7300, v11;
	v3 =	vsel vm3, $0x280, v3;
	v4 =	vsel vm2, $0x1200, v4  }
0x1b: {  	s4 =	sshrl.u32 s1, $0x3;
	s5 =	sshrl.u32 s5, $0x3;
	s1 =	sshll.u32 s1, $0x7;
	vm2 =	vcmask $0x2320;
	v5 =	vsel vm1, $0x2380, v5;
	v6 =	vsel vm1, $0x3380, v6  }
0x1c: {  	s4 =	smul.u32 $0x6400, s4;
	s15 =	sor.u32 $0x30, s1;
	s16 =	sor.u32 $0x40, s1;
	v7 =	vsel vm1, $0x4380, v7;
	v8 =	vsel vm1, $0x5380, v8;
	v9 =	vsel vm1, $0x6380, v9  }
0x1d: {  	s18 =	sor.u32 $0x50, s1;
	s19 =	sor.u32 $0x60, s1;
	s2 =	rddreg [dreg:$0x0];
	v11 =	vsel vm1, $0x7380, v11;
	v3 =	vsel vm0, $0x300, v3;
	v4 =	vsel vm3, $0x1280, v4  }
0x1e: {  	_ =	strace $0x80000047;
	[dreg:$0x6] =	wrdreg s14;
	s4 =	sor.u32 s9, s4;
	vm3 =	vcmask $0x2724;
	v13 =	vsel vm2, $0x2800, v5;
	v14 =	vsel vm2, $0x3800, v6  }
0x1f: {  	s12 =	sshrl.u32 s4, $0x3;
	s4 =	sadd.s32 s5, s7;
	s5 =	ssub.s32 s10, s11;
	v15 =	vsel vm2, $0x4800, v7;
	v16 =	vsel vm2, $0x5800, v8;
	v17 =	vsel vm2, $0x6800, v9  }
0x20: {  	s10 =	sand.u32 $0x800, s20;
	s11 =	sadd.s32 s21, s3;
	s7 =	sadd.s32 s7, s12;
	v11 =	vsel vm2, $0x7800, v11;
	v5 =	vor.u32 s16, v1;
	v6 =	vor.u32 s18, v1  }
0x21: {  	s10 =	sadd.s32 s10, s3;
	s3 =	sadd.s32 s8, s3;
	v7 =	vor.u32 s19, v1;
	v8 =	vor.u32 s1, v1;
	v3 =	vsel vm1, $0x380, v3;
	[dreg:$0x7] =	wrdreg s7  }
0x22: {  	s14 =	sor.u32 $0x20, s1;
	s11 =	sadd.s32 s22, s11;
	v4 =	vsel vm0, $0x1300, v4;
	vm0 =	vcmask $0x2B28;
	[dreg:$0x10] =	wrdreg s3;
	v13 =	vsel vm3, $0x2880, v13  }
0x23: {  	s7 =	sshll.u32 s13, $0x6;
	s9 =	sadd.s32 s9, s10;
	v14 =	vsel vm3, $0x3880, v14;
	v15 =	vsel vm3, $0x4880, v15;
	v16 =	vsel vm3, $0x5880, v16;
	[dreg:$0x8] =	wrdreg s11  }
0x24: {  	s23 =	sadd.s32 $0x80, s11;
	s13 =	sor.u32 $0x10, s1;
	v17 =	vsel vm3, $0x6880, v17;
	v11 =	vsel vm3, $0x7880, v11;
	v3 =	vsel vm2, $0x800, v3;
	[dreg:$0x9] =	wrdreg s9  }
0x25: {  	s24 =	sadd.s32 $0x100, s11;
	s1 =	sor.u32 $0x70, s1;
	v4 =	vsel vm1, $0x1380, v4;
	vm1 =	vcmask $0x2F2C;
	[dreg:$0xa] =	wrdreg s23;
	v2 =	vor.u32 s13, v1  }
0x26: {  	s25 =	sadd.s32 $0x180, s11;
	[dreg:$0xb] =	wrdreg s24;
	v9 =	vor.u32 s1, v1;
	v13 =	vsel vm0, $0x2900, v13;
	v14 =	vsel vm0, $0x3900, v14  }
0x27: {  	s31 =	simm.s32 $0x600;
	s26 =	sadd.s32 $0x200, s11;
	[dreg:$0xc] =	wrdreg s25;
	v15 =	vsel vm0, $0x4900, v15;
	v16 =	vsel vm0, $0x5900, v16;
	v17 =	vsel vm0, $0x6900, v17  }
0x28: {  	s30 =	simm.s32 $0x8580;
	s28 =	sadd.s32 $0x280, s11;
	[dreg:$0xd] =	wrdreg s26;
	v11 =	vsel vm0, $0x7900, v11;
	v3 =	vsel vm3, $0x880, v3;
	v12 =	vsel vm2, $0x1800, v4  }
0x29: {  	s29 =	simm.s32 $0x12D80;
	s10 =	sadd.s32 $0x300, s11;
	[dreg:$0xe] =	wrdreg s28;
	vm2 =	vcmask $0x3330;
	v4 =	vor.u32 s15, v1;
	v13 =	vsel vm1, $0x2980, v13  }
0x2a: {  	p0 =	sne.s32 s0, $0x0;
	s12 =	sadd.s32 $0x800, s11;
	[dreg:$0xf] =	wrdreg s10;
	v14 =	vsel vm1, $0x3980, v14;
	v15 =	vsel vm1, $0x4980, v15;
	v16 =	vsel vm1, $0x5980, v16  }
0x2b: {  	s8 =	simm.s32 $0x400;
	s17 =	sadd.s32 $0x880, s11;
	[dreg:$0x11] =	wrdreg s12;
	v17 =	vsel vm1, $0x6980, v17;
	v11 =	vsel vm1, $0x7980, v11;
	v3 =	vsel vm0, $0x900, v3  }
0x2c: {  	s16 =	simm.s32 $0x6D80;
	s20 =	sadd.s32 $0x900, s11;
	[dreg:$0x12] =	wrdreg s17;
	v12 =	vsel vm3, $0x1880, v12;
	vm3 =	vcmask $0x3B38;
	v13 =	vsel vm2, $0x2A00, v13  }
0x2d: {  	s18 =	simm.s32 $0x7D80;
	s21 =	sadd.s32 $0x980, s11;
	[dreg:$0x13] =	wrdreg s20;
	v14 =	vsel vm2, $0x3A00, v14;
	v15 =	vsel vm2, $0x4A00, v15;
	v16 =	vsel vm2, $0x5A00, v16  }
0x2e: {  	s19 =	simm.s32 $0x8D80;
	s22 =	sadd.s32 $0xA00, s11;
	[dreg:$0x14] =	wrdreg s21;
	v17 =	vsel vm2, $0x6A00, v17;
	v3 =	vsel vm1, $0x980, v3;
	v12 =	vsel vm0, $0x1900, v12  }
0x2f: {  	s3 =	simm.s32 $0x3;
	[dreg:$0x15] =	wrdreg s22;
	s23 =	sadd.s32 $0xA80, s11;
	v20 =	vsel vm4, $0x2A80, v13;
	v21 =	vsel vm4, $0x3A80, v14;
	v22 =	vsel vm4, $0x4A80, v15  }
0x30: {  	s24 =	sadd.s32 $0x3200, s4;
	s25 =	smax.u32 s5, $0x1;
	s0 =	sshrl.u32 @!p0 s7, $0x2;
	v23 =	vsel vm4, $0x5A80, v16;
	v24 =	vsel vm4, $0x6A80, v17;
	vm0 =	vmmov @!p0 $0xffff  }
0x31: {  	s26 =	sadd.s32 $0xB00, s11;
	s28 =	sadd.s32 $0xB80, s11;
	[dreg:$0x16] =	wrdreg s23;
	v15 =	vshrl.u32 v1, $0x3;
	v13 =	vimm.f32 $0.0e+00;
	v14 =	vand.u32 $0x7, v1  }
0x32: {  	s9 =	simm.s32 $0x80;
	s5 =	simm.s32 $0x6;
	[dreg:$0x17] =	wrdreg s24;
	v19 =	vsel vm2, $0xA00, v3;
	v3 =	vor.u32 s14, v1;
	v12 =	vsel vm1, $0x1980, v12  }
0x33: {  	s7 =	simm.s32 $0x2D80;
	s12 =	simm.s32 $0x4D80;
	[dreg:$0x18] =	wrdreg s25;
	v15 =	vmul.u32 $0x8, v15;
	v17 =	vsel vm3, $0x2B00, v20;
	v20 =	vsel vm3, $0x5B00, v23  }
0x34: {  	s13 =	simm.s32 $0x5580;
	s17 =	simm.s32 $0x7580;
	[dreg:$0x19] =	wrdreg s0;
	vm1 =	vmmov $0xffff;
	v23 =	vor.u32 $0x8, v1;
	v19 =	vsel vm4, $0xA80, v19  }
0x35: {  	s20 =	simm.s32 $0x9580;
	s21 =	simm.s32 $0x9D80;
	[dreg:$0x1a] =	wrdreg s26;
	v12 =	vsel vm2, $0x1A00, v12;
	v10 =	vsel vm3, $0xB00, v19;
	v19 =	vsel vm2, $0x7A00, v11  }
0x36: {  	s22 =	simm.s32 $0xA580;
	s1 =	simm.s32 $0x2;
	[dreg:$0x1b] =	wrdreg s28;
	v11 =	vor.u32 v10, v18;
	v18 =	vsel vm4, $0x1A80, v12;
	v25 =	vsel vm4, $0x7A80, v19  }
0x37: {  	s0 =	simm.s32 $0x200;
	s15 =	simm.s32 $0x6580;
	s23 =	simm.s32 $0xAD80;
	v12 =	vimm.s32 $0x0;
	v19 =	vsel vm3, $0x4B00, v22;
	v16 =	vsel vm3, $0x1B00, v18  }
0x38: {  	s24 =	simm.s32 $0x13E80;
	s25 =	simm.s32 $0x0;
	s14 =	simm.s32 $0x5D80;
	v18 =	vsel vm3, $0x3B00, v21;
	v21 =	vsel vm3, $0x6B00, v24;
	v22 =	vsel vm3, $0x7B00, v25  }
.LBB2_1:
0x39: {  	s4 =	rddreg [dreg:$0x7];
	s10 =	simm.s32 $0x700  }
0x3a: {  	[tilespmem:s10], [sflag:$0x4] =	stream.strided.gather [hbm4b:s4+s9], $0xC80, s8, s9, $0x38;
	[tilespmem:$0x15080] =	vst v63  }
0x3b: {  	s8 =	rddreg [dreg:$0x1]  }
0x3c: {  	[tilespmem:s6], [sflag:$0x6] =	stream.linear.gather [hbm4b:s8+s6], $0x100, $0x38;
	[tilespmem:$0x15080] =	vst v63  }
0x3d: {  	_ =	swait.ge [sflag:s5], $0x100  }
0x3e: {  	[sflag:s5] =	ssyncset.done $0x0  }
0x3f: {  	s4 =	rddreg [dreg:$0x19];
	[sflag:s5] =	ssyncadd.s32 $0xFFFFFF00  }
0x40: {  	v24 =	vld @!p0 [tilespmem:s4+$0x0];
	_ =	sdelay $0x4  }
0x41: {  	v25 =	vshll.u32 @!p0 v24, $0x1  }
0x42: {  	v26 =	vlaneseq.u32 @!p0;
	v24 =	vand.u32 @!p0 $0x7, v24;
	v25 =	vand.u32 @!p0 $0xFFFFFFF0, v25  }
0x43: {  	v27 =	vshrl.u32 @!p0 v26, $0x3;
	v24 =	vor.u32 @!p0 v24, v25;
	v25 =	vand.u32 @!p0 $0x7, v26  }
0x44: {  	v27 =	vmul.u32 @!p0 $0x8, v27;
	v25 =	vperm.xlane @!p0 v24, v25  }
0x45: {  	v26 =	vor.u32 @!p0 $0x8, v26  }
0x46: {  	v24 =	vperm.xlane @!p0 v24, v26;
	v25 =	vadd.s32 @!p0 v27, v25;
	_ =	sdelay $0x1  }
0x47: {  	v24 =	vadd.s32 @!p0 v27, v24;
	_ =	sdelay $0x1  }
0x48: {  	s8 =	simm.s32 @!p0 $0x13F80;
	s4 =	simm.s32 @!p0 $0x0  }
0x49: {  	[tilespmem:s8], [sflag:$0x5] =	stream.indirect_vreg.gather @!p0 [hbm4b:s2+s4], $0x80, v25, vm0, $0xb8;
	[tilespmem:$0x15080] =	vst v63  }
0x4a: {  	s8 =	simm.s32 @!p0 $0x14780  }
0x4b: {  	[tilespmem:s8], [sflag:$0x5] =	stream.indirect_vreg.gather @!p0 [hbm4b:s2+s4], $0x80, v24, vm0, $0xb8;
	[tilespmem:$0x15080] =	vst v63  }
0x4c: {  	s11 =	simm.s32 $0x100;
	s26 =	simm.s32 $0x1;
	s10 =	rddreg [dreg:$0x2]  }
0x4d: {  	[tilespmem:s11], [sflag:$0x1] =	stream.indirect.gather [hbm4b:s10+s9], $0x1, s6, s9, $0xb8;
	[tilespmem:$0x15080] =	vst v63  }
0x4e: {  	_ =	swait.ge [sflag:s26], $0x80  }
0x4f: {  	[sflag:s26] =	ssyncset.done $0x0  }
0x50: {  	s28 =	simm.s32 $0x180;
	[sflag:s26] =	ssyncadd.s32 $0xFFFFFF80  }
0x51: {  	[tilespmem:s28], [sflag:$0x1] =	stream.indirect.gather [hbm4b:s10+s9], $0x1, s9, s9, $0xb8;
	[tilespmem:$0x15080] =	vst v63  }
0x52: {  	_ =	swait.ge [sflag:s26], $0x80  }
0x53: {  	[sflag:s26] =	ssyncset.done $0x0  }
0x54: {  	s4 =	simm.s32 $0x0;
	[sflag:s26] =	ssyncadd.s32 $0xFFFFFF80  }
.LBB2_2:
0x55: {  	p1 =	sne.s32 s4, $0xFC0  }
.Ltmp0:
0x56: {  	_ = 	snop;
	(pc) =	sbr.rel @p1 .LBB2_2-.Ltmp0, $3  }
0x57: {  	_ =	sdelay $0x1  }
0x58: {  	s8 =	sshra.s32 s4, $0x2  }
0x59: {  	s4 =	sadd.s32 $0x40, s4;
	[tilespmem:s8+$0x200] =	vst v12  }
0x5a: {  	s4 =	simm.s32 $0x100  }
0x5b: {  	v24 =	vld [tilespmem:s4+$0x0];
	_ =	sdelay $0x4  }
0x5c: {  	v25 =	vbroadcast v24, $0x0;
	_ =	sdelay $0x1  }
0x5d: {  	s8 =	simm.s32 $0x0  }
0x5e: {  	v26 =	vmov s8  }
0x5f: {  	v26 =	vand.u32 $0xFFFFFFF0, v26  }
0x60: {  	v26 =	vbroadcast v26, $0x0  }
0x61: {  	v27 =	vld.idx.msk [tilespmem:v25+s0+$0x0], $0xffff  }
0x62: {  	v28 =	vbroadcast v24, $0x1;
	_ =	sdelay $0x2  }
0x63: {  	s9 =	simm.s32 $0x1  }
0x64: {  	[tilespmem:v26+s31+$0x0] =	vst.idx.msk $0x1, v27;
	v26 =	vmov s9  }
0x65: {  	[tilespmem:v25+s0+$0x0] =	vst.idx.msk $0x1, v26  }
0x66: {  	v25 =	vld.idx.msk [tilespmem:v28+s0+$0x0], $0xffff  }
0x67: {  	v27 =	vbroadcast v24, $0x2;
	_ =	sdelay $0x2  }
0x68: {  	s10 =	simm.s32 $0x2  }
0x69: {  	[tilespmem:v26+s31+$0x0] =	vst.idx.msk $0x1, v25;
	v25 =	vmov s10  }
0x6a: {  	[tilespmem:v28+s0+$0x0] =	vst.idx.msk $0x1, v25  }
0x6b: {  	v26 =	vld.idx.msk [tilespmem:v27+s0+$0x0], $0xffff  }
0x6c: {  	v58 =	vbroadcast v24, $0x3;
	_ =	sdelay $0x2  }
0x6d: {  	s11 =	simm.s32 $0x3  }
0x6e: {  	[tilespmem:v25+s31+$0x0] =	vst.idx.msk $0x1, v26;
	v25 =	vmov s11  }
0x6f: {  	[tilespmem:v27+s0+$0x0] =	vst.idx.msk $0x1, v25  }
0x70: {  	v26 =	vld.idx.msk [tilespmem:v58+s0+$0x0], $0xffff  }
0x71: {  	v27 =	vbroadcast v24, $0x4;
	_ =	sdelay $0x2  }
0x72: {  	s26 =	simm.s32 $0x4  }
0x73: {  	[tilespmem:v25+s31+$0x0] =	vst.idx.msk $0x1, v26;
	v25 =	vmov s26  }
0x74: {  	[tilespmem:v58+s0+$0x0] =	vst.idx.msk $0x1, v25  }
0x75: {  	v26 =	vld.idx.msk [tilespmem:v27+s0+$0x0], $0xffff  }
0x76: {  	v59 =	vbroadcast v24, $0x5;
	_ =	sdelay $0x2  }
0x77: {  	s28 =	simm.s32 $0x5  }
0x78: {  	[tilespmem:v25+s31+$0x0] =	vst.idx.msk $0x1, v26;
	v25 =	vmov s28  }
0x79: {  	[tilespmem:v27+s0+$0x0] =	vst.idx.msk $0x1, v25  }
0x7a: {  	v26 =	vld.idx.msk [tilespmem:v59+s0+$0x0], $0xffff  }
0x7b: {  	v27 =	vbroadcast v24, $0x6;
	_ =	sdelay $0x2  }
0x7c: {  	s9 =	simm.s32 $0x6  }
0x7d: {  	[tilespmem:v25+s31+$0x0] =	vst.idx.msk $0x1, v26;
	v25 =	vmov s9  }
0x7e: {  	[tilespmem:v59+s0+$0x0] =	vst.idx.msk $0x1, v25  }
0x7f: {  	v26 =	vld.idx.msk [tilespmem:v27+s0+$0x0], $0xffff  }
0x80: {  	v60 =	vbroadcast v24, $0x7;
	_ =	sdelay $0x2  }
0x81: {  	s10 =	simm.s32 $0x7  }
0x82: {  	[tilespmem:v25+s31+$0x0] =	vst.idx.msk $0x1, v26;
	v25 =	vmov s10  }
0x83: {  	[tilespmem:v27+s0+$0x0] =	vst.idx.msk $0x1, v25  }
0x84: {  	v26 =	vld.idx.msk [tilespmem:v60+s0+$0x0], $0xffff  }
0x85: {  	v27 =	vbroadcast v24, $0x8;
	_ =	sdelay $0x2  }
0x86: {  	s11 =	simm.s32 $0x8  }
0x87: {  	[tilespmem:v25+s31+$0x0] =	vst.idx.msk $0x1, v26;
	v25 =	vmov s11  }
0x88: {  	[tilespmem:v60+s0+$0x0] =	vst.idx.msk $0x1, v25  }
0x89: {  	v26 =	vld.idx.msk [tilespmem:v27+s0+$0x0], $0xffff  }
0x8a: {  	v61 =	vbroadcast v24, $0x9;
	_ =	sdelay $0x2  }
0x8b: {  	s26 =	simm.s32 $0x9  }
0x8c: {  	[tilespmem:v25+s31+$0x0] =	vst.idx.msk $0x1, v26;
	v25 =	vmov s26  }
0x8d: {  	[tilespmem:v27+s0+$0x0] =	vst.idx.msk $0x1, v25  }
0x8e: {  	v26 =	vld.idx.msk [tilespmem:v61+s0+$0x0], $0xffff  }
0x8f: {  	v27 =	vbroadcast v24, $0xA;
	_ =	sdelay $0x2  }
0x90: {  	s28 =	simm.s32 $0xA  }
0x91: {  	[tilespmem:v25+s31+$0x0] =	vst.idx.msk $0x1, v26;
	v25 =	vmov s28  }
0x92: {  	[tilespmem:v61+s0+$0x0] =	vst.idx.msk $0x1, v25  }
0x93: {  	v26 =	vld.idx.msk [tilespmem:v27+s0+$0x0], $0xffff  }
0x94: {  	v62 =	vbroadcast v24, $0xB;
	_ =	sdelay $0x2  }
0x95: {  	s9 =	simm.s32 $0xB  }
0x96: {  	[tilespmem:v25+s31+$0x0] =	vst.idx.msk $0x1, v26;
	v25 =	vmov s9  }
0x97: {  	[tilespmem:v27+s0+$0x0] =	vst.idx.msk $0x1, v25  }
0x98: {  	v26 =	vld.idx.msk [tilespmem:v62+s0+$0x0], $0xffff  }
0x99: {  	v27 =	vbroadcast v24, $0xC;
	_ =	sdelay $0x2  }
0x9a: {  	s10 =	simm.s32 $0xC  }
0x9b: {  	[tilespmem:v25+s31+$0x0] =	vst.idx.msk $0x1, v26;
	v25 =	vmov s10  }
0x9c: {  	[tilespmem:v62+s0+$0x0] =	vst.idx.msk $0x1, v25  }
0x9d: {  	v26 =	vld.idx.msk [tilespmem:v27+s0+$0x0], $0xffff  }
0x9e: {  	v63 =	vbroadcast v24, $0xD;
	_ =	sdelay $0x2  }
0x9f: {  	s11 =	simm.s32 $0xD  }
0xa0: {  	[tilespmem:v25+s31+$0x0] =	vst.idx.msk $0x1, v26;
	v25 =	vmov s11  }
0xa1: {  	[tilespmem:v27+s0+$0x0] =	vst.idx.msk $0x1, v25  }
0xa2: {  	v26 =	vld.idx.msk [tilespmem:v63+s0+$0x0], $0xffff  }
0xa3: {  	v27 =	vbroadcast v24, $0xE;
	_ =	sdelay $0x2  }
0xa4: {  	s26 =	simm.s32 $0xE  }
0xa5: {  	[tilespmem:v25+s31+$0x0] =	vst.idx.msk $0x1, v26;
	v25 =	vmov s26  }
0xa6: {  	[tilespmem:v63+s0+$0x0] =	vst.idx.msk $0x1, v25  }
0xa7: {  	v26 =	vld.idx.msk [tilespmem:v27+s0+$0x0], $0xffff  }
0xa8: {  	v24 =	vbroadcast v24, $0xF;
	_ =	sdelay $0x2  }
0xa9: {  	s28 =	simm.s32 $0xF  }
0xaa: {  	[tilespmem:v25+s31+$0x0] =	vst.idx.msk $0x1, v26;
	v25 =	vmov s28  }
0xab: {  	[tilespmem:v27+s0+$0x0] =	vst.idx.msk $0x1, v25  }
0xac: {  	v26 =	vld.idx.msk [tilespmem:v24+s0+$0x0], $0xffff;
	_ =	sdelay $0x3  }
0xad: {  	s8 =	simm.s32 $0x10  }
0xae: {  	[tilespmem:v25+s31+$0x0] =	vst.idx.msk $0x1, v26;
	v25 =	vmov s8  }
.LBB2_4:
0xaf: {  	p1 =	sne.s32 s8, $0xF0  }
0xb0: {  	[tilespmem:v24+s0+$0x0] =	vst.idx.msk $0x1, v25;
	s4 =	sadd.s32 $0x10, s4;
	s9 =	smov.u32 s8;
	s8 =	sadd.s32 $0x10, s8  }
0xb1: {  	v24 =	vld [tilespmem:s4+$0x0];
	_ =	sdelay $0x4  }
0xb2: {  	v25 =	vbroadcast v24, $0x0;
	_ =	sdelay $0x3  }
0xb3: {  	v26 =	vmov s9  }
0xb4: {  	v26 =	vand.u32 $0xFFFFFFF0, v26  }
0xb5: {  	v26 =	vbroadcast v26, $0x0;
	v27 =	vld.idx.msk [tilespmem:v25+s0+$0x0], $0xffff;
	_ =	sdelay $0x1  }
0xb6: {  	v28 =	vbroadcast v24, $0x1;
	_ =	sdelay $0x2  }
0xb7: {  	s10 =	sadd.s32 $0x1, s9  }
0xb8: {  	[tilespmem:v26+s31+$0x0] =	vst.idx.msk $0x1, v27;
	v26 =	vmov s10  }
0xb9: {  	[tilespmem:v25+s0+$0x0] =	vst.idx.msk $0x1, v26  }
0xba: {  	v25 =	vld.idx.msk [tilespmem:v28+s0+$0x0], $0xffff;
	_ =	sdelay $0x1  }
0xbb: {  	v27 =	vbroadcast v24, $0x2;
	_ =	sdelay $0x2  }
0xbc: {  	s10 =	sadd.s32 $0x2, s9  }
0xbd: {  	[tilespmem:v26+s31+$0x0] =	vst.idx.msk $0x1, v25;
	v25 =	vmov s10  }
0xbe: {  	[tilespmem:v28+s0+$0x0] =	vst.idx.msk $0x1, v25  }
0xbf: {  	v26 =	vld.idx.msk [tilespmem:v27+s0+$0x0], $0xffff;
	_ =	sdelay $0x1  }
0xc0: {  	v28 =	vbroadcast v24, $0x3;
	_ =	sdelay $0x2  }
0xc1: {  	s10 =	sadd.s32 $0x3, s9  }
0xc2: {  	[tilespmem:v25+s31+$0x0] =	vst.idx.msk $0x1, v26;
	v25 =	vmov s10  }
0xc3: {  	[tilespmem:v27+s0+$0x0] =	vst.idx.msk $0x1, v25  }
0xc4: {  	v26 =	vld.idx.msk [tilespmem:v28+s0+$0x0], $0xffff;
	_ =	sdelay $0x1  }
0xc5: {  	v27 =	vbroadcast v24, $0x4;
	_ =	sdelay $0x2  }
0xc6: {  	s10 =	sadd.s32 $0x4, s9  }
0xc7: {  	[tilespmem:v25+s31+$0x0] =	vst.idx.msk $0x1, v26;
	v25 =	vmov s10  }
0xc8: {  	[tilespmem:v28+s0+$0x0] =	vst.idx.msk $0x1, v25  }
0xc9: {  	v26 =	vld.idx.msk [tilespmem:v27+s0+$0x0], $0xffff;
	_ =	sdelay $0x1  }
0xca: {  	v28 =	vbroadcast v24, $0x5;
	_ =	sdelay $0x2  }
0xcb: {  	s10 =	sadd.s32 $0x5, s9  }
0xcc: {  	[tilespmem:v25+s31+$0x0] =	vst.idx.msk $0x1, v26;
	v25 =	vmov s10  }
0xcd: {  	[tilespmem:v27+s0+$0x0] =	vst.idx.msk $0x1, v25  }
0xce: {  	v26 =	vld.idx.msk [tilespmem:v28+s0+$0x0], $0xffff;
	_ =	sdelay $0x1  }
0xcf: {  	v27 =	vbroadcast v24, $0x6;
	_ =	sdelay $0x2  }
0xd0: {  	s10 =	sadd.s32 $0x6, s9  }
0xd1: {  	[tilespmem:v25+s31+$0x0] =	vst.idx.msk $0x1, v26;
	v25 =	vmov s10  }
0xd2: {  	[tilespmem:v28+s0+$0x0] =	vst.idx.msk $0x1, v25  }
0xd3: {  	v26 =	vld.idx.msk [tilespmem:v27+s0+$0x0], $0xffff;
	_ =	sdelay $0x1  }
0xd4: {  	v28 =	vbroadcast v24, $0x7;
	_ =	sdelay $0x2  }
0xd5: {  	s10 =	sadd.s32 $0x7, s9  }
0xd6: {  	[tilespmem:v25+s31+$0x0] =	vst.idx.msk $0x1, v26;
	v25 =	vmov s10  }
0xd7: {  	[tilespmem:v27+s0+$0x0] =	vst.idx.msk $0x1, v25  }
0xd8: {  	v26 =	vld.idx.msk [tilespmem:v28+s0+$0x0], $0xffff;
	_ =	sdelay $0x1  }
0xd9: {  	v27 =	vbroadcast v24, $0x8;
	_ =	sdelay $0x2  }
0xda: {  	s10 =	sadd.s32 $0x8, s9  }
0xdb: {  	[tilespmem:v25+s31+$0x0] =	vst.idx.msk $0x1, v26;
	v25 =	vmov s10  }
0xdc: {  	[tilespmem:v28+s0+$0x0] =	vst.idx.msk $0x1, v25  }
0xdd: {  	v26 =	vld.idx.msk [tilespmem:v27+s0+$0x0], $0xffff;
	_ =	sdelay $0x1  }
0xde: {  	v28 =	vbroadcast v24, $0x9;
	_ =	sdelay $0x2  }
0xdf: {  	s10 =	sadd.s32 $0x9, s9  }
0xe0: {  	[tilespmem:v25+s31+$0x0] =	vst.idx.msk $0x1, v26;
	v25 =	vmov s10  }
0xe1: {  	[tilespmem:v27+s0+$0x0] =	vst.idx.msk $0x1, v25  }
0xe2: {  	v26 =	vld.idx.msk [tilespmem:v28+s0+$0x0], $0xffff;
	_ =	sdelay $0x1  }
0xe3: {  	v27 =	vbroadcast v24, $0xA;
	_ =	sdelay $0x2  }
0xe4: {  	s10 =	sadd.s32 $0xA, s9  }
0xe5: {  	[tilespmem:v25+s31+$0x0] =	vst.idx.msk $0x1, v26;
	v25 =	vmov s10  }
0xe6: {  	[tilespmem:v28+s0+$0x0] =	vst.idx.msk $0x1, v25  }
0xe7: {  	v26 =	vld.idx.msk [tilespmem:v27+s0+$0x0], $0xffff;
	_ =	sdelay $0x1  }
0xe8: {  	v28 =	vbroadcast v24, $0xB;
	_ =	sdelay $0x2  }
0xe9: {  	s10 =	sadd.s32 $0xB, s9  }
0xea: {  	[tilespmem:v25+s31+$0x0] =	vst.idx.msk $0x1, v26;
	v25 =	vmov s10  }
0xeb: {  	[tilespmem:v27+s0+$0x0] =	vst.idx.msk $0x1, v25  }
0xec: {  	v26 =	vld.idx.msk [tilespmem:v28+s0+$0x0], $0xffff;
	_ =	sdelay $0x1  }
0xed: {  	v27 =	vbroadcast v24, $0xC;
	_ =	sdelay $0x2  }
0xee: {  	s10 =	sadd.s32 $0xC, s9  }
0xef: {  	[tilespmem:v25+s31+$0x0] =	vst.idx.msk $0x1, v26;
	v25 =	vmov s10  }
0xf0: {  	[tilespmem:v28+s0+$0x0] =	vst.idx.msk $0x1, v25  }
0xf1: {  	v26 =	vld.idx.msk [tilespmem:v27+s0+$0x0], $0xffff;
	_ =	sdelay $0x1  }
0xf2: {  	v28 =	vbroadcast v24, $0xD;
	_ =	sdelay $0x2  }
0xf3: {  	s10 =	sadd.s32 $0xD, s9  }
0xf4: {  	[tilespmem:v25+s31+$0x0] =	vst.idx.msk $0x1, v26;
	v25 =	vmov s10  }
0xf5: {  	[tilespmem:v27+s0+$0x0] =	vst.idx.msk $0x1, v25  }
0xf6: {  	v26 =	vld.idx.msk [tilespmem:v28+s0+$0x0], $0xffff;
	_ =	sdelay $0x1  }
0xf7: {  	v27 =	vbroadcast v24, $0xE;
	_ =	sdelay $0x2  }
0xf8: {  	s10 =	sadd.s32 $0xE, s9  }
0xf9: {  	[tilespmem:v25+s31+$0x0] =	vst.idx.msk $0x1, v26;
	v25 =	vmov s10  }
0xfa: {  	[tilespmem:v28+s0+$0x0] =	vst.idx.msk $0x1, v25  }
0xfb: {  	v26 =	vld.idx.msk [tilespmem:v27+s0+$0x0], $0xffff;
	_ =	sdelay $0x1  }
0xfc: {  	v24 =	vbroadcast v24, $0xF;
	_ =	sdelay $0x2  }
0xfd: {  	s9 =	sadd.s32 $0xF, s9  }
0xfe: {  	[tilespmem:v25+s31+$0x0] =	vst.idx.msk $0x1, v26;
	v25 =	vmov s9  }
0xff: {  	[tilespmem:v27+s0+$0x0] =	vst.idx.msk $0x1, v25  }
0x100: {  	v26 =	vld.idx.msk [tilespmem:v24+s0+$0x0], $0xffff;
	_ =	sdelay $0x1  }
.Ltmp1:
0x101: {  	(pc) =	sbr.rel @p1 .LBB2_4-.Ltmp1, $2  }
0x102: {  	_ =	sdelay $0x2  }
0x103: {  	[tilespmem:v25+s31+$0x0] =	vst.idx.msk $0x1, v26;
	v25 =	vmov s8  }
0x104: {  	_ =	sdelay $0x3  }
0x105: {  	[tilespmem:v24+s0+$0x0] =	vst.idx.msk $0x1, v25;
	s4 =	simm.s32 $0x4  }
0x106: {  	_ =	swait.ge [sflag:s4], $0xC80  }
0x107: {  	[sflag:s4] =	ssyncset.done $0x0  }
0x108: {  	s8 =	simm.s32 $0x700;
	[sflag:s4] =	ssyncadd.s32 $0xFFFFF380  }
0x109: {  	v24 =	vld [tilespmem:s8+$0x0];
	_ =	sdelay $0x7  }
0x10a: {  	v24 =	vld.idx.msk [tilespmem:v24+s0+$0x0], $0xffff;
	_ =	sdelay $0x2  }
0x10b: {  	s4 =	simm.s32 $0x0  }
0x10c: {  	v25 =	vor.u32 s4, v1  }
0x10d: {  	vm2 =	vlt.u32 v25, $0xC35;
	vm3 =	vgt.s32 v24, $0x0  }
0x10e: {  	v25 =	vadd.s32 v0, v25;
	vm2 =	vmand vm2, vm3  }
0x10f: {  	[tilespmem:s4+$0x1380] =	vst.msk vm2, v25;
	v25 =	vmpcnt.ones.xlane vm2;
	_ =	sdelay $0x1  }
0x110: {  	s9 =	simm.s32 $0x710;
	[tilespmem:s4+$0x2080] =	vst.msk vm2, v24;
	(v2sf) =	vpush v25, $0x0  }
0x111: {  	s10 =	simm.s32 $0x20;
	s8 =	simm.s32 $0x10;
	v24 =	vld [tilespmem:s9+$0x0]  }
.LBB2_6:
0x112: {  	p1 =	seq.s32 s10, $0xC70;
	_ =	sdelay $0x6  }
0x113: {  	v24 =	vld.idx.msk [tilespmem:v24+s0+$0x0], $0xffff;
	_ =	sdelay $0x4  }
0x114: {  	v25 =	vor.u32 s8, v1;
	s8 =	smov.u32 s10  }
0x115: {  	vm2 =	vlt.u32 v25, $0xC35;
	vm3 =	vgt.s32 v24, $0x0;
	s26 =	spop (v2sf)  }
.Ltmp2:
0x116: {  	v25 =	vadd.s32 v0, v25;
	vm2 =	vmand vm2, vm3;
	s4 =	sadd.s32 s4, s26;
	(pc) =	sbr.rel @!p1 .LBB2_6-.Ltmp2, $4  }
0x117: {  	[tilespmem:s4+$0x1380] =	vst.msk vm2, v25;
	v25 =	vmpcnt.ones.xlane vm2  }
0x118: {  	[tilespmem:s4+$0x2080] =	vst.msk vm2, v24  }
0x119: {  	s9 =	sadd.s32 $0x10, s9;
	(v2sf) =	vpush v25, $0x0  }
0x11a: {  	s10 =	sadd.s32 $0x10, s10;
	v24 =	vld [tilespmem:s9+$0x0]  }
0x11b: {  	_ =	sdelay $0x7  }
0x11c: {  	v24 =	vld.idx.msk [tilespmem:v24+s0+$0x0], $0xffff;
	_ =	sdelay $0x3  }
0x11d: {  	v25 =	vor.u32 s8, v1  }
0x11e: {  	vm2 =	vlt.u32 v25, $0xC35;
	vm3 =	vgt.s32 v24, $0x0  }
0x11f: {  	vm2 =	vmand vm2, vm3  }
0x120: {  	v26 =	vmpcnt.ones.xlane vm2;
	_ =	sdelay $0x1  }
0x121: {  	(v2sf) =	vpush v26, $0x0;
	_ =	sdelay $0xc  }
0x122: {  	s26 =	spop (v2sf)  }
0x123: {  	v25 =	vadd.s32 v0, v25;
	s4 =	sadd.s32 s4, s26  }
0x124: {  	[tilespmem:s4+$0x1380] =	vst.msk vm2, v25;
	s28 =	spop (v2sf)  }
0x125: {  	[tilespmem:s4+$0x2080] =	vst.msk vm2, v24;
	s4 =	sadd.s32 s4, s28  }
0x126: {  	[tilespmem:s4+$0x1380] =	vst v8  }
0x127: {  	[tilespmem:s4+$0x1390] =	vst v2  }
0x128: {  	[tilespmem:s4+$0x13A0] =	vst v3  }
0x129: {  	[tilespmem:s4+$0x13B0] =	vst v4  }
0x12a: {  	[tilespmem:s4+$0x13C0] =	vst v5  }
0x12b: {  	[tilespmem:s4+$0x13D0] =	vst v6  }
0x12c: {  	[tilespmem:s4+$0x13E0] =	vst v7  }
0x12d: {  	s9 =	simm.s32 $0x40;
	s8 =	simm.s32 $0x0;
	[tilespmem:s4+$0x13F0] =	vst v9  }
.LBB2_8:
0x12e: {  	p1 =	sne.s32 s9, $0x3FC0;
	[tilespmem:s8+$0x12D80] =	vst v13;
	s8 =	smov.u32 s9;
	s9 =	sadd.s32 $0x40, s9  }
.Ltmp3:
0x12f: {  	(pc) =	sbr.rel @p1 .LBB2_8-.Ltmp3, $2  }
0x130: {  	_ =	sdelay $0x2  }
0x131: {  	s8 =	sshra.s32 s8, $0x2  }
0x132: {  	s9 =	sadd.s32 $0x7F, s4  }
0x133: {  	s10 =	sand.u32 $0x7F, s9  }
0x134: {  	s26 =	sshra.s32 s9, $0x1F;
	p1 =	slt.s32 s9, $0x1;
	p2 =	sne.s32 s10, $0x0  }
0x135: {  	s28 =	sshrl.u32 s26, $0x19;
	p1 =	por !p1, !p2  }
0x136: {  	s10 =	simm.s32 $0x1;
	s9 =	sadd.s32 s28, s9;
	p1 =	por !p1, !p1  }
0x137: {  	s9 =	sshra.s32 s9, $0x7;
	s10 =	simm.s32 @!p1 $0x0  }
0x138: {  	s26 =	ssub.s32 s9, s10  }
0x139: {  	p1 =	slt.s32 s26, $0x1  }
.Ltmp4:
0x13a: {  	_ = 	snop;
	(pc) =	sbr.rel @p1 .LBB2_49-.Ltmp4, $2  }
0x13b: {  	_ =	sdelay $0x2  }
0x13c: {  	[tilespmem:s8+$0x12D80] =	vst v13  }
0x13d: {  	v24 =	vld [tilespmem:$0x1380];
	_ =	sdelay $0x4  }
0x13e: {  	v25 =	vshll.u32 v24, $0x1  }
0x13f: {  	v24 =	vand.u32 $0x7, v24;
	v25 =	vand.u32 $0xFFFFFFF0, v25  }
0x140: {  	v24 =	vor.u32 v24, v25  }
0x141: {  	v25 =	vperm.xlane v24, v14;
	_ =	sdelay $0x1  }
0x142: {  	v24 =	vperm.xlane v24, v23;
	v25 =	vadd.s32 v15, v25;
	_ =	sdelay $0x1  }
0x143: {  	v24 =	vadd.s32 v15, v24;
	_ =	sdelay $0x1  }
0x144: {  	s28 =	simm.s32 $0x0  }
0x145: {  	[tilespmem:s7], [sflag:$0x2] =	stream.indirect_vreg.gather [hbm4b:s2+s28], $0x80, v25, vm1, $0xb8;
	[tilespmem:$0x15080] =	vst v63  }
0x146: {  	s8 =	simm.s32 $0x3580  }
0x147: {  	[tilespmem:s8], [sflag:$0x2] =	stream.indirect_vreg.gather [hbm4b:s2+s28], $0x80, v24, vm1, $0xb8;
	[tilespmem:$0x15080] =	vst v63  }
0x148: {  	v24 =	vld [tilespmem:$0x1390];
	_ =	sdelay $0x4  }
0x149: {  	v25 =	vshll.u32 v24, $0x1  }
0x14a: {  	v24 =	vand.u32 $0x7, v24;
	v25 =	vand.u32 $0xFFFFFFF0, v25  }
0x14b: {  	v24 =	vor.u32 v24, v25  }
0x14c: {  	v25 =	vperm.xlane v24, v14;
	_ =	sdelay $0x1  }
0x14d: {  	v24 =	vperm.xlane v24, v23;
	v25 =	vadd.s32 v15, v25;
	_ =	sdelay $0x1  }
0x14e: {  	v24 =	vadd.s32 v15, v24;
	_ =	sdelay $0x1  }
0x14f: {  	s10 =	simm.s32 $0x3D80  }
0x150: {  	[tilespmem:s10], [sflag:$0x2] =	stream.indirect_vreg.gather [hbm4b:s2+s28], $0x80, v25, vm1, $0xb8;
	[tilespmem:$0x15080] =	vst v63  }
0x151: {  	s11 =	simm.s32 $0x4580  }
0x152: {  	[tilespmem:s11], [sflag:$0x2] =	stream.indirect_vreg.gather [hbm4b:s2+s28], $0x80, v24, vm1, $0xb8;
	[tilespmem:$0x15080] =	vst v63  }
0x153: {  	v24 =	vld [tilespmem:$0x13A0];
	_ =	sdelay $0x4  }
0x154: {  	v25 =	vshll.u32 v24, $0x1  }
0x155: {  	v24 =	vand.u32 $0x7, v24;
	v25 =	vand.u32 $0xFFFFFFF0, v25  }
0x156: {  	v24 =	vor.u32 v24, v25  }
0x157: {  	v25 =	vperm.xlane v24, v14;
	_ =	sdelay $0x1  }
0x158: {  	v24 =	vperm.xlane v24, v23;
	v25 =	vadd.s32 v15, v25;
	_ =	sdelay $0x1  }
0x159: {  	v24 =	vadd.s32 v15, v24;
	_ =	sdelay $0x2  }
0x15a: {  	[tilespmem:s12], [sflag:$0x2] =	stream.indirect_vreg.gather [hbm4b:s2+s28], $0x80, v25, vm1, $0xb8;
	[tilespmem:$0x15080] =	vst v63  }
0x15b: {  	_ = 	snop  }
0x15c: {  	[tilespmem:s13], [sflag:$0x2] =	stream.indirect_vreg.gather [hbm4b:s2+s28], $0x80, v24, vm1, $0xb8;
	[tilespmem:$0x15080] =	vst v63  }
0x15d: {  	v24 =	vld [tilespmem:$0x13B0];
	_ =	sdelay $0x4  }
0x15e: {  	v25 =	vshll.u32 v24, $0x1  }
0x15f: {  	v24 =	vand.u32 $0x7, v24;
	v25 =	vand.u32 $0xFFFFFFF0, v25  }
0x160: {  	v24 =	vor.u32 v24, v25  }
0x161: {  	v25 =	vperm.xlane v24, v14;
	_ =	sdelay $0x1  }
0x162: {  	v24 =	vperm.xlane v24, v23;
	v25 =	vadd.s32 v15, v25;
	_ =	sdelay $0x1  }
0x163: {  	v24 =	vadd.s32 v15, v24;
	_ =	sdelay $0x2  }
0x164: {  	[tilespmem:s14], [sflag:$0x2] =	stream.indirect_vreg.gather [hbm4b:s2+s28], $0x80, v25, vm1, $0xb8;
	[tilespmem:$0x15080] =	vst v63  }
0x165: {  	_ = 	snop  }
0x166: {  	[tilespmem:s15], [sflag:$0x2] =	stream.indirect_vreg.gather [hbm4b:s2+s28], $0x80, v24, vm1, $0xb8;
	[tilespmem:$0x15080] =	vst v63  }
0x167: {  	v24 =	vld [tilespmem:$0x13C0];
	_ =	sdelay $0x4  }
0x168: {  	v25 =	vshll.u32 v24, $0x1  }
0x169: {  	v24 =	vand.u32 $0x7, v24;
	v25 =	vand.u32 $0xFFFFFFF0, v25  }
0x16a: {  	v24 =	vor.u32 v24, v25  }
0x16b: {  	v25 =	vperm.xlane v24, v14;
	_ =	sdelay $0x1  }
0x16c: {  	v24 =	vperm.xlane v24, v23;
	v25 =	vadd.s32 v15, v25;
	_ =	sdelay $0x1  }
0x16d: {  	v24 =	vadd.s32 v15, v24;
	_ =	sdelay $0x2  }
0x16e: {  	[tilespmem:s16], [sflag:$0x2] =	stream.indirect_vreg.gather [hbm4b:s2+s28], $0x80, v25, vm1, $0xb8;
	[tilespmem:$0x15080] =	vst v63  }
0x16f: {  	_ = 	snop  }
0x170: {  	[tilespmem:s17], [sflag:$0x2] =	stream.indirect_vreg.gather [hbm4b:s2+s28], $0x80, v24, vm1, $0xb8;
	[tilespmem:$0x15080] =	vst v63  }
0x171: {  	v24 =	vld [tilespmem:$0x13D0];
	_ =	sdelay $0x4  }
0x172: {  	v25 =	vshll.u32 v24, $0x1  }
0x173: {  	v24 =	vand.u32 $0x7, v24;
	v25 =	vand.u32 $0xFFFFFFF0, v25  }
0x174: {  	v24 =	vor.u32 v24, v25  }
0x175: {  	v25 =	vperm.xlane v24, v14;
	_ =	sdelay $0x1  }
0x176: {  	v24 =	vperm.xlane v24, v23;
	v25 =	vadd.s32 v15, v25;
	_ =	sdelay $0x1  }
0x177: {  	v24 =	vadd.s32 v15, v24;
	_ =	sdelay $0x2  }
0x178: {  	[tilespmem:s18], [sflag:$0x2] =	stream.indirect_vreg.gather [hbm4b:s2+s28], $0x80, v25, vm1, $0xb8;
	[tilespmem:$0x15080] =	vst v63  }
0x179: {  	_ = 	snop  }
0x17a: {  	[tilespmem:s30], [sflag:$0x2] =	stream.indirect_vreg.gather [hbm4b:s2+s28], $0x80, v24, vm1, $0xb8;
	[tilespmem:$0x15080] =	vst v63  }
0x17b: {  	v24 =	vld [tilespmem:$0x13E0];
	_ =	sdelay $0x4  }
0x17c: {  	v25 =	vshll.u32 v24, $0x1  }
0x17d: {  	v24 =	vand.u32 $0x7, v24;
	v25 =	vand.u32 $0xFFFFFFF0, v25  }
0x17e: {  	v24 =	vor.u32 v24, v25  }
0x17f: {  	v25 =	vperm.xlane v24, v14;
	_ =	sdelay $0x1  }
0x180: {  	v24 =	vperm.xlane v24, v23;
	v25 =	vadd.s32 v15, v25;
	_ =	sdelay $0x1  }
0x181: {  	v24 =	vadd.s32 v15, v24;
	_ =	sdelay $0x2  }
0x182: {  	[tilespmem:s19], [sflag:$0x2] =	stream.indirect_vreg.gather [hbm4b:s2+s28], $0x80, v25, vm1, $0xb8;
	[tilespmem:$0x15080] =	vst v63  }
0x183: {  	_ = 	snop  }
0x184: {  	[tilespmem:s20], [sflag:$0x2] =	stream.indirect_vreg.gather [hbm4b:s2+s28], $0x80, v24, vm1, $0xb8;
	[tilespmem:$0x15080] =	vst v63  }
0x185: {  	v24 =	vld [tilespmem:$0x13F0];
	_ =	sdelay $0x4  }
0x186: {  	v25 =	vshll.u32 v24, $0x1  }
0x187: {  	v24 =	vand.u32 $0x7, v24;
	v25 =	vand.u32 $0xFFFFFFF0, v25  }
0x188: {  	v24 =	vor.u32 v24, v25  }
0x189: {  	v25 =	vperm.xlane v24, v14;
	_ =	sdelay $0x1  }
0x18a: {  	v24 =	vperm.xlane v24, v23;
	v25 =	vadd.s32 v15, v25;
	_ =	sdelay $0x1  }
0x18b: {  	v24 =	vadd.s32 v15, v24  }
.Ltmp5:
0x18c: {  	_ = 	snop;
	(pc) =	sbr.rel .LBB2_11-.Ltmp5, $4  }
0x18d: {  	_ = 	snop  }
0x18e: {  	[tilespmem:s21], [sflag:$0x2] =	stream.indirect_vreg.gather [hbm4b:s2+s28], $0x80, v25, vm1, $0xb8;
	[tilespmem:$0x15080] =	vst v63  }
0x18f: {  	_ = 	snop  }
0x190: {  	[tilespmem:s22], [sflag:$0x2] =	stream.indirect_vreg.gather [hbm4b:s2+s28], $0x80, v24, vm1, $0xb8;
	v24 =	vmov s4;
	[tilespmem:$0x15080] =	vst v63  }
.LBB2_48:
0x191: {  	p1 =	slt.s32 s28, s26  }
.Ltmp6:
0x192: {  	_ = 	snop;
	(pc) =	sbr.rel @!p1 .LBB2_49-.Ltmp6, $1  }
0x193: {  	_ =	sdelay $0x3  }
.LBB2_11:
0x194: {  	s8 =	sor.u32 $0x1, s28  }
0x195: {  	p1 =	sge.s32 s8, s26  }
.Ltmp7:
0x196: {  	_ = 	snop;
	(pc) =	sbr.rel @p1 .LBB2_13-.Ltmp7, $2  }
0x197: {  	_ =	sdelay $0x2  }
0x198: {  	s4 =	sshll.u32 s8, $0x9  }
0x199: {  	s9 =	sshra.s32 s4, $0x2  }
0x19a: {  	v25 =	vld [tilespmem:s9+$0x1380];
	_ =	sdelay $0x4  }
0x19b: {  	v26 =	vshll.u32 v25, $0x1  }
0x19c: {  	v25 =	vand.u32 $0x7, v25;
	v26 =	vand.u32 $0xFFFFFFF0, v26  }
0x19d: {  	v25 =	vor.u32 v25, v26  }
0x19e: {  	v26 =	vperm.xlane v25, v14;
	_ =	sdelay $0x1  }
0x19f: {  	v25 =	vperm.xlane v25, v23;
	v26 =	vadd.s32 v15, v26;
	_ =	sdelay $0x1  }
0x1a0: {  	v25 =	vadd.s32 v15, v25;
	_ =	sdelay $0x2  }
0x1a1: {  	[tilespmem:s23], [sflag:$0x3] =	stream.indirect_vreg.gather [hbm4b:s2+s6], $0x80, v26, vm1, $0xb8;
	[tilespmem:$0x15080] =	vst v63  }
0x1a2: {  	s10 =	simm.s32 $0xB580  }
0x1a3: {  	[tilespmem:s10], [sflag:$0x3] =	stream.indirect_vreg.gather [hbm4b:s2+s6], $0x80, v25, vm1, $0xb8;
	[tilespmem:$0x15080] =	vst v63  }
0x1a4: {  	v25 =	vld [tilespmem:s9+$0x1390];
	_ =	sdelay $0x4  }
0x1a5: {  	v26 =	vshll.u32 v25, $0x1  }
0x1a6: {  	v25 =	vand.u32 $0x7, v25;
	v26 =	vand.u32 $0xFFFFFFF0, v26  }
0x1a7: {  	v25 =	vor.u32 v25, v26  }
0x1a8: {  	v26 =	vperm.xlane v25, v14;
	_ =	sdelay $0x1  }
0x1a9: {  	v25 =	vperm.xlane v25, v23;
	v26 =	vadd.s32 v15, v26;
	_ =	sdelay $0x1  }
0x1aa: {  	v25 =	vadd.s32 v15, v25;
	_ =	sdelay $0x1  }
0x1ab: {  	s11 =	simm.s32 $0xBD80  }
0x1ac: {  	[tilespmem:s11], [sflag:$0x3] =	stream.indirect_vreg.gather [hbm4b:s2+s6], $0x80, v26, vm1, $0xb8;
	[tilespmem:$0x15080] =	vst v63  }
0x1ad: {  	s11 =	simm.s32 $0xC580  }
0x1ae: {  	[tilespmem:s11], [sflag:$0x3] =	stream.indirect_vreg.gather [hbm4b:s2+s6], $0x80, v25, vm1, $0xb8;
	[tilespmem:$0x15080] =	vst v63  }
0x1af: {  	v25 =	vld [tilespmem:s9+$0x13A0];
	_ =	sdelay $0x4  }
0x1b0: {  	v26 =	vshll.u32 v25, $0x1  }
0x1b1: {  	v25 =	vand.u32 $0x7, v25;
	v26 =	vand.u32 $0xFFFFFFF0, v26  }
0x1b2: {  	v25 =	vor.u32 v25, v26  }
0x1b3: {  	v26 =	vperm.xlane v25, v14;
	_ =	sdelay $0x1  }
0x1b4: {  	v25 =	vperm.xlane v25, v23;
	v26 =	vadd.s32 v15, v26;
	_ =	sdelay $0x1  }
0x1b5: {  	v25 =	vadd.s32 v15, v25;
	_ =	sdelay $0x1  }
0x1b6: {  	s11 =	simm.s32 $0xCD80  }
0x1b7: {  	[tilespmem:s11], [sflag:$0x3] =	stream.indirect_vreg.gather [hbm4b:s2+s6], $0x80, v26, vm1, $0xb8;
	[tilespmem:$0x15080] =	vst v63  }
0x1b8: {  	s11 =	simm.s32 $0xD580  }
0x1b9: {  	[tilespmem:s11], [sflag:$0x3] =	stream.indirect_vreg.gather [hbm4b:s2+s6], $0x80, v25, vm1, $0xb8;
	[tilespmem:$0x15080] =	vst v63  }
0x1ba: {  	v25 =	vld [tilespmem:s9+$0x13B0];
	_ =	sdelay $0x4  }
0x1bb: {  	v26 =	vshll.u32 v25, $0x1  }
0x1bc: {  	v25 =	vand.u32 $0x7, v25;
	v26 =	vand.u32 $0xFFFFFFF0, v26  }
0x1bd: {  	v25 =	vor.u32 v25, v26  }
0x1be: {  	v26 =	vperm.xlane v25, v14;
	_ =	sdelay $0x1  }
0x1bf: {  	v25 =	vperm.xlane v25, v23;
	v26 =	vadd.s32 v15, v26;
	_ =	sdelay $0x1  }
0x1c0: {  	v25 =	vadd.s32 v15, v25;
	_ =	sdelay $0x1  }
0x1c1: {  	s11 =	simm.s32 $0xDD80  }
0x1c2: {  	[tilespmem:s11], [sflag:$0x3] =	stream.indirect_vreg.gather [hbm4b:s2+s6], $0x80, v26, vm1, $0xb8;
	[tilespmem:$0x15080] =	vst v63  }
0x1c3: {  	s11 =	simm.s32 $0xE580  }
0x1c4: {  	[tilespmem:s11], [sflag:$0x3] =	stream.indirect_vreg.gather [hbm4b:s2+s6], $0x80, v25, vm1, $0xb8;
	[tilespmem:$0x15080] =	vst v63  }
0x1c5: {  	v25 =	vld [tilespmem:s9+$0x13C0];
	_ =	sdelay $0x4  }
0x1c6: {  	v26 =	vshll.u32 v25, $0x1  }
0x1c7: {  	v25 =	vand.u32 $0x7, v25;
	v26 =	vand.u32 $0xFFFFFFF0, v26  }
0x1c8: {  	v25 =	vor.u32 v25, v26  }
0x1c9: {  	v26 =	vperm.xlane v25, v14;
	_ =	sdelay $0x1  }
0x1ca: {  	v25 =	vperm.xlane v25, v23;
	v26 =	vadd.s32 v15, v26;
	_ =	sdelay $0x1  }
0x1cb: {  	v25 =	vadd.s32 v15, v25;
	_ =	sdelay $0x1  }
0x1cc: {  	s11 =	simm.s32 $0xED80  }
0x1cd: {  	[tilespmem:s11], [sflag:$0x3] =	stream.indirect_vreg.gather [hbm4b:s2+s6], $0x80, v26, vm1, $0xb8;
	[tilespmem:$0x15080] =	vst v63  }
0x1ce: {  	s11 =	simm.s32 $0xF580  }
0x1cf: {  	[tilespmem:s11], [sflag:$0x3] =	stream.indirect_vreg.gather [hbm4b:s2+s6], $0x80, v25, vm1, $0xb8;
	[tilespmem:$0x15080] =	vst v63  }
0x1d0: {  	v25 =	vld [tilespmem:s9+$0x13D0];
	_ =	sdelay $0x4  }
0x1d1: {  	v26 =	vshll.u32 v25, $0x1  }
0x1d2: {  	v25 =	vand.u32 $0x7, v25;
	v26 =	vand.u32 $0xFFFFFFF0, v26  }
0x1d3: {  	v25 =	vor.u32 v25, v26  }
0x1d4: {  	v26 =	vperm.xlane v25, v14;
	_ =	sdelay $0x1  }
0x1d5: {  	v25 =	vperm.xlane v25, v23;
	v26 =	vadd.s32 v15, v26;
	_ =	sdelay $0x1  }
0x1d6: {  	v25 =	vadd.s32 v15, v25;
	_ =	sdelay $0x1  }
0x1d7: {  	s11 =	simm.s32 $0xFD80  }
0x1d8: {  	[tilespmem:s11], [sflag:$0x3] =	stream.indirect_vreg.gather [hbm4b:s2+s6], $0x80, v26, vm1, $0xb8;
	[tilespmem:$0x15080] =	vst v63  }
0x1d9: {  	s11 =	simm.s32 $0x10580  }
0x1da: {  	[tilespmem:s11], [sflag:$0x3] =	stream.indirect_vreg.gather [hbm4b:s2+s6], $0x80, v25, vm1, $0xb8;
	[tilespmem:$0x15080] =	vst v63  }
0x1db: {  	v25 =	vld [tilespmem:s9+$0x13E0];
	_ =	sdelay $0x4  }
0x1dc: {  	v26 =	vshll.u32 v25, $0x1  }
0x1dd: {  	v25 =	vand.u32 $0x7, v25;
	v26 =	vand.u32 $0xFFFFFFF0, v26  }
0x1de: {  	v25 =	vor.u32 v25, v26  }
0x1df: {  	v26 =	vperm.xlane v25, v14;
	_ =	sdelay $0x1  }
0x1e0: {  	v25 =	vperm.xlane v25, v23;
	v26 =	vadd.s32 v15, v26;
	_ =	sdelay $0x1  }
0x1e1: {  	v25 =	vadd.s32 v15, v25;
	_ =	sdelay $0x1  }
0x1e2: {  	s11 =	simm.s32 $0x10D80  }
0x1e3: {  	[tilespmem:s11], [sflag:$0x3] =	stream.indirect_vreg.gather [hbm4b:s2+s6], $0x80, v26, vm1, $0xb8;
	[tilespmem:$0x15080] =	vst v63  }
0x1e4: {  	s11 =	simm.s32 $0x11580  }
0x1e5: {  	[tilespmem:s11], [sflag:$0x3] =	stream.indirect_vreg.gather [hbm4b:s2+s6], $0x80, v25, vm1, $0xb8;
	[tilespmem:$0x15080] =	vst v63  }
0x1e6: {  	v25 =	vld [tilespmem:s9+$0x13F0];
	_ =	sdelay $0x4  }
0x1e7: {  	v26 =	vshll.u32 v25, $0x1  }
0x1e8: {  	v25 =	vand.u32 $0x7, v25;
	v26 =	vand.u32 $0xFFFFFFF0, v26  }
0x1e9: {  	v25 =	vor.u32 v25, v26  }
0x1ea: {  	v26 =	vperm.xlane v25, v14;
	_ =	sdelay $0x1  }
0x1eb: {  	v25 =	vperm.xlane v25, v23;
	v26 =	vadd.s32 v15, v26;
	_ =	sdelay $0x1  }
0x1ec: {  	v25 =	vadd.s32 v15, v25;
	_ =	sdelay $0x1  }
0x1ed: {  	s10 =	simm.s32 $0x11D80  }
0x1ee: {  	[tilespmem:s10], [sflag:$0x3] =	stream.indirect_vreg.gather [hbm4b:s2+s6], $0x80, v26, vm1, $0xb8;
	[tilespmem:$0x15080] =	vst v63  }
0x1ef: {  	s11 =	simm.s32 $0x12580  }
0x1f0: {  	[tilespmem:s11], [sflag:$0x3] =	stream.indirect_vreg.gather [hbm4b:s2+s6], $0x80, v25, vm1, $0xb8;
	[tilespmem:$0x15080] =	vst v63  }
.LBB2_13:
0x1f1: {  	_ =	swait.ge [sflag:s1], $0x8000  }
0x1f2: {  	s9 =	sshll.u32 s28, $0x9;
	[sflag:s1] =	ssyncset.done $0x0  }
0x1f3: {  	s9 =	sshra.s32 s9, $0x2;
	[sflag:s1] =	ssyncadd.s32 $0xFFFF8000  }
0x1f4: {  	v25 =	vld [tilespmem:s9+$0x2080];
	_ =	sdelay $0x1  }
0x1f5: {  	s10 =	sshll.u32 s28, $0x7  }
0x1f6: {  	v26 =	vor.u32 s10, v1  }
0x1f7: {  	vm2 =	vlt.s32 v26, v24  }
0x1f8: {  	v25 =	vnsel vm2, $0x0, v25  }
0x1f9: {  	vm2 =	vgt.s32 v25, $0x0  }
0x1fa: {  	v26 =	vmpcnt.ones.xlane vm2;
	_ =	sdelay $0x1  }
0x1fb: {  	(v2sf) =	vpush v26, $0x0;
	_ =	sdelay $0xe  }
0x1fc: {  	s11 =	spop (v2sf)  }
0x1fd: {  	p2 =	slt.s32 s11, $0x1  }
.Ltmp8:
0x1fe: {  	_ = 	snop;
	(pc) =	sbr.rel @p2 .LBB2_15-.Ltmp8, $1  }
0x1ff: {  	_ =	sdelay $0x3  }
.LBB2_14:
0x200: {  	vm3 =	vgt.s32 v25, $0x1  }
0x201: {  	v25 =	vnsel vm3, $0x1, v25  }
0x202: {  	v26 =	vadd.s32 $0xFFFFFFFF, v25  }
0x203: {  	v27 =	vshll.u32 v26, $0x3  }
0x204: {  	v28 =	vand.u32 $0x7F, v26;
	v27 =	vand.u32 $0xFFFFFC00, v27  }
0x205: {  	v27 =	vor.u32 v28, v27  }
0x206: {  	v27 =	vadd.s32 v10, v27;
	_ =	sdelay $0x4  }
0x207: {  	v27 =	vld.idx.msk [tilespmem:v27+s7+$0x0], vm2;
	_ =	sdelay $0x4  }
0x208: {  	v27 =	vmul.f32 $1.442695020e+00, v27;
	_ =	sdelay $0x1  }
0x209: {  	v27 =	vnsel vm2, $0x0, v27  }
0x20a: {  	(erf) = vpow2.f32 v27;
	_ =	sdelay $0x1  }
0x20b: {  	v27 =	vmul.u32 $0x100, v1;
	_ =	sdelay $0x1  }
0x20c: {  	v27 =	vadd.s32 $0xFFFFFFFF, v27  }
0x20d: {  	v25 =	vadd.s32 v27, v25;
	_ =	sdelay $0x3  }
0x20e: {  	v27 =	vpop (erf)  }
0x20f: {  	[tilespmem:v25+s29+$0x0] =	vst.idx.add.f32.msk vm2, v27  }
0x210: {  	v25 =	vld.idx.msk [tilespmem:v26+s31+$0x0], $0xffff;
	_ =	sdelay $0x4  }
0x211: {  	v25 =	vnsel vm2, $0x0, v25  }
0x212: {  	vm2 =	vgt.s32 v25, $0x0  }
0x213: {  	v26 =	vmpcnt.ones.xlane vm2;
	_ =	sdelay $0x1  }
0x214: {  	(v2sf) =	vpush v26, $0x0;
	_ =	sdelay $0xe  }
0x215: {  	s11 =	spop (v2sf)  }
0x216: {  	p2 =	sgt.s32 s11, $0x0  }
.Ltmp9:
0x217: {  	_ = 	snop;
	(pc) =	sbr.rel @p2 .LBB2_14-.Ltmp9, $1  }
0x218: {  	_ =	sdelay $0x3  }
.LBB2_15:
0x219: {  	v25 =	vld [tilespmem:s9+$0x2090];
	_ =	sdelay $0x1  }
0x21a: {  	s11 =	sor.u32 $0x10, s10  }
0x21b: {  	v26 =	vor.u32 s11, v1  }
0x21c: {  	vm2 =	vlt.s32 v26, v24  }
0x21d: {  	v25 =	vnsel vm2, $0x0, v25  }
0x21e: {  	vm2 =	vgt.s32 v25, $0x0  }
0x21f: {  	v26 =	vmpcnt.ones.xlane vm2;
	_ =	sdelay $0x1  }
0x220: {  	(v2sf) =	vpush v26, $0x0;
	_ =	sdelay $0xe  }
0x221: {  	s11 =	spop (v2sf)  }
0x222: {  	p2 =	slt.s32 s11, $0x1  }
.Ltmp10:
0x223: {  	_ = 	snop;
	(pc) =	sbr.rel @p2 .LBB2_17-.Ltmp10, $1  }
0x224: {  	_ =	sdelay $0x3  }
.LBB2_16:
0x225: {  	vm3 =	vgt.s32 v25, $0x1  }
0x226: {  	v25 =	vnsel vm3, $0x1, v25  }
0x227: {  	v26 =	vadd.s32 $0xFFFFFFFF, v25  }
0x228: {  	v27 =	vshll.u32 v26, $0x3  }
0x229: {  	v28 =	vand.u32 $0x7F, v26;
	v27 =	vand.u32 $0xFFFFFC00, v27  }
0x22a: {  	v27 =	vor.u32 v28, v27  }
0x22b: {  	v27 =	vadd.s32 v16, v27;
	_ =	sdelay $0x4  }
0x22c: {  	v27 =	vld.idx.msk [tilespmem:v27+s7+$0x0], vm2;
	_ =	sdelay $0x4  }
0x22d: {  	v27 =	vmul.f32 $1.442695020e+00, v27;
	_ =	sdelay $0x1  }
0x22e: {  	v27 =	vnsel vm2, $0x0, v27  }
0x22f: {  	(erf) = vpow2.f32 v27;
	_ =	sdelay $0x1  }
0x230: {  	v27 =	vmul.u32 $0x100, v1;
	_ =	sdelay $0x1  }
0x231: {  	v27 =	vadd.s32 $0xFFFFFFFF, v27  }
0x232: {  	v25 =	vadd.s32 v27, v25;
	_ =	sdelay $0x3  }
0x233: {  	v27 =	vpop (erf)  }
0x234: {  	[tilespmem:v25+s29+$0x0] =	vst.idx.add.f32.msk vm2, v27  }
0x235: {  	v25 =	vld.idx.msk [tilespmem:v26+s31+$0x0], $0xffff;
	_ =	sdelay $0x4  }
0x236: {  	v25 =	vnsel vm2, $0x0, v25  }
0x237: {  	vm2 =	vgt.s32 v25, $0x0  }
0x238: {  	v26 =	vmpcnt.ones.xlane vm2;
	_ =	sdelay $0x1  }
0x239: {  	(v2sf) =	vpush v26, $0x0;
	_ =	sdelay $0xe  }
0x23a: {  	s11 =	spop (v2sf)  }
0x23b: {  	p2 =	sgt.s32 s11, $0x0  }
.Ltmp11:
0x23c: {  	_ = 	snop;
	(pc) =	sbr.rel @p2 .LBB2_16-.Ltmp11, $1  }
0x23d: {  	_ =	sdelay $0x3  }
.LBB2_17:
0x23e: {  	v25 =	vld [tilespmem:s9+$0x20A0];
	_ =	sdelay $0x1  }
0x23f: {  	s11 =	sor.u32 $0x20, s10  }
0x240: {  	v26 =	vor.u32 s11, v1  }
0x241: {  	vm2 =	vlt.s32 v26, v24  }
0x242: {  	v25 =	vnsel vm2, $0x0, v25  }
0x243: {  	vm2 =	vgt.s32 v25, $0x0  }
0x244: {  	v26 =	vmpcnt.ones.xlane vm2;
	_ =	sdelay $0x1  }
0x245: {  	(v2sf) =	vpush v26, $0x0;
	_ =	sdelay $0xe  }
0x246: {  	s11 =	spop (v2sf)  }
0x247: {  	p2 =	slt.s32 s11, $0x1  }
.Ltmp12:
0x248: {  	_ = 	snop;
	(pc) =	sbr.rel @p2 .LBB2_19-.Ltmp12, $1  }
0x249: {  	_ =	sdelay $0x3  }
.LBB2_18:
0x24a: {  	vm3 =	vgt.s32 v25, $0x1  }
0x24b: {  	v25 =	vnsel vm3, $0x1, v25  }
0x24c: {  	v26 =	vadd.s32 $0xFFFFFFFF, v25  }
0x24d: {  	v27 =	vshll.u32 v26, $0x3  }
0x24e: {  	v28 =	vand.u32 $0x7F, v26;
	v27 =	vand.u32 $0xFFFFFC00, v27  }
0x24f: {  	v27 =	vor.u32 v28, v27  }
0x250: {  	v27 =	vadd.s32 v17, v27;
	_ =	sdelay $0x4  }
0x251: {  	v27 =	vld.idx.msk [tilespmem:v27+s7+$0x0], vm2;
	_ =	sdelay $0x4  }
0x252: {  	v27 =	vmul.f32 $1.442695020e+00, v27;
	_ =	sdelay $0x1  }
0x253: {  	v27 =	vnsel vm2, $0x0, v27  }
0x254: {  	(erf) = vpow2.f32 v27;
	_ =	sdelay $0x1  }
0x255: {  	v27 =	vmul.u32 $0x100, v1;
	_ =	sdelay $0x1  }
0x256: {  	v27 =	vadd.s32 $0xFFFFFFFF, v27  }
0x257: {  	v25 =	vadd.s32 v27, v25;
	_ =	sdelay $0x3  }
0x258: {  	v27 =	vpop (erf)  }
0x259: {  	[tilespmem:v25+s29+$0x0] =	vst.idx.add.f32.msk vm2, v27  }
0x25a: {  	v25 =	vld.idx.msk [tilespmem:v26+s31+$0x0], $0xffff;
	_ =	sdelay $0x4  }
0x25b: {  	v25 =	vnsel vm2, $0x0, v25  }
0x25c: {  	vm2 =	vgt.s32 v25, $0x0  }
0x25d: {  	v26 =	vmpcnt.ones.xlane vm2;
	_ =	sdelay $0x1  }
0x25e: {  	(v2sf) =	vpush v26, $0x0;
	_ =	sdelay $0xe  }
0x25f: {  	s11 =	spop (v2sf)  }
0x260: {  	p2 =	sgt.s32 s11, $0x0  }
.Ltmp13:
0x261: {  	_ = 	snop;
	(pc) =	sbr.rel @p2 .LBB2_18-.Ltmp13, $1  }
0x262: {  	_ =	sdelay $0x3  }
.LBB2_19:
0x263: {  	v25 =	vld [tilespmem:s9+$0x20B0];
	_ =	sdelay $0x1  }
0x264: {  	s11 =	sor.u32 $0x30, s10  }
0x265: {  	v26 =	vor.u32 s11, v1  }
0x266: {  	vm2 =	vlt.s32 v26, v24  }
0x267: {  	v25 =	vnsel vm2, $0x0, v25  }
0x268: {  	vm2 =	vgt.s32 v25, $0x0  }
0x269: {  	v26 =	vmpcnt.ones.xlane vm2;
	_ =	sdelay $0x1  }
0x26a: {  	(v2sf) =	vpush v26, $0x0;
	_ =	sdelay $0xe  }
0x26b: {  	s11 =	spop (v2sf)  }
0x26c: {  	p2 =	slt.s32 s11, $0x1  }
.Ltmp14:
0x26d: {  	_ = 	snop;
	(pc) =	sbr.rel @p2 .LBB2_21-.Ltmp14, $1  }
0x26e: {  	_ =	sdelay $0x3  }
.LBB2_20:
0x26f: {  	vm3 =	vgt.s32 v25, $0x1  }
0x270: {  	v25 =	vnsel vm3, $0x1, v25  }
0x271: {  	v26 =	vadd.s32 $0xFFFFFFFF, v25  }
0x272: {  	v27 =	vshll.u32 v26, $0x3  }
0x273: {  	v28 =	vand.u32 $0x7F, v26;
	v27 =	vand.u32 $0xFFFFFC00, v27  }
0x274: {  	v27 =	vor.u32 v28, v27  }
0x275: {  	v27 =	vadd.s32 v18, v27;
	_ =	sdelay $0x4  }
0x276: {  	v27 =	vld.idx.msk [tilespmem:v27+s7+$0x0], vm2;
	_ =	sdelay $0x4  }
0x277: {  	v27 =	vmul.f32 $1.442695020e+00, v27;
	_ =	sdelay $0x1  }
0x278: {  	v27 =	vnsel vm2, $0x0, v27  }
0x279: {  	(erf) = vpow2.f32 v27;
	_ =	sdelay $0x1  }
0x27a: {  	v27 =	vmul.u32 $0x100, v1;
	_ =	sdelay $0x1  }
0x27b: {  	v27 =	vadd.s32 $0xFFFFFFFF, v27  }
0x27c: {  	v25 =	vadd.s32 v27, v25;
	_ =	sdelay $0x3  }
0x27d: {  	v27 =	vpop (erf)  }
0x27e: {  	[tilespmem:v25+s29+$0x0] =	vst.idx.add.f32.msk vm2, v27  }
0x27f: {  	v25 =	vld.idx.msk [tilespmem:v26+s31+$0x0], $0xffff;
	_ =	sdelay $0x4  }
0x280: {  	v25 =	vnsel vm2, $0x0, v25  }
0x281: {  	vm2 =	vgt.s32 v25, $0x0  }
0x282: {  	v26 =	vmpcnt.ones.xlane vm2;
	_ =	sdelay $0x1  }
0x283: {  	(v2sf) =	vpush v26, $0x0;
	_ =	sdelay $0xe  }
0x284: {  	s11 =	spop (v2sf)  }
0x285: {  	p2 =	sgt.s32 s11, $0x0  }
.Ltmp15:
0x286: {  	_ = 	snop;
	(pc) =	sbr.rel @p2 .LBB2_20-.Ltmp15, $1  }
0x287: {  	_ =	sdelay $0x3  }
.LBB2_21:
0x288: {  	v25 =	vld [tilespmem:s9+$0x20C0];
	_ =	sdelay $0x1  }
0x289: {  	s11 =	sor.u32 $0x40, s10  }
0x28a: {  	v26 =	vor.u32 s11, v1  }
0x28b: {  	vm2 =	vlt.s32 v26, v24  }
0x28c: {  	v25 =	vnsel vm2, $0x0, v25  }
0x28d: {  	vm2 =	vgt.s32 v25, $0x0  }
0x28e: {  	v26 =	vmpcnt.ones.xlane vm2;
	_ =	sdelay $0x1  }
0x28f: {  	(v2sf) =	vpush v26, $0x0;
	_ =	sdelay $0xe  }
0x290: {  	s11 =	spop (v2sf)  }
0x291: {  	p2 =	slt.s32 s11, $0x1  }
.Ltmp16:
0x292: {  	_ = 	snop;
	(pc) =	sbr.rel @p2 .LBB2_23-.Ltmp16, $1  }
0x293: {  	_ =	sdelay $0x3  }
.LBB2_22:
0x294: {  	vm3 =	vgt.s32 v25, $0x1  }
0x295: {  	v25 =	vnsel vm3, $0x1, v25  }
0x296: {  	v26 =	vadd.s32 $0xFFFFFFFF, v25  }
0x297: {  	v27 =	vshll.u32 v26, $0x3  }
0x298: {  	v28 =	vand.u32 $0x7F, v26;
	v27 =	vand.u32 $0xFFFFFC00, v27  }
0x299: {  	v27 =	vor.u32 v28, v27  }
0x29a: {  	v27 =	vadd.s32 v19, v27;
	_ =	sdelay $0x4  }
0x29b: {  	v27 =	vld.idx.msk [tilespmem:v27+s7+$0x0], vm2;
	_ =	sdelay $0x4  }
0x29c: {  	v27 =	vmul.f32 $1.442695020e+00, v27;
	_ =	sdelay $0x1  }
0x29d: {  	v27 =	vnsel vm2, $0x0, v27  }
0x29e: {  	(erf) = vpow2.f32 v27;
	_ =	sdelay $0x1  }
0x29f: {  	v27 =	vmul.u32 $0x100, v1;
	_ =	sdelay $0x1  }
0x2a0: {  	v27 =	vadd.s32 $0xFFFFFFFF, v27  }
0x2a1: {  	v25 =	vadd.s32 v27, v25;
	_ =	sdelay $0x3  }
0x2a2: {  	v27 =	vpop (erf)  }
0x2a3: {  	[tilespmem:v25+s29+$0x0] =	vst.idx.add.f32.msk vm2, v27  }
0x2a4: {  	v25 =	vld.idx.msk [tilespmem:v26+s31+$0x0], $0xffff;
	_ =	sdelay $0x4  }
0x2a5: {  	v25 =	vnsel vm2, $0x0, v25  }
0x2a6: {  	vm2 =	vgt.s32 v25, $0x0  }
0x2a7: {  	v26 =	vmpcnt.ones.xlane vm2;
	_ =	sdelay $0x1  }
0x2a8: {  	(v2sf) =	vpush v26, $0x0;
	_ =	sdelay $0xe  }
0x2a9: {  	s11 =	spop (v2sf)  }
0x2aa: {  	p2 =	sgt.s32 s11, $0x0  }
.Ltmp17:
0x2ab: {  	_ = 	snop;
	(pc) =	sbr.rel @p2 .LBB2_22-.Ltmp17, $1  }
0x2ac: {  	_ =	sdelay $0x3  }
.LBB2_23:
0x2ad: {  	v25 =	vld [tilespmem:s9+$0x20D0];
	_ =	sdelay $0x1  }
0x2ae: {  	s11 =	sor.u32 $0x50, s10  }
0x2af: {  	v26 =	vor.u32 s11, v1  }
0x2b0: {  	vm2 =	vlt.s32 v26, v24  }
0x2b1: {  	v25 =	vnsel vm2, $0x0, v25  }
0x2b2: {  	vm2 =	vgt.s32 v25, $0x0  }
0x2b3: {  	v26 =	vmpcnt.ones.xlane vm2;
	_ =	sdelay $0x1  }
0x2b4: {  	(v2sf) =	vpush v26, $0x0;
	_ =	sdelay $0xe  }
0x2b5: {  	s11 =	spop (v2sf)  }
0x2b6: {  	p2 =	slt.s32 s11, $0x1  }
.Ltmp18:
0x2b7: {  	_ = 	snop;
	(pc) =	sbr.rel @p2 .LBB2_25-.Ltmp18, $1  }
0x2b8: {  	_ =	sdelay $0x3  }
.LBB2_24:
0x2b9: {  	vm3 =	vgt.s32 v25, $0x1  }
0x2ba: {  	v25 =	vnsel vm3, $0x1, v25  }
0x2bb: {  	v26 =	vadd.s32 $0xFFFFFFFF, v25  }
0x2bc: {  	v27 =	vshll.u32 v26, $0x3  }
0x2bd: {  	v28 =	vand.u32 $0x7F, v26;
	v27 =	vand.u32 $0xFFFFFC00, v27  }
0x2be: {  	v27 =	vor.u32 v28, v27  }
0x2bf: {  	v27 =	vadd.s32 v20, v27;
	_ =	sdelay $0x4  }
0x2c0: {  	v27 =	vld.idx.msk [tilespmem:v27+s7+$0x0], vm2;
	_ =	sdelay $0x4  }
0x2c1: {  	v27 =	vmul.f32 $1.442695020e+00, v27;
	_ =	sdelay $0x1  }
0x2c2: {  	v27 =	vnsel vm2, $0x0, v27  }
0x2c3: {  	(erf) = vpow2.f32 v27;
	_ =	sdelay $0x1  }
0x2c4: {  	v27 =	vmul.u32 $0x100, v1;
	_ =	sdelay $0x1  }
0x2c5: {  	v27 =	vadd.s32 $0xFFFFFFFF, v27  }
0x2c6: {  	v25 =	vadd.s32 v27, v25;
	_ =	sdelay $0x3  }
0x2c7: {  	v27 =	vpop (erf)  }
0x2c8: {  	[tilespmem:v25+s29+$0x0] =	vst.idx.add.f32.msk vm2, v27  }
0x2c9: {  	v25 =	vld.idx.msk [tilespmem:v26+s31+$0x0], $0xffff;
	_ =	sdelay $0x4  }
0x2ca: {  	v25 =	vnsel vm2, $0x0, v25  }
0x2cb: {  	vm2 =	vgt.s32 v25, $0x0  }
0x2cc: {  	v26 =	vmpcnt.ones.xlane vm2;
	_ =	sdelay $0x1  }
0x2cd: {  	(v2sf) =	vpush v26, $0x0;
	_ =	sdelay $0xe  }
0x2ce: {  	s11 =	spop (v2sf)  }
0x2cf: {  	p2 =	sgt.s32 s11, $0x0  }
.Ltmp19:
0x2d0: {  	_ = 	snop;
	(pc) =	sbr.rel @p2 .LBB2_24-.Ltmp19, $1  }
0x2d1: {  	_ =	sdelay $0x3  }
.LBB2_25:
0x2d2: {  	v25 =	vld [tilespmem:s9+$0x20E0];
	_ =	sdelay $0x1  }
0x2d3: {  	s11 =	sor.u32 $0x60, s10  }
0x2d4: {  	v26 =	vor.u32 s11, v1  }
0x2d5: {  	vm2 =	vlt.s32 v26, v24  }
0x2d6: {  	v25 =	vnsel vm2, $0x0, v25  }
0x2d7: {  	vm2 =	vgt.s32 v25, $0x0  }
0x2d8: {  	v26 =	vmpcnt.ones.xlane vm2;
	_ =	sdelay $0x1  }
0x2d9: {  	(v2sf) =	vpush v26, $0x0;
	_ =	sdelay $0xe  }
0x2da: {  	s11 =	spop (v2sf)  }
0x2db: {  	p2 =	slt.s32 s11, $0x1  }
.Ltmp20:
0x2dc: {  	_ = 	snop;
	(pc) =	sbr.rel @p2 .LBB2_27-.Ltmp20, $1  }
0x2dd: {  	_ =	sdelay $0x3  }
.LBB2_26:
0x2de: {  	vm3 =	vgt.s32 v25, $0x1  }
0x2df: {  	v25 =	vnsel vm3, $0x1, v25  }
0x2e0: {  	v26 =	vadd.s32 $0xFFFFFFFF, v25  }
0x2e1: {  	v27 =	vshll.u32 v26, $0x3  }
0x2e2: {  	v28 =	vand.u32 $0x7F, v26;
	v27 =	vand.u32 $0xFFFFFC00, v27  }
0x2e3: {  	v27 =	vor.u32 v28, v27  }
0x2e4: {  	v27 =	vadd.s32 v21, v27;
	_ =	sdelay $0x4  }
0x2e5: {  	v27 =	vld.idx.msk [tilespmem:v27+s7+$0x0], vm2;
	_ =	sdelay $0x4  }
0x2e6: {  	v27 =	vmul.f32 $1.442695020e+00, v27;
	_ =	sdelay $0x1  }
0x2e7: {  	v27 =	vnsel vm2, $0x0, v27  }
0x2e8: {  	(erf) = vpow2.f32 v27;
	_ =	sdelay $0x1  }
0x2e9: {  	v27 =	vmul.u32 $0x100, v1;
	_ =	sdelay $0x1  }
0x2ea: {  	v27 =	vadd.s32 $0xFFFFFFFF, v27  }
0x2eb: {  	v25 =	vadd.s32 v27, v25;
	_ =	sdelay $0x3  }
0x2ec: {  	v27 =	vpop (erf)  }
0x2ed: {  	[tilespmem:v25+s29+$0x0] =	vst.idx.add.f32.msk vm2, v27  }
0x2ee: {  	v25 =	vld.idx.msk [tilespmem:v26+s31+$0x0], $0xffff;
	_ =	sdelay $0x4  }
0x2ef: {  	v25 =	vnsel vm2, $0x0, v25  }
0x2f0: {  	vm2 =	vgt.s32 v25, $0x0  }
0x2f1: {  	v26 =	vmpcnt.ones.xlane vm2;
	_ =	sdelay $0x1  }
0x2f2: {  	(v2sf) =	vpush v26, $0x0;
	_ =	sdelay $0xe  }
0x2f3: {  	s11 =	spop (v2sf)  }
0x2f4: {  	p2 =	sgt.s32 s11, $0x0  }
.Ltmp21:
0x2f5: {  	_ = 	snop;
	(pc) =	sbr.rel @p2 .LBB2_26-.Ltmp21, $1  }
0x2f6: {  	_ =	sdelay $0x3  }
.LBB2_27:
0x2f7: {  	v25 =	vld [tilespmem:s9+$0x20F0];
	_ =	sdelay $0x1  }
0x2f8: {  	s10 =	sor.u32 $0x70, s10  }
0x2f9: {  	v26 =	vor.u32 s10, v1  }
0x2fa: {  	vm2 =	vlt.s32 v26, v24  }
0x2fb: {  	v25 =	vnsel vm2, $0x0, v25  }
0x2fc: {  	vm2 =	vgt.s32 v25, $0x0  }
0x2fd: {  	v26 =	vmpcnt.ones.xlane vm2;
	_ =	sdelay $0x1  }
0x2fe: {  	(v2sf) =	vpush v26, $0x0;
	_ =	sdelay $0xe  }
0x2ff: {  	s11 =	spop (v2sf)  }
0x300: {  	p2 =	slt.s32 s11, $0x1  }
.Ltmp22:
0x301: {  	_ = 	snop;
	(pc) =	sbr.rel @p2 .LBB2_29-.Ltmp22, $1  }
0x302: {  	_ =	sdelay $0x3  }
.LBB2_28:
0x303: {  	vm3 =	vgt.s32 v25, $0x1  }
0x304: {  	v25 =	vnsel vm3, $0x1, v25  }
0x305: {  	v26 =	vadd.s32 $0xFFFFFFFF, v25  }
0x306: {  	v27 =	vshll.u32 v26, $0x3  }
0x307: {  	v28 =	vand.u32 $0x7F, v26;
	v27 =	vand.u32 $0xFFFFFC00, v27  }
0x308: {  	v27 =	vor.u32 v28, v27  }
0x309: {  	v27 =	vadd.s32 v22, v27;
	_ =	sdelay $0x4  }
0x30a: {  	v27 =	vld.idx.msk [tilespmem:v27+s7+$0x0], vm2;
	_ =	sdelay $0x4  }
0x30b: {  	v27 =	vmul.f32 $1.442695020e+00, v27;
	_ =	sdelay $0x1  }
0x30c: {  	v27 =	vnsel vm2, $0x0, v27  }
0x30d: {  	(erf) = vpow2.f32 v27;
	_ =	sdelay $0x1  }
0x30e: {  	v27 =	vmul.u32 $0x100, v1;
	_ =	sdelay $0x1  }
0x30f: {  	v27 =	vadd.s32 $0xFFFFFFFF, v27  }
0x310: {  	v25 =	vadd.s32 v27, v25;
	_ =	sdelay $0x3  }
0x311: {  	v27 =	vpop (erf)  }
0x312: {  	[tilespmem:v25+s29+$0x0] =	vst.idx.add.f32.msk vm2, v27  }
0x313: {  	v25 =	vld.idx.msk [tilespmem:v26+s31+$0x0], $0xffff;
	_ =	sdelay $0x4  }
0x314: {  	v25 =	vnsel vm2, $0x0, v25  }
0x315: {  	vm2 =	vgt.s32 v25, $0x0  }
0x316: {  	v26 =	vmpcnt.ones.xlane vm2;
	_ =	sdelay $0x1  }
0x317: {  	(v2sf) =	vpush v26, $0x0;
	_ =	sdelay $0xe  }
0x318: {  	s9 =	spop (v2sf)  }
0x319: {  	p2 =	sgt.s32 s9, $0x0  }
.Ltmp23:
0x31a: {  	_ = 	snop;
	(pc) =	sbr.rel @p2 .LBB2_28-.Ltmp23, $1  }
0x31b: {  	_ =	sdelay $0x3  }
.LBB2_29:
0x31c: {  	s28 =	sadd.s32 $0x2, s28  }
0x31d: {  	p2 =	sge.s32 s28, s26  }
.Ltmp24:
0x31e: {  	_ = 	snop;
	(pc) =	sbr.rel @p2 .LBB2_31-.Ltmp24, $1  }
0x31f: {  	_ =	sdelay $0x3  }
0x320: {  	s9 =	sshll.u32 s28, $0x9  }
0x321: {  	s9 =	sshra.s32 s9, $0x2  }
0x322: {  	v25 =	vld [tilespmem:s9+$0x1380];
	_ =	sdelay $0x4  }
0x323: {  	v26 =	vshll.u32 v25, $0x1  }
0x324: {  	v25 =	vand.u32 $0x7, v25;
	v26 =	vand.u32 $0xFFFFFFF0, v26  }
0x325: {  	v25 =	vor.u32 v25, v26  }
0x326: {  	v26 =	vperm.xlane v25, v14;
	_ =	sdelay $0x1  }
0x327: {  	v25 =	vperm.xlane v25, v23;
	v26 =	vadd.s32 v15, v26;
	_ =	sdelay $0x1  }
0x328: {  	v25 =	vadd.s32 v15, v25;
	_ =	sdelay $0x2  }
0x329: {  	[tilespmem:s7], [sflag:$0x2] =	stream.indirect_vreg.gather [hbm4b:s2+s6], $0x80, v26, vm1, $0xb8;
	[tilespmem:$0x15080] =	vst v63  }
0x32a: {  	s10 =	simm.s32 $0x3580  }
0x32b: {  	[tilespmem:s10], [sflag:$0x2] =	stream.indirect_vreg.gather [hbm4b:s2+s6], $0x80, v25, vm1, $0xb8;
	[tilespmem:$0x15080] =	vst v63  }
0x32c: {  	v25 =	vld [tilespmem:s9+$0x1390];
	_ =	sdelay $0x4  }
0x32d: {  	v26 =	vshll.u32 v25, $0x1  }
0x32e: {  	v25 =	vand.u32 $0x7, v25;
	v26 =	vand.u32 $0xFFFFFFF0, v26  }
0x32f: {  	v25 =	vor.u32 v25, v26  }
0x330: {  	v26 =	vperm.xlane v25, v14;
	_ =	sdelay $0x1  }
0x331: {  	v25 =	vperm.xlane v25, v23;
	v26 =	vadd.s32 v15, v26;
	_ =	sdelay $0x1  }
0x332: {  	v25 =	vadd.s32 v15, v25;
	_ =	sdelay $0x1  }
0x333: {  	s11 =	simm.s32 $0x3D80  }
0x334: {  	[tilespmem:s11], [sflag:$0x2] =	stream.indirect_vreg.gather [hbm4b:s2+s6], $0x80, v26, vm1, $0xb8;
	[tilespmem:$0x15080] =	vst v63  }
0x335: {  	s11 =	simm.s32 $0x4580  }
0x336: {  	[tilespmem:s11], [sflag:$0x2] =	stream.indirect_vreg.gather [hbm4b:s2+s6], $0x80, v25, vm1, $0xb8;
	[tilespmem:$0x15080] =	vst v63  }
0x337: {  	v25 =	vld [tilespmem:s9+$0x13A0];
	_ =	sdelay $0x4  }
0x338: {  	v26 =	vshll.u32 v25, $0x1  }
0x339: {  	v25 =	vand.u32 $0x7, v25;
	v26 =	vand.u32 $0xFFFFFFF0, v26  }
0x33a: {  	v25 =	vor.u32 v25, v26  }
0x33b: {  	v26 =	vperm.xlane v25, v14;
	_ =	sdelay $0x1  }
0x33c: {  	v25 =	vperm.xlane v25, v23;
	v26 =	vadd.s32 v15, v26;
	_ =	sdelay $0x1  }
0x33d: {  	v25 =	vadd.s32 v15, v25;
	_ =	sdelay $0x2  }
0x33e: {  	[tilespmem:s12], [sflag:$0x2] =	stream.indirect_vreg.gather [hbm4b:s2+s6], $0x80, v26, vm1, $0xb8;
	[tilespmem:$0x15080] =	vst v63  }
0x33f: {  	_ = 	snop  }
0x340: {  	[tilespmem:s13], [sflag:$0x2] =	stream.indirect_vreg.gather [hbm4b:s2+s6], $0x80, v25, vm1, $0xb8;
	[tilespmem:$0x15080] =	vst v63  }
0x341: {  	v25 =	vld [tilespmem:s9+$0x13B0];
	_ =	sdelay $0x4  }
0x342: {  	v26 =	vshll.u32 v25, $0x1  }
0x343: {  	v25 =	vand.u32 $0x7, v25;
	v26 =	vand.u32 $0xFFFFFFF0, v26  }
0x344: {  	v25 =	vor.u32 v25, v26  }
0x345: {  	v26 =	vperm.xlane v25, v14;
	_ =	sdelay $0x1  }
0x346: {  	v25 =	vperm.xlane v25, v23;
	v26 =	vadd.s32 v15, v26;
	_ =	sdelay $0x1  }
0x347: {  	v25 =	vadd.s32 v15, v25;
	_ =	sdelay $0x2  }
0x348: {  	[tilespmem:s14], [sflag:$0x2] =	stream.indirect_vreg.gather [hbm4b:s2+s6], $0x80, v26, vm1, $0xb8;
	[tilespmem:$0x15080] =	vst v63  }
0x349: {  	_ = 	snop  }
0x34a: {  	[tilespmem:s15], [sflag:$0x2] =	stream.indirect_vreg.gather [hbm4b:s2+s6], $0x80, v25, vm1, $0xb8;
	[tilespmem:$0x15080] =	vst v63  }
0x34b: {  	v25 =	vld [tilespmem:s9+$0x13C0];
	_ =	sdelay $0x4  }
0x34c: {  	v26 =	vshll.u32 v25, $0x1  }
0x34d: {  	v25 =	vand.u32 $0x7, v25;
	v26 =	vand.u32 $0xFFFFFFF0, v26  }
0x34e: {  	v25 =	vor.u32 v25, v26  }
0x34f: {  	v26 =	vperm.xlane v25, v14;
	_ =	sdelay $0x1  }
0x350: {  	v25 =	vperm.xlane v25, v23;
	v26 =	vadd.s32 v15, v26;
	_ =	sdelay $0x1  }
0x351: {  	v25 =	vadd.s32 v15, v25;
	_ =	sdelay $0x2  }
0x352: {  	[tilespmem:s16], [sflag:$0x2] =	stream.indirect_vreg.gather [hbm4b:s2+s6], $0x80, v26, vm1, $0xb8;
	[tilespmem:$0x15080] =	vst v63  }
0x353: {  	_ = 	snop  }
0x354: {  	[tilespmem:s17], [sflag:$0x2] =	stream.indirect_vreg.gather [hbm4b:s2+s6], $0x80, v25, vm1, $0xb8;
	[tilespmem:$0x15080] =	vst v63  }
0x355: {  	v25 =	vld [tilespmem:s9+$0x13D0];
	_ =	sdelay $0x4  }
0x356: {  	v26 =	vshll.u32 v25, $0x1  }
0x357: {  	v25 =	vand.u32 $0x7, v25;
	v26 =	vand.u32 $0xFFFFFFF0, v26  }
0x358: {  	v25 =	vor.u32 v25, v26  }
0x359: {  	v26 =	vperm.xlane v25, v14;
	_ =	sdelay $0x1  }
0x35a: {  	v25 =	vperm.xlane v25, v23;
	v26 =	vadd.s32 v15, v26;
	_ =	sdelay $0x1  }
0x35b: {  	v25 =	vadd.s32 v15, v25;
	_ =	sdelay $0x2  }
0x35c: {  	[tilespmem:s18], [sflag:$0x2] =	stream.indirect_vreg.gather [hbm4b:s2+s6], $0x80, v26, vm1, $0xb8;
	[tilespmem:$0x15080] =	vst v63  }
0x35d: {  	_ = 	snop  }
0x35e: {  	[tilespmem:s30], [sflag:$0x2] =	stream.indirect_vreg.gather [hbm4b:s2+s6], $0x80, v25, vm1, $0xb8;
	[tilespmem:$0x15080] =	vst v63  }
0x35f: {  	v25 =	vld [tilespmem:s9+$0x13E0];
	_ =	sdelay $0x4  }
0x360: {  	v26 =	vshll.u32 v25, $0x1  }
0x361: {  	v25 =	vand.u32 $0x7, v25;
	v26 =	vand.u32 $0xFFFFFFF0, v26  }
0x362: {  	v25 =	vor.u32 v25, v26  }
0x363: {  	v26 =	vperm.xlane v25, v14;
	_ =	sdelay $0x1  }
0x364: {  	v25 =	vperm.xlane v25, v23;
	v26 =	vadd.s32 v15, v26;
	_ =	sdelay $0x1  }
0x365: {  	v25 =	vadd.s32 v15, v25;
	_ =	sdelay $0x2  }
0x366: {  	[tilespmem:s19], [sflag:$0x2] =	stream.indirect_vreg.gather [hbm4b:s2+s6], $0x80, v26, vm1, $0xb8;
	[tilespmem:$0x15080] =	vst v63  }
0x367: {  	_ = 	snop  }
0x368: {  	[tilespmem:s20], [sflag:$0x2] =	stream.indirect_vreg.gather [hbm4b:s2+s6], $0x80, v25, vm1, $0xb8;
	[tilespmem:$0x15080] =	vst v63  }
0x369: {  	v25 =	vld [tilespmem:s9+$0x13F0];
	_ =	sdelay $0x4  }
0x36a: {  	v26 =	vshll.u32 v25, $0x1  }
0x36b: {  	v25 =	vand.u32 $0x7, v25;
	v26 =	vand.u32 $0xFFFFFFF0, v26  }
0x36c: {  	v25 =	vor.u32 v25, v26  }
0x36d: {  	v26 =	vperm.xlane v25, v14;
	_ =	sdelay $0x1  }
0x36e: {  	v25 =	vperm.xlane v25, v23;
	v26 =	vadd.s32 v15, v26;
	_ =	sdelay $0x1  }
0x36f: {  	v25 =	vadd.s32 v15, v25;
	_ =	sdelay $0x2  }
0x370: {  	[tilespmem:s21], [sflag:$0x2] =	stream.indirect_vreg.gather [hbm4b:s2+s6], $0x80, v26, vm1, $0xb8;
	[tilespmem:$0x15080] =	vst v63  }
0x371: {  	_ = 	snop  }
0x372: {  	[tilespmem:s22], [sflag:$0x2] =	stream.indirect_vreg.gather [hbm4b:s2+s6], $0x80, v25, vm1, $0xb8;
	[tilespmem:$0x15080] =	vst v63  }
.LBB2_31:
.Ltmp25:
0x373: {  	(pc) =	sbr.rel @p1 .LBB2_48-.Ltmp25, $1  }
0x374: {  	_ =	sdelay $0x3  }
0x375: {  	_ =	swait.ge [sflag:s3], $0x8000  }
0x376: {  	[sflag:s3] =	ssyncset.done $0x0  }
0x377: {  	s4 =	sshra.s32 s4, $0x2;
	[sflag:s3] =	ssyncadd.s32 $0xFFFF8000  }
0x378: {  	v25 =	vld [tilespmem:s4+$0x2080];
	_ =	sdelay $0x1  }
0x379: {  	s8 =	sshll.u32 s8, $0x7  }
0x37a: {  	v26 =	vor.u32 s8, v1  }
0x37b: {  	vm2 =	vlt.s32 v26, v24  }
0x37c: {  	v25 =	vnsel vm2, $0x0, v25  }
0x37d: {  	vm2 =	vgt.s32 v25, $0x0  }
0x37e: {  	v26 =	vmpcnt.ones.xlane vm2;
	_ =	sdelay $0x1  }
0x37f: {  	(v2sf) =	vpush v26, $0x0;
	_ =	sdelay $0xe  }
0x380: {  	s9 =	spop (v2sf)  }
0x381: {  	p1 =	slt.s32 s9, $0x1  }
.Ltmp26:
0x382: {  	_ = 	snop;
	(pc) =	sbr.rel @p1 .LBB2_34-.Ltmp26, $1  }
0x383: {  	_ =	sdelay $0x3  }
.LBB2_33:
0x384: {  	vm3 =	vgt.s32 v25, $0x1  }
0x385: {  	v25 =	vnsel vm3, $0x1, v25  }
0x386: {  	v26 =	vadd.s32 $0xFFFFFFFF, v25  }
0x387: {  	v27 =	vshll.u32 v26, $0x3  }
0x388: {  	v28 =	vand.u32 $0x7F, v26;
	v27 =	vand.u32 $0xFFFFFC00, v27  }
0x389: {  	v27 =	vor.u32 v28, v27  }
0x38a: {  	v27 =	vadd.s32 v10, v27;
	_ =	sdelay $0x4  }
0x38b: {  	v27 =	vld.idx.msk [tilespmem:v27+s23+$0x0], vm2;
	_ =	sdelay $0x4  }
0x38c: {  	v27 =	vmul.f32 $1.442695020e+00, v27;
	_ =	sdelay $0x1  }
0x38d: {  	v27 =	vnsel vm2, $0x0, v27  }
0x38e: {  	(erf) = vpow2.f32 v27;
	_ =	sdelay $0x1  }
0x38f: {  	v27 =	vmul.u32 $0x100, v1;
	_ =	sdelay $0x1  }
0x390: {  	v27 =	vadd.s32 $0xFFFFFFFF, v27  }
0x391: {  	v25 =	vadd.s32 v27, v25;
	_ =	sdelay $0x3  }
0x392: {  	v27 =	vpop (erf)  }
0x393: {  	[tilespmem:v25+s29+$0x0] =	vst.idx.add.f32.msk vm2, v27  }
0x394: {  	v25 =	vld.idx.msk [tilespmem:v26+s31+$0x0], $0xffff;
	_ =	sdelay $0x4  }
0x395: {  	v25 =	vnsel vm2, $0x0, v25  }
0x396: {  	vm2 =	vgt.s32 v25, $0x0  }
0x397: {  	v26 =	vmpcnt.ones.xlane vm2;
	_ =	sdelay $0x1  }
0x398: {  	(v2sf) =	vpush v26, $0x0;
	_ =	sdelay $0xe  }
0x399: {  	s9 =	spop (v2sf)  }
0x39a: {  	p1 =	sgt.s32 s9, $0x0  }
.Ltmp27:
0x39b: {  	_ = 	snop;
	(pc) =	sbr.rel @p1 .LBB2_33-.Ltmp27, $1  }
0x39c: {  	_ =	sdelay $0x3  }
.LBB2_34:
0x39d: {  	v25 =	vld [tilespmem:s4+$0x2090];
	_ =	sdelay $0x1  }
0x39e: {  	s9 =	sor.u32 $0x10, s8  }
0x39f: {  	v26 =	vor.u32 s9, v1  }
0x3a0: {  	vm2 =	vlt.s32 v26, v24  }
0x3a1: {  	v25 =	vnsel vm2, $0x0, v25  }
0x3a2: {  	vm2 =	vgt.s32 v25, $0x0  }
0x3a3: {  	v26 =	vmpcnt.ones.xlane vm2;
	_ =	sdelay $0x1  }
0x3a4: {  	(v2sf) =	vpush v26, $0x0;
	_ =	sdelay $0xe  }
0x3a5: {  	s11 =	spop (v2sf)  }
0x3a6: {  	p1 =	slt.s32 s11, $0x1  }
.Ltmp28:
0x3a7: {  	_ = 	snop;
	(pc) =	sbr.rel @p1 .LBB2_36-.Ltmp28, $1  }
0x3a8: {  	_ =	sdelay $0x3  }
.LBB2_35:
0x3a9: {  	vm3 =	vgt.s32 v25, $0x1  }
0x3aa: {  	v25 =	vnsel vm3, $0x1, v25  }
0x3ab: {  	v26 =	vadd.s32 $0xFFFFFFFF, v25  }
0x3ac: {  	v27 =	vshll.u32 v26, $0x3  }
0x3ad: {  	v28 =	vand.u32 $0x7F, v26;
	v27 =	vand.u32 $0xFFFFFC00, v27  }
0x3ae: {  	v27 =	vor.u32 v28, v27  }
0x3af: {  	v27 =	vadd.s32 v16, v27;
	_ =	sdelay $0x4  }
0x3b0: {  	v27 =	vld.idx.msk [tilespmem:v27+s23+$0x0], vm2;
	_ =	sdelay $0x4  }
0x3b1: {  	v27 =	vmul.f32 $1.442695020e+00, v27;
	_ =	sdelay $0x1  }
0x3b2: {  	v27 =	vnsel vm2, $0x0, v27  }
0x3b3: {  	(erf) = vpow2.f32 v27;
	_ =	sdelay $0x1  }
0x3b4: {  	v27 =	vmul.u32 $0x100, v1;
	_ =	sdelay $0x1  }
0x3b5: {  	v27 =	vadd.s32 $0xFFFFFFFF, v27  }
0x3b6: {  	v25 =	vadd.s32 v27, v25;
	_ =	sdelay $0x3  }
0x3b7: {  	v27 =	vpop (erf)  }
0x3b8: {  	[tilespmem:v25+s29+$0x0] =	vst.idx.add.f32.msk vm2, v27  }
0x3b9: {  	v25 =	vld.idx.msk [tilespmem:v26+s31+$0x0], $0xffff;
	_ =	sdelay $0x4  }
0x3ba: {  	v25 =	vnsel vm2, $0x0, v25  }
0x3bb: {  	vm2 =	vgt.s32 v25, $0x0  }
0x3bc: {  	v26 =	vmpcnt.ones.xlane vm2;
	_ =	sdelay $0x1  }
0x3bd: {  	(v2sf) =	vpush v26, $0x0;
	_ =	sdelay $0xe  }
0x3be: {  	s9 =	spop (v2sf)  }
0x3bf: {  	p1 =	sgt.s32 s9, $0x0  }
.Ltmp29:
0x3c0: {  	_ = 	snop;
	(pc) =	sbr.rel @p1 .LBB2_35-.Ltmp29, $1  }
0x3c1: {  	_ =	sdelay $0x3  }
.LBB2_36:
0x3c2: {  	v25 =	vld [tilespmem:s4+$0x20A0];
	_ =	sdelay $0x1  }
0x3c3: {  	s9 =	sor.u32 $0x20, s8  }
0x3c4: {  	v26 =	vor.u32 s9, v1  }
0x3c5: {  	vm2 =	vlt.s32 v26, v24  }
0x3c6: {  	v25 =	vnsel vm2, $0x0, v25  }
0x3c7: {  	vm2 =	vgt.s32 v25, $0x0  }
0x3c8: {  	v26 =	vmpcnt.ones.xlane vm2;
	_ =	sdelay $0x1  }
0x3c9: {  	(v2sf) =	vpush v26, $0x0;
	_ =	sdelay $0xe  }
0x3ca: {  	s11 =	spop (v2sf)  }
0x3cb: {  	p1 =	slt.s32 s11, $0x1  }
.Ltmp30:
0x3cc: {  	_ = 	snop;
	(pc) =	sbr.rel @p1 .LBB2_38-.Ltmp30, $1  }
0x3cd: {  	_ =	sdelay $0x3  }
.LBB2_37:
0x3ce: {  	vm3 =	vgt.s32 v25, $0x1  }
0x3cf: {  	v25 =	vnsel vm3, $0x1, v25  }
0x3d0: {  	v26 =	vadd.s32 $0xFFFFFFFF, v25  }
0x3d1: {  	v27 =	vshll.u32 v26, $0x3  }
0x3d2: {  	v28 =	vand.u32 $0x7F, v26;
	v27 =	vand.u32 $0xFFFFFC00, v27  }
0x3d3: {  	v27 =	vor.u32 v28, v27  }
0x3d4: {  	v27 =	vadd.s32 v17, v27;
	_ =	sdelay $0x4  }
0x3d5: {  	v27 =	vld.idx.msk [tilespmem:v27+s23+$0x0], vm2;
	_ =	sdelay $0x4  }
0x3d6: {  	v27 =	vmul.f32 $1.442695020e+00, v27;
	_ =	sdelay $0x1  }
0x3d7: {  	v27 =	vnsel vm2, $0x0, v27  }
0x3d8: {  	(erf) = vpow2.f32 v27;
	_ =	sdelay $0x1  }
0x3d9: {  	v27 =	vmul.u32 $0x100, v1;
	_ =	sdelay $0x1  }
0x3da: {  	v27 =	vadd.s32 $0xFFFFFFFF, v27  }
0x3db: {  	v25 =	vadd.s32 v27, v25;
	_ =	sdelay $0x3  }
0x3dc: {  	v27 =	vpop (erf)  }
0x3dd: {  	[tilespmem:v25+s29+$0x0] =	vst.idx.add.f32.msk vm2, v27  }
0x3de: {  	v25 =	vld.idx.msk [tilespmem:v26+s31+$0x0], $0xffff;
	_ =	sdelay $0x4  }
0x3df: {  	v25 =	vnsel vm2, $0x0, v25  }
0x3e0: {  	vm2 =	vgt.s32 v25, $0x0  }
0x3e1: {  	v26 =	vmpcnt.ones.xlane vm2;
	_ =	sdelay $0x1  }
0x3e2: {  	(v2sf) =	vpush v26, $0x0;
	_ =	sdelay $0xe  }
0x3e3: {  	s9 =	spop (v2sf)  }
0x3e4: {  	p1 =	sgt.s32 s9, $0x0  }
.Ltmp31:
0x3e5: {  	_ = 	snop;
	(pc) =	sbr.rel @p1 .LBB2_37-.Ltmp31, $1  }
0x3e6: {  	_ =	sdelay $0x3  }
.LBB2_38:
0x3e7: {  	v25 =	vld [tilespmem:s4+$0x20B0];
	_ =	sdelay $0x1  }
0x3e8: {  	s9 =	sor.u32 $0x30, s8  }
0x3e9: {  	v26 =	vor.u32 s9, v1  }
0x3ea: {  	vm2 =	vlt.s32 v26, v24  }
0x3eb: {  	v25 =	vnsel vm2, $0x0, v25  }
0x3ec: {  	vm2 =	vgt.s32 v25, $0x0  }
0x3ed: {  	v26 =	vmpcnt.ones.xlane vm2;
	_ =	sdelay $0x1  }
0x3ee: {  	(v2sf) =	vpush v26, $0x0;
	_ =	sdelay $0xe  }
0x3ef: {  	s11 =	spop (v2sf)  }
0x3f0: {  	p1 =	slt.s32 s11, $0x1  }
.Ltmp32:
0x3f1: {  	_ = 	snop;
	(pc) =	sbr.rel @p1 .LBB2_40-.Ltmp32, $1  }
0x3f2: {  	_ =	sdelay $0x3  }
.LBB2_39:
0x3f3: {  	vm3 =	vgt.s32 v25, $0x1  }
0x3f4: {  	v25 =	vnsel vm3, $0x1, v25  }
0x3f5: {  	v26 =	vadd.s32 $0xFFFFFFFF, v25  }
0x3f6: {  	v27 =	vshll.u32 v26, $0x3  }
0x3f7: {  	v28 =	vand.u32 $0x7F, v26;
	v27 =	vand.u32 $0xFFFFFC00, v27  }
0x3f8: {  	v27 =	vor.u32 v28, v27  }
0x3f9: {  	v27 =	vadd.s32 v18, v27;
	_ =	sdelay $0x4  }
0x3fa: {  	v27 =	vld.idx.msk [tilespmem:v27+s23+$0x0], vm2;
	_ =	sdelay $0x4  }
0x3fb: {  	v27 =	vmul.f32 $1.442695020e+00, v27;
	_ =	sdelay $0x1  }
0x3fc: {  	v27 =	vnsel vm2, $0x0, v27  }
0x3fd: {  	(erf) = vpow2.f32 v27;
	_ =	sdelay $0x1  }
0x3fe: {  	v27 =	vmul.u32 $0x100, v1;
	_ =	sdelay $0x1  }
0x3ff: {  	v27 =	vadd.s32 $0xFFFFFFFF, v27  }
0x400: {  	v25 =	vadd.s32 v27, v25;
	_ =	sdelay $0x3  }
0x401: {  	v27 =	vpop (erf)  }
0x402: {  	[tilespmem:v25+s29+$0x0] =	vst.idx.add.f32.msk vm2, v27  }
0x403: {  	v25 =	vld.idx.msk [tilespmem:v26+s31+$0x0], $0xffff;
	_ =	sdelay $0x4  }
0x404: {  	v25 =	vnsel vm2, $0x0, v25  }
0x405: {  	vm2 =	vgt.s32 v25, $0x0  }
0x406: {  	v26 =	vmpcnt.ones.xlane vm2;
	_ =	sdelay $0x1  }
0x407: {  	(v2sf) =	vpush v26, $0x0;
	_ =	sdelay $0xe  }
0x408: {  	s9 =	spop (v2sf)  }
0x409: {  	p1 =	sgt.s32 s9, $0x0  }
.Ltmp33:
0x40a: {  	_ = 	snop;
	(pc) =	sbr.rel @p1 .LBB2_39-.Ltmp33, $1  }
0x40b: {  	_ =	sdelay $0x3  }
.LBB2_40:
0x40c: {  	v25 =	vld [tilespmem:s4+$0x20C0];
	_ =	sdelay $0x1  }
0x40d: {  	s9 =	sor.u32 $0x40, s8  }
0x40e: {  	v26 =	vor.u32 s9, v1  }
0x40f: {  	vm2 =	vlt.s32 v26, v24  }
0x410: {  	v25 =	vnsel vm2, $0x0, v25  }
0x411: {  	vm2 =	vgt.s32 v25, $0x0  }
0x412: {  	v26 =	vmpcnt.ones.xlane vm2;
	_ =	sdelay $0x1  }
0x413: {  	(v2sf) =	vpush v26, $0x0;
	_ =	sdelay $0xe  }
0x414: {  	s11 =	spop (v2sf)  }
0x415: {  	p1 =	slt.s32 s11, $0x1  }
.Ltmp34:
0x416: {  	_ = 	snop;
	(pc) =	sbr.rel @p1 .LBB2_42-.Ltmp34, $1  }
0x417: {  	_ =	sdelay $0x3  }
.LBB2_41:
0x418: {  	vm3 =	vgt.s32 v25, $0x1  }
0x419: {  	v25 =	vnsel vm3, $0x1, v25  }
0x41a: {  	v26 =	vadd.s32 $0xFFFFFFFF, v25  }
0x41b: {  	v27 =	vshll.u32 v26, $0x3  }
0x41c: {  	v28 =	vand.u32 $0x7F, v26;
	v27 =	vand.u32 $0xFFFFFC00, v27  }
0x41d: {  	v27 =	vor.u32 v28, v27  }
0x41e: {  	v27 =	vadd.s32 v19, v27;
	_ =	sdelay $0x4  }
0x41f: {  	v27 =	vld.idx.msk [tilespmem:v27+s23+$0x0], vm2;
	_ =	sdelay $0x4  }
0x420: {  	v27 =	vmul.f32 $1.442695020e+00, v27;
	_ =	sdelay $0x1  }
0x421: {  	v27 =	vnsel vm2, $0x0, v27  }
0x422: {  	(erf) = vpow2.f32 v27;
	_ =	sdelay $0x1  }
0x423: {  	v27 =	vmul.u32 $0x100, v1;
	_ =	sdelay $0x1  }
0x424: {  	v27 =	vadd.s32 $0xFFFFFFFF, v27  }
0x425: {  	v25 =	vadd.s32 v27, v25;
	_ =	sdelay $0x3  }
0x426: {  	v27 =	vpop (erf)  }
0x427: {  	[tilespmem:v25+s29+$0x0] =	vst.idx.add.f32.msk vm2, v27  }
0x428: {  	v25 =	vld.idx.msk [tilespmem:v26+s31+$0x0], $0xffff;
	_ =	sdelay $0x4  }
0x429: {  	v25 =	vnsel vm2, $0x0, v25  }
0x42a: {  	vm2 =	vgt.s32 v25, $0x0  }
0x42b: {  	v26 =	vmpcnt.ones.xlane vm2;
	_ =	sdelay $0x1  }
0x42c: {  	(v2sf) =	vpush v26, $0x0;
	_ =	sdelay $0xe  }
0x42d: {  	s9 =	spop (v2sf)  }
0x42e: {  	p1 =	sgt.s32 s9, $0x0  }
.Ltmp35:
0x42f: {  	_ = 	snop;
	(pc) =	sbr.rel @p1 .LBB2_41-.Ltmp35, $1  }
0x430: {  	_ =	sdelay $0x3  }
.LBB2_42:
0x431: {  	v25 =	vld [tilespmem:s4+$0x20D0];
	_ =	sdelay $0x1  }
0x432: {  	s9 =	sor.u32 $0x50, s8  }
0x433: {  	v26 =	vor.u32 s9, v1  }
0x434: {  	vm2 =	vlt.s32 v26, v24  }
0x435: {  	v25 =	vnsel vm2, $0x0, v25  }
0x436: {  	vm2 =	vgt.s32 v25, $0x0  }
0x437: {  	v26 =	vmpcnt.ones.xlane vm2;
	_ =	sdelay $0x1  }
0x438: {  	(v2sf) =	vpush v26, $0x0;
	_ =	sdelay $0xe  }
0x439: {  	s11 =	spop (v2sf)  }
0x43a: {  	p1 =	slt.s32 s11, $0x1  }
.Ltmp36:
0x43b: {  	_ = 	snop;
	(pc) =	sbr.rel @p1 .LBB2_44-.Ltmp36, $1  }
0x43c: {  	_ =	sdelay $0x3  }
.LBB2_43:
0x43d: {  	vm3 =	vgt.s32 v25, $0x1  }
0x43e: {  	v25 =	vnsel vm3, $0x1, v25  }
0x43f: {  	v26 =	vadd.s32 $0xFFFFFFFF, v25  }
0x440: {  	v27 =	vshll.u32 v26, $0x3  }
0x441: {  	v28 =	vand.u32 $0x7F, v26;
	v27 =	vand.u32 $0xFFFFFC00, v27  }
0x442: {  	v27 =	vor.u32 v28, v27  }
0x443: {  	v27 =	vadd.s32 v20, v27;
	_ =	sdelay $0x4  }
0x444: {  	v27 =	vld.idx.msk [tilespmem:v27+s23+$0x0], vm2;
	_ =	sdelay $0x4  }
0x445: {  	v27 =	vmul.f32 $1.442695020e+00, v27;
	_ =	sdelay $0x1  }
0x446: {  	v27 =	vnsel vm2, $0x0, v27  }
0x447: {  	(erf) = vpow2.f32 v27;
	_ =	sdelay $0x1  }
0x448: {  	v27 =	vmul.u32 $0x100, v1;
	_ =	sdelay $0x1  }
0x449: {  	v27 =	vadd.s32 $0xFFFFFFFF, v27  }
0x44a: {  	v25 =	vadd.s32 v27, v25;
	_ =	sdelay $0x3  }
0x44b: {  	v27 =	vpop (erf)  }
0x44c: {  	[tilespmem:v25+s29+$0x0] =	vst.idx.add.f32.msk vm2, v27  }
0x44d: {  	v25 =	vld.idx.msk [tilespmem:v26+s31+$0x0], $0xffff;
	_ =	sdelay $0x4  }
0x44e: {  	v25 =	vnsel vm2, $0x0, v25  }
0x44f: {  	vm2 =	vgt.s32 v25, $0x0  }
0x450: {  	v26 =	vmpcnt.ones.xlane vm2;
	_ =	sdelay $0x1  }
0x451: {  	(v2sf) =	vpush v26, $0x0;
	_ =	sdelay $0xe  }
0x452: {  	s9 =	spop (v2sf)  }
0x453: {  	p1 =	sgt.s32 s9, $0x0  }
.Ltmp37:
0x454: {  	_ = 	snop;
	(pc) =	sbr.rel @p1 .LBB2_43-.Ltmp37, $1  }
0x455: {  	_ =	sdelay $0x3  }
.LBB2_44:
0x456: {  	v25 =	vld [tilespmem:s4+$0x20E0];
	_ =	sdelay $0x1  }
0x457: {  	s9 =	sor.u32 $0x60, s8  }
0x458: {  	v26 =	vor.u32 s9, v1  }
0x459: {  	vm2 =	vlt.s32 v26, v24  }
0x45a: {  	v25 =	vnsel vm2, $0x0, v25  }
0x45b: {  	vm2 =	vgt.s32 v25, $0x0  }
0x45c: {  	v26 =	vmpcnt.ones.xlane vm2;
	_ =	sdelay $0x1  }
0x45d: {  	(v2sf) =	vpush v26, $0x0;
	_ =	sdelay $0xe  }
0x45e: {  	s11 =	spop (v2sf)  }
0x45f: {  	p1 =	slt.s32 s11, $0x1  }
.Ltmp38:
0x460: {  	_ = 	snop;
	(pc) =	sbr.rel @p1 .LBB2_46-.Ltmp38, $1  }
0x461: {  	_ =	sdelay $0x3  }
.LBB2_45:
0x462: {  	vm3 =	vgt.s32 v25, $0x1  }
0x463: {  	v25 =	vnsel vm3, $0x1, v25  }
0x464: {  	v26 =	vadd.s32 $0xFFFFFFFF, v25  }
0x465: {  	v27 =	vshll.u32 v26, $0x3  }
0x466: {  	v28 =	vand.u32 $0x7F, v26;
	v27 =	vand.u32 $0xFFFFFC00, v27  }
0x467: {  	v27 =	vor.u32 v28, v27  }
0x468: {  	v27 =	vadd.s32 v21, v27;
	_ =	sdelay $0x4  }
0x469: {  	v27 =	vld.idx.msk [tilespmem:v27+s23+$0x0], vm2;
	_ =	sdelay $0x4  }
0x46a: {  	v27 =	vmul.f32 $1.442695020e+00, v27;
	_ =	sdelay $0x1  }
0x46b: {  	v27 =	vnsel vm2, $0x0, v27  }
0x46c: {  	(erf) = vpow2.f32 v27;
	_ =	sdelay $0x1  }
0x46d: {  	v27 =	vmul.u32 $0x100, v1;
	_ =	sdelay $0x1  }
0x46e: {  	v27 =	vadd.s32 $0xFFFFFFFF, v27  }
0x46f: {  	v25 =	vadd.s32 v27, v25;
	_ =	sdelay $0x3  }
0x470: {  	v27 =	vpop (erf)  }
0x471: {  	[tilespmem:v25+s29+$0x0] =	vst.idx.add.f32.msk vm2, v27  }
0x472: {  	v25 =	vld.idx.msk [tilespmem:v26+s31+$0x0], $0xffff;
	_ =	sdelay $0x4  }
0x473: {  	v25 =	vnsel vm2, $0x0, v25  }
0x474: {  	vm2 =	vgt.s32 v25, $0x0  }
0x475: {  	v26 =	vmpcnt.ones.xlane vm2;
	_ =	sdelay $0x1  }
0x476: {  	(v2sf) =	vpush v26, $0x0;
	_ =	sdelay $0xe  }
0x477: {  	s9 =	spop (v2sf)  }
0x478: {  	p1 =	sgt.s32 s9, $0x0  }
.Ltmp39:
0x479: {  	_ = 	snop;
	(pc) =	sbr.rel @p1 .LBB2_45-.Ltmp39, $1  }
0x47a: {  	_ =	sdelay $0x3  }
.LBB2_46:
0x47b: {  	v25 =	vld [tilespmem:s4+$0x20F0];
	_ =	sdelay $0x1  }
0x47c: {  	s10 =	sor.u32 $0x70, s8  }
0x47d: {  	v26 =	vor.u32 s10, v1  }
0x47e: {  	vm2 =	vlt.s32 v26, v24  }
0x47f: {  	v25 =	vnsel vm2, $0x0, v25  }
0x480: {  	vm2 =	vgt.s32 v25, $0x0  }
0x481: {  	v26 =	vmpcnt.ones.xlane vm2;
	_ =	sdelay $0x1  }
0x482: {  	(v2sf) =	vpush v26, $0x0;
	_ =	sdelay $0xe  }
0x483: {  	s11 =	spop (v2sf)  }
0x484: {  	p1 =	slt.s32 s11, $0x1  }
.Ltmp40:
0x485: {  	_ = 	snop;
	(pc) =	sbr.rel @p1 .LBB2_48-.Ltmp40, $1  }
0x486: {  	_ =	sdelay $0x3  }
.LBB2_47:
0x487: {  	vm3 =	vgt.s32 v25, $0x1  }
0x488: {  	v25 =	vnsel vm3, $0x1, v25  }
0x489: {  	v26 =	vadd.s32 $0xFFFFFFFF, v25  }
0x48a: {  	v27 =	vshll.u32 v26, $0x3  }
0x48b: {  	v28 =	vand.u32 $0x7F, v26;
	v27 =	vand.u32 $0xFFFFFC00, v27  }
0x48c: {  	v27 =	vor.u32 v28, v27  }
0x48d: {  	v27 =	vadd.s32 v22, v27;
	_ =	sdelay $0x4  }
0x48e: {  	v27 =	vld.idx.msk [tilespmem:v27+s23+$0x0], vm2;
	_ =	sdelay $0x4  }
0x48f: {  	v27 =	vmul.f32 $1.442695020e+00, v27;
	_ =	sdelay $0x1  }
0x490: {  	v27 =	vnsel vm2, $0x0, v27  }
0x491: {  	(erf) = vpow2.f32 v27;
	_ =	sdelay $0x1  }
0x492: {  	v27 =	vmul.u32 $0x100, v1;
	_ =	sdelay $0x1  }
0x493: {  	v27 =	vadd.s32 $0xFFFFFFFF, v27  }
0x494: {  	v25 =	vadd.s32 v27, v25;
	_ =	sdelay $0x3  }
0x495: {  	v27 =	vpop (erf)  }
0x496: {  	[tilespmem:v25+s29+$0x0] =	vst.idx.add.f32.msk vm2, v27  }
0x497: {  	v25 =	vld.idx.msk [tilespmem:v26+s31+$0x0], $0xffff;
	_ =	sdelay $0x4  }
0x498: {  	v25 =	vnsel vm2, $0x0, v25  }
0x499: {  	vm2 =	vgt.s32 v25, $0x0  }
0x49a: {  	v26 =	vmpcnt.ones.xlane vm2;
	_ =	sdelay $0x1  }
0x49b: {  	(v2sf) =	vpush v26, $0x0;
	_ =	sdelay $0xe  }
0x49c: {  	s4 =	spop (v2sf)  }
0x49d: {  	p1 =	sgt.s32 s4, $0x0  }
.Ltmp41:
0x49e: {  	_ = 	snop;
	(pc) =	sbr.rel @p1 .LBB2_47-.Ltmp41, $1  }
0x49f: {  	_ =	sdelay $0x3  }
.Ltmp42:
0x4a0: {  	_ = 	snop;
	(pc) =	sbr.rel .LBB2_48-.Ltmp42, $1  }
0x4a1: {  	_ =	sdelay $0x3  }
.LBB2_49:
0x4a2: {  	s4 =	simm.s32 $0x12D80  }
0x4a3: {  	s8 =	simm.s32 $0x0;
	v24 =	vld [tilespmem:s4+$0x0]  }
0x4a4: {  	s28 =	sand.u32 $0xF0, s8  }
0x4a5: {  	v25 =	vld [tilespmem:s28+$0x12E80];
	_ =	sdelay $0x1  }
0x4a6: {  	v26 =	vld [tilespmem:s28+$0x12F80]  }
0x4a7: {  	v24 =	vadd.f32 $0.0e+00, v24  }
0x4a8: {  	v27 =	vld [tilespmem:s28+$0x13080]  }
0x4a9: {  	v24 =	vadd.f32 v25, v24  }
0x4aa: {  	v25 =	vld [tilespmem:s28+$0x13180]  }
0x4ab: {  	v24 =	vadd.f32 v26, v24  }
0x4ac: {  	v26 =	vld [tilespmem:s28+$0x13280]  }
0x4ad: {  	v24 =	vadd.f32 v27, v24  }
0x4ae: {  	v27 =	vld [tilespmem:s28+$0x13380]  }
0x4af: {  	v24 =	vadd.f32 v25, v24  }
0x4b0: {  	v25 =	vld [tilespmem:s28+$0x13480]  }
0x4b1: {  	v24 =	vadd.f32 v26, v24  }
0x4b2: {  	v26 =	vld [tilespmem:s28+$0x13580]  }
0x4b3: {  	v24 =	vadd.f32 v27, v24  }
0x4b4: {  	v27 =	vld [tilespmem:s28+$0x13680]  }
0x4b5: {  	v24 =	vadd.f32 v25, v24  }
0x4b6: {  	v25 =	vld [tilespmem:s28+$0x13780]  }
0x4b7: {  	v24 =	vadd.f32 v26, v24  }
0x4b8: {  	v26 =	vld [tilespmem:s28+$0x13880]  }
0x4b9: {  	v24 =	vadd.f32 v27, v24  }
0x4ba: {  	v27 =	vld [tilespmem:s28+$0x13980]  }
0x4bb: {  	v24 =	vadd.f32 v25, v24  }
0x4bc: {  	v25 =	vld [tilespmem:s28+$0x13A80]  }
0x4bd: {  	v24 =	vadd.f32 v26, v24  }
0x4be: {  	v26 =	vld [tilespmem:s28+$0x13B80]  }
0x4bf: {  	v24 =	vadd.f32 v27, v24  }
0x4c0: {  	v27 =	vld [tilespmem:s28+$0x13C80]  }
0x4c1: {  	v24 =	vadd.f32 v25, v24;
	_ =	sdelay $0x1  }
0x4c2: {  	v24 =	vadd.f32 v26, v24;
	_ =	sdelay $0x1  }
0x4c3: {  	v24 =	vadd.f32 v27, v24  }
0x4c4: {  	s4 =	simm.s32 $0x13D80  }
0x4c5: {  	s8 =	simm.s32 $0x12D90;
	[tilespmem:s4+$0x0] =	vst v24  }
0x4c6: {  	s9 =	simm.s32 $0x10;
	s10 =	simm.s32 $0x20;
	v24 =	vld [tilespmem:s8+$0x0]  }
.LBB2_50:
0x4c7: {  	p1 =	sne.s32 s10, $0xF0;
	s11 =	sand.u32 $0xF0, s9;
	s9 =	smov.u32 s10  }
0x4c8: {  	v25 =	vld [tilespmem:s11+$0x12E80];
	_ =	sdelay $0x1  }
0x4c9: {  	v26 =	vld [tilespmem:s11+$0x12F80]  }
0x4ca: {  	v24 =	vadd.f32 $0.0e+00, v24  }
0x4cb: {  	v27 =	vld [tilespmem:s11+$0x13080]  }
0x4cc: {  	v24 =	vadd.f32 v25, v24  }
0x4cd: {  	v25 =	vld [tilespmem:s11+$0x13180]  }
0x4ce: {  	v24 =	vadd.f32 v26, v24  }
0x4cf: {  	v26 =	vld [tilespmem:s11+$0x13280]  }
0x4d0: {  	v24 =	vadd.f32 v27, v24  }
0x4d1: {  	v27 =	vld [tilespmem:s11+$0x13380]  }
0x4d2: {  	v24 =	vadd.f32 v25, v24  }
0x4d3: {  	v25 =	vld [tilespmem:s11+$0x13480]  }
0x4d4: {  	v24 =	vadd.f32 v26, v24  }
0x4d5: {  	v26 =	vld [tilespmem:s11+$0x13580]  }
0x4d6: {  	v24 =	vadd.f32 v27, v24  }
0x4d7: {  	v27 =	vld [tilespmem:s11+$0x13680]  }
0x4d8: {  	v24 =	vadd.f32 v25, v24  }
0x4d9: {  	v25 =	vld [tilespmem:s11+$0x13780]  }
0x4da: {  	v24 =	vadd.f32 v26, v24  }
0x4db: {  	v26 =	vld [tilespmem:s11+$0x13880]  }
0x4dc: {  	v24 =	vadd.f32 v27, v24  }
0x4dd: {  	v27 =	vld [tilespmem:s11+$0x13980]  }
0x4de: {  	v24 =	vadd.f32 v25, v24  }
0x4df: {  	v25 =	vld [tilespmem:s11+$0x13A80]  }
0x4e0: {  	v24 =	vadd.f32 v26, v24  }
0x4e1: {  	v26 =	vld [tilespmem:s11+$0x13B80]  }
0x4e2: {  	v24 =	vadd.f32 v27, v24  }
0x4e3: {  	v27 =	vld [tilespmem:s11+$0x13C80]  }
0x4e4: {  	v24 =	vadd.f32 v25, v24;
	_ =	sdelay $0x1  }
0x4e5: {  	v24 =	vadd.f32 v26, v24  }
.Ltmp43:
0x4e6: {  	(pc) =	sbr.rel @p1 .LBB2_50-.Ltmp43, $4  }
0x4e7: {  	v24 =	vadd.f32 v27, v24  }
0x4e8: {  	s4 =	sadd.s32 $0x10, s4  }
0x4e9: {  	s8 =	sadd.s32 $0x10, s8;
	[tilespmem:s4+$0x0] =	vst v24  }
0x4ea: {  	s10 =	sadd.s32 $0x10, s10;
	v24 =	vld [tilespmem:s8+$0x0]  }
0x4eb: {  	s8 =	sand.u32 $0xF0, s9  }
0x4ec: {  	v25 =	vld [tilespmem:s8+$0x12E80];
	_ =	sdelay $0x1  }
0x4ed: {  	v26 =	vld [tilespmem:s8+$0x12F80]  }
0x4ee: {  	v24 =	vadd.f32 $0.0e+00, v24  }
0x4ef: {  	v27 =	vld [tilespmem:s8+$0x13080]  }
0x4f0: {  	v24 =	vadd.f32 v25, v24  }
0x4f1: {  	v43 =	vld [tilespmem:s8+$0x13180]  }
0x4f2: {  	v24 =	vadd.f32 v26, v24  }
0x4f3: {  	v44 =	vld [tilespmem:s8+$0x13280]  }
0x4f4: {  	v24 =	vadd.f32 v27, v24  }
0x4f5: {  	v45 =	vld [tilespmem:s8+$0x13380]  }
0x4f6: {  	v24 =	vadd.f32 v43, v24  }
0x4f7: {  	v46 =	vld [tilespmem:s8+$0x13480]  }
0x4f8: {  	v24 =	vadd.f32 v44, v24  }
0x4f9: {  	v47 =	vld [tilespmem:s8+$0x13580]  }
0x4fa: {  	v24 =	vadd.f32 v45, v24  }
0x4fb: {  	v48 =	vld [tilespmem:s8+$0x13680]  }
0x4fc: {  	v24 =	vadd.f32 v46, v24  }
0x4fd: {  	v49 =	vld [tilespmem:s8+$0x13780]  }
0x4fe: {  	v24 =	vadd.f32 v47, v24  }
0x4ff: {  	v50 =	vld [tilespmem:s8+$0x13880]  }
0x500: {  	v24 =	vadd.f32 v48, v24  }
0x501: {  	v51 =	vld [tilespmem:s8+$0x13980]  }
0x502: {  	v24 =	vadd.f32 v49, v24  }
0x503: {  	v52 =	vld [tilespmem:s8+$0x13A80]  }
0x504: {  	v24 =	vadd.f32 v50, v24  }
0x505: {  	v53 =	vld [tilespmem:s8+$0x13B80]  }
0x506: {  	v24 =	vadd.f32 v51, v24  }
0x507: {  	v54 =	vld [tilespmem:s8+$0x13C80]  }
0x508: {  	v24 =	vadd.f32 v52, v24;
	_ =	sdelay $0x1  }
0x509: {  	v24 =	vadd.f32 v53, v24;
	_ =	sdelay $0x1  }
0x50a: {  	v24 =	vadd.f32 v54, v24  }
0x50b: {  	s4 =	sadd.s32 $0x10, s4  }
0x50c: {  	[tilespmem:s4+$0x0] =	vst v24;
	s4 =	simm.s32 @!p0 $0x5  }
0x50d: {  	_ =	swait.ge @!p0 [sflag:s4], $0x1000  }
0x50e: {  	[sflag:s4] =	ssyncset.done @!p0 $0x0  }
0x50f: {  	[sflag:s4] =	ssyncadd.s32 @!p0 $0xFFFFF000;
	s4 =	simm.s32 @!p0 $0x13F80  }
0x510: {  	v24 =	vld.idx.msk @!p0 [tilespmem:v11+s4+$0x0], $0xffff;
	_ =	sdelay $0x4  }
0x511: {  	v24 =	vmul.f32 @!p0 $1.442695020e+00, v24;
	_ =	sdelay $0x1  }
0x512: {  	(erf) = vpow2.f32 @!p0 v24;
	_ =	sdelay $0x3  }
0x513: {  	s4 =	rddreg [dreg:$0x6]  }
0x514: {  	v24 =	vld @!p0 [tilespmem:s4+$0x13D80];
	_ =	sdelay $0x3  }
0x515: {  	v25 =	vpop @!p0 (erf)  }
0x516: {  	v24 =	vsub.f32 @!p0 v24, v25  }
0x517: {  	s9 =	simm.s32 $0x80  }
0x518: {  	s10 =	simm.s32 $0x13D80;
	s8 =	simm.s32 $0x400;
	s28 =	rddreg [dreg:$0x9];
	[tilespmem:s4+$0x13D80] =	vst @!p0 v24  }
0x519: {  	[spmem:s28] =	stream.strided.scatter [tilespmem:s10], [sflag:$0x6], $0x100, s8, s9, $0x38;
	[tilespmem:$0x15080] =	vst v63  }
0x51a: {  	_ =	swait.ge [sflag:s5], $0x100  }
0x51b: {  	[sflag:s5] =	ssyncset.done $0x0  }
0x51c: {  	[sflag:s5] =	ssyncadd.s32 $0xFFFFFF00  }
0x51d: {  	[bflag:$0x0] =	sbarrier.arrive $0xFFFF  }
0x51e: {  	s11 =	rddreg [dreg:$0x8]  }
0x51f: {  	[tilespmem:s24], [sflag:$0x6] =	stream.linear.gather [spmem:s11], $0x10, $0x38;
	[tilespmem:$0x15080] =	vst v63  }
0x520: {  	_ =	swait.ge [sflag:s5], $0x10  }
0x521: {  	[sflag:s5] =	ssyncset.done $0x0  }
0x522: {  	s26 =	rddreg [dreg:$0xa];
	[sflag:s5] =	ssyncadd.s32 $0xFFFFFFF0  }
0x523: {  	v55 =	vld [tilespmem:$0x13E80];
	[tilespmem:s24], [sflag:$0x6] =	stream.linear.gather [spmem:s26], $0x10, $0x38  }
0x524: {  	_ =	swait.ge [sflag:s5], $0x10  }
0x525: {  	[sflag:s5] =	ssyncset.done $0x0  }
0x526: {  	s28 =	rddreg [dreg:$0xb];
	[sflag:s5] =	ssyncadd.s32 $0xFFFFFFF0  }
0x527: {  	v56 =	vld [tilespmem:$0x13E80];
	[tilespmem:s24], [sflag:$0x6] =	stream.linear.gather [spmem:s28], $0x10, $0x38  }
0x528: {  	_ =	swait.ge [sflag:s5], $0x10  }
0x529: {  	[sflag:s5] =	ssyncset.done $0x0  }
0x52a: {  	s10 =	rddreg [dreg:$0xc];
	[sflag:s5] =	ssyncadd.s32 $0xFFFFFFF0  }
0x52b: {  	v57 =	vld [tilespmem:$0x13E80];
	[tilespmem:s24], [sflag:$0x6] =	stream.linear.gather [spmem:s10], $0x10, $0x38  }
0x52c: {  	_ =	swait.ge [sflag:s5], $0x10  }
0x52d: {  	[sflag:s5] =	ssyncset.done $0x0  }
0x52e: {  	s11 =	rddreg [dreg:$0xd];
	[sflag:s5] =	ssyncadd.s32 $0xFFFFFFF0  }
0x52f: {  	v58 =	vld [tilespmem:$0x13E80];
	[tilespmem:s24], [sflag:$0x6] =	stream.linear.gather [spmem:s11], $0x10, $0x38  }
0x530: {  	_ =	swait.ge [sflag:s5], $0x10  }
0x531: {  	[sflag:s5] =	ssyncset.done $0x0  }
0x532: {  	s26 =	rddreg [dreg:$0xe];
	[sflag:s5] =	ssyncadd.s32 $0xFFFFFFF0  }
0x533: {  	v28 =	vld [tilespmem:$0x13E80];
	[tilespmem:s24], [sflag:$0x6] =	stream.linear.gather [spmem:s26], $0x10, $0x38  }
0x534: {  	_ =	swait.ge [sflag:s5], $0x10  }
0x535: {  	[sflag:s5] =	ssyncset.done $0x0  }
0x536: {  	s28 =	rddreg [dreg:$0xf];
	[sflag:s5] =	ssyncadd.s32 $0xFFFFFFF0  }
0x537: {  	v29 =	vld [tilespmem:$0x13E80];
	[tilespmem:s24], [sflag:$0x6] =	stream.linear.gather [spmem:s28], $0x10, $0x38  }
0x538: {  	_ =	swait.ge [sflag:s5], $0x10  }
0x539: {  	[sflag:s5] =	ssyncset.done $0x0  }
0x53a: {  	s10 =	rddreg [dreg:$0x10];
	[sflag:s5] =	ssyncadd.s32 $0xFFFFFFF0  }
0x53b: {  	v30 =	vld [tilespmem:$0x13E80];
	[tilespmem:s24], [sflag:$0x6] =	stream.linear.gather [spmem:s10], $0x10, $0x38  }
0x53c: {  	_ =	swait.ge [sflag:s5], $0x10  }
0x53d: {  	[sflag:s5] =	ssyncset.done $0x0  }
0x53e: {  	s11 =	rddreg [dreg:$0x11];
	[sflag:s5] =	ssyncadd.s32 $0xFFFFFFF0  }
0x53f: {  	v31 =	vld [tilespmem:$0x13E80];
	[tilespmem:s24], [sflag:$0x6] =	stream.linear.gather [spmem:s11], $0x10, $0x38  }
0x540: {  	_ =	swait.ge [sflag:s5], $0x10  }
0x541: {  	[sflag:s5] =	ssyncset.done $0x0  }
0x542: {  	s26 =	rddreg [dreg:$0x12];
	[sflag:s5] =	ssyncadd.s32 $0xFFFFFFF0  }
0x543: {  	v32 =	vld [tilespmem:$0x13E80];
	[tilespmem:s24], [sflag:$0x6] =	stream.linear.gather [spmem:s26], $0x10, $0x38  }
0x544: {  	_ =	swait.ge [sflag:s5], $0x10  }
0x545: {  	[sflag:s5] =	ssyncset.done $0x0  }
0x546: {  	v24 =	vadd.f32 $0.0e+00, v55;
	s28 =	rddreg [dreg:$0x13];
	[sflag:s5] =	ssyncadd.s32 $0xFFFFFFF0  }
0x547: {  	v33 =	vld [tilespmem:$0x13E80];
	[tilespmem:s24], [sflag:$0x6] =	stream.linear.gather [spmem:s28], $0x10, $0x38  }
0x548: {  	v24 =	vadd.f32 v56, v24;
	_ =	swait.ge [sflag:s5], $0x10  }
0x549: {  	[sflag:s5] =	ssyncset.done $0x0  }
0x54a: {  	v24 =	vadd.f32 v57, v24;
	s10 =	rddreg [dreg:$0x14];
	[sflag:s5] =	ssyncadd.s32 $0xFFFFFFF0  }
0x54b: {  	v34 =	vld [tilespmem:$0x13E80];
	[tilespmem:s24], [sflag:$0x6] =	stream.linear.gather [spmem:s10], $0x10, $0x38  }
0x54c: {  	v24 =	vadd.f32 v58, v24;
	_ =	swait.ge [sflag:s5], $0x10  }
0x54d: {  	[sflag:s5] =	ssyncset.done $0x0  }
0x54e: {  	v24 =	vadd.f32 v28, v24;
	s11 =	rddreg [dreg:$0x15];
	[sflag:s5] =	ssyncadd.s32 $0xFFFFFFF0  }
0x54f: {  	v59 =	vld [tilespmem:$0x13E80];
	[tilespmem:s24], [sflag:$0x6] =	stream.linear.gather [spmem:s11], $0x10, $0x38  }
0x550: {  	v24 =	vadd.f32 v29, v24;
	_ =	swait.ge [sflag:s5], $0x10  }
0x551: {  	[sflag:s5] =	ssyncset.done $0x0  }
0x552: {  	v24 =	vadd.f32 v30, v24;
	s26 =	rddreg [dreg:$0x16];
	[sflag:s5] =	ssyncadd.s32 $0xFFFFFFF0  }
0x553: {  	v60 =	vld [tilespmem:$0x13E80];
	[tilespmem:s24], [sflag:$0x6] =	stream.linear.gather [spmem:s26], $0x10, $0x38  }
0x554: {  	v24 =	vadd.f32 v31, v24;
	_ =	swait.ge [sflag:s5], $0x10  }
0x555: {  	[sflag:s5] =	ssyncset.done $0x0  }
0x556: {  	v24 =	vadd.f32 v32, v24;
	s28 =	rddreg [dreg:$0x1a];
	[sflag:s5] =	ssyncadd.s32 $0xFFFFFFF0  }
0x557: {  	v61 =	vld [tilespmem:$0x13E80];
	[tilespmem:s24], [sflag:$0x6] =	stream.linear.gather [spmem:s28], $0x10, $0x38  }
0x558: {  	v24 =	vadd.f32 v33, v24;
	_ =	swait.ge [sflag:s5], $0x10  }
0x559: {  	[sflag:s5] =	ssyncset.done $0x0  }
0x55a: {  	v24 =	vadd.f32 v34, v24;
	s10 =	rddreg [dreg:$0x1b];
	[sflag:s5] =	ssyncadd.s32 $0xFFFFFFF0  }
0x55b: {  	v62 =	vld [tilespmem:$0x13E80];
	[tilespmem:s24], [sflag:$0x6] =	stream.linear.gather [spmem:s10], $0x10, $0x38  }
0x55c: {  	v24 =	vadd.f32 v59, v24;
	_ =	swait.ge [sflag:s5], $0x10  }
0x55d: {  	[sflag:s5] =	ssyncset.done $0x0  }
0x55e: {  	v24 =	vadd.f32 v60, v24;
	[sflag:s5] =	ssyncadd.s32 $0xFFFFFFF0  }
0x55f: {  	v63 =	vld [tilespmem:$0x13E80]  }
0x560: {  	v24 =	vadd.f32 v61, v24;
	_ =	sdelay $0x1  }
0x561: {  	v24 =	vadd.f32 v62, v24;
	_ =	sdelay $0x1  }
0x562: {  	v24 =	vadd.f32 v63, v24;
	_ =	sdelay $0x1  }
0x563: {  	s26 =	simm.s32 $0x13F00;
	s11 =	rddreg [dreg:$0x17];
	[tilespmem:$0x13F00] =	vst v24  }
0x564: {  	[hbm4b:s11+s6] =	stream.linear.scatter [tilespmem:s26], [sflag:$0x6], $0x10, $0x38;
	[tilespmem:$0x15080] =	vst v63  }
0x565: {  	_ =	swait.ge [sflag:s5], $0x10  }
0x566: {  	s25 =	sadd.s32 $0x1, s25;
	s28 =	rddreg [dreg:$0x18]  }
0x567: {  	p1 =	sne.s32 s25, s28  }
.Ltmp44:
0x568: {  	_ = 	snop;
	(pc) =	sbr.rel @p1 .LBB2_1-.Ltmp44, $3  }
0x569: {  	_ =	sdelay $0x1  }
0x56a: {  	[sflag:s5] =	ssyncset.done $0x0  }
0x56b: {  	[sflag:s5] =	ssyncadd.s32 $0xFFFFFFF0  }
0x56c: {  	_ =	sfence.sel $0x180000  }
0x56d: {  	[bflag:$0x0] =	sbarrier.arrive $0xFFFF  }
0x56e: {  	_ =	strace $0x90000047  }
0x56f: {  	s0 =	stileid.u32;
	[bflag:$0x2] =	sbarrier.arrive $0xFFFF  }
0x570: {  	p0 =	sne.s32 s0, $0x0;
	s0 =	rddreg [dreg:$0x5]  }
0x571: {  	s0 =	sadd.s32 @!p0 $0x100000, s0  }
0x572: {  	[sflag:s0] =	ssyncadd.tile.s32 @!p0 $0x1;
	_ =	shalt  }
.Lfunc_end2:
_tile_overlayer_lowered:
.L_overlay_start_2:
0x573: {  	(tag) =	ssettag $0x2  }
0x574: {  	s0 =	rddreg [dreg:$0x0];
	s2 =	stileid.u32  }
0x575: {  	s1 =	rddreg [dreg:$0x1];
	p0 =	sne.s32 s2, $0x0  }
0x576: {  	s3 =	rddreg [dreg:$0x2];
	[bflag:$0x3] =	sbarrier.arrive $0xFFFF;
	s2 =	simm.s32 @!p0 $0x1C06  }
0x577: {  	[timem:s3], [sflag:s2] =	dma.local @!p0 [hbm:s0], s1  }
0x578: {  	s0 =	simm.s32 @!p0 $0x6  }
0x579: {  	_ =	swait.ge @!p0 [sflag:s0], s1  }
0x57a: {  	s1 =	ssub.s32 @!p0 $0x0, s1;
	[sflag:s0] =	ssyncset.done @!p0 $0x0  }
0x57b: {  	[sflag:s0] =	ssyncadd.s32 @!p0 s1  }
0x57c: {  	[bflag:$0x3] =	sbarrier.arrive $0xFFFF  }
0x57d: {  	_ =	shalt  }

</sc_bundles>
